<compile_context>
chip_gen: v7x
topology: tpu7x:2x2x1
jax: 0.10.2.dev20260603
libtpu: 0.0.44.dev20260713+nightly
codegen_flags: <defaults>
</compile_context>

<pallas_src>
import jax
import jax.numpy as jnp
from jax import lax
from jax.experimental import pallas as pl
from jax.experimental.pallas import tpu as pltpu
from jax.experimental.pallas import tpu_sc as plsc

_N = 10000
_E = 320000
_D = 128
_NC = 2
_NS = 16
_NW = _NC * _NS
_CH = 128
_NCHUNK = 2560
_EPAD = _NCHUNK * _CH
_EPW = _NCHUNK // _NW
_B = 8
_NBLK = _EPW // _B
_NBUF = 2
_NP = 10240
_RPT = _NP // _NS
_R = 640
_NB = _NP // _R


def _build_agg(with_cnt):
    mesh = plsc.VectorSubcoreMesh(core_axis_name="c", subcore_axis_name="s")
    out_type = [jax.ShapeDtypeStruct((_NC * _NP, _D), jnp.float32)]
    scratch = [
        pltpu.VMEM((2, _B, _CH), jnp.int32),
        pltpu.VMEM((2, _B, _CH), jnp.int32),
        pltpu.VMEM((_NBUF, _CH, _D), jnp.float32),
        pltpu.VMEM_SHARED((_NP, _D), jnp.float32),
    ] + [pltpu.SemaphoreType.DMA] * (_NBUF + 1)
    if with_cnt:
        out_type.append(jax.ShapeDtypeStruct((_NW * _NP,), jnp.float32))
        scratch.append(pltpu.VMEM((_NP,), jnp.float32))

    def body(*refs):
        if with_cnt:
            (src_h, dst_h, tab_h, zrow_h,
             agg_h, hist_h,
             src_a, dst_a, rows, acc, *sems_all, hist) = refs
        else:
            (src_h, dst_h, tab_h, zrow_h,
             agg_h,
             src_a, dst_a, rows, acc, *sems_all) = refs
        gsems = sems_all[:_NBUF]
        sem_i = sems_all[_NBUF]
        c = lax.axis_index("c")
        s = lax.axis_index("s")
        wid = s * _NC + c
        base = s * _RPT
        brow0 = wid * _EPW

        def idx_block(kb, slot, do):
            r = brow0 + kb * _B
            a = pltpu.make_async_copy(src_h.at[pl.ds(r, _B)], src_a.at[slot],
                                      sem_i)
            b = pltpu.make_async_copy(dst_h.at[pl.ds(r, _B)], dst_a.at[slot],
                                      sem_i)
            if do == "start":
                a.start()
                b.start()
            else:
                a.wait()
                b.wait()

        pltpu.sync_copy(src_h.at[pl.ds(brow0, _B)], src_a.at[0])
        pltpu.sync_copy(dst_h.at[pl.ds(brow0, _B)], dst_a.at[0])
        pltpu.sync_copy(zrow_h.at[pl.ds(base, _RPT)], acc.at[pl.ds(base, _RPT)])
        if with_cnt:
            def zstep(i, carry):
                hist[pl.ds(i * 16, 16)] = jnp.zeros((16,), jnp.float32)
                return carry
            lax.fori_loop(0, _NP // 16, zstep, 0)
        plsc.subcore_barrier()

        pltpu.async_copy(tab_h.at[src_a.at[0, 0]], rows.at[0], gsems[0])
        pltpu.async_copy(tab_h.at[src_a.at[0, 1]], rows.at[1], gsems[1])
        idx_block(1, 1, "start")

        def step(kb, carry):
            cur = lax.rem(kb, 2)
            nxt = 1 - cur

            @pl.when(kb + 1 < _NBLK)
            def _():
                idx_block(kb + 1, nxt, "wait")

            for j in range(_B):
                b = j % _NBUF
                pltpu.make_async_copy(tab_h.at[src_a.at[cur, j]],
                                      rows.at[b], gsems[b]).wait()
                pltpu.sync_copy(rows.at[b], acc.at[dst_a.at[cur, j]],
                                add=True)
                if j < _B - 2:
                    pltpu.async_copy(tab_h.at[src_a.at[cur, j + 2]],
                                     rows.at[b], gsems[b])
                else:
                    @pl.when(kb + 1 < _NBLK)
                    def _():
                        pltpu.async_copy(tab_h.at[src_a.at[nxt, j + 2 - _B]],
                                         rows.at[b], gsems[b])
                if with_cnt:
                    for i in range(_CH // 16):
                        v = dst_a[cur, j, pl.ds(i * 16, 16)]
                        plsc.addupdate_scatter(
                            hist, [v], jnp.ones((16,), jnp.float32))

            @pl.when(kb + 2 < _NBLK)
            def _():
                idx_block(kb + 2, cur, "start")
            return carry

        lax.fori_loop(0, _NBLK, step, 0)
        plsc.subcore_barrier()
        orow = c * _NP + base
        pltpu.sync_copy(acc.at[pl.ds(base, _RPT)], agg_h.at[pl.ds(orow, _RPT)])
        if with_cnt:
            pltpu.sync_copy(hist, hist_h.at[pl.ds(wid * _NP, _NP)])

    return pl.kernel(body, out_type=tuple(out_type), mesh=mesh,
                     scratch_types=tuple(scratch),
                     compiler_params=pltpu.CompilerParams(
                         needs_layout_passes=not with_cnt))


_AGG_CNT = _build_agg(True)
_AGG = _build_agg(False)

_CONTRACT_T = (((1,), (1,)), ((), ()))


def _tc_layer1(aggP, hist, x, W1_l, b1, W1_r, W2_r):
    def body(a0, a1, h_r, x_r, wl, br, wr, w2r, h1_o, h1r_o, cnt_o):
        cnt = jnp.maximum(jnp.sum(h_r[...], axis=1, keepdims=True), 1.0)
        mean = (a0[...] + a1[...]) / cnt
        t = lax.dot_general(mean, wl[...], _CONTRACT_T,
                            preferred_element_type=jnp.float32)
        u = lax.dot_general(x_r[...], wr[...], _CONTRACT_T,
                            preferred_element_type=jnp.float32)
        h1 = jnp.maximum(t + br[...] + u, 0.0)
        h1_o[...] = h1
        h1r_o[...] = lax.dot_general(h1, w2r[...], _CONTRACT_T,
                                     preferred_element_type=jnp.float32)
        cnt_o[...] = cnt

    grid = (_NB,)
    return pl.pallas_call(
        body,
        grid=grid,
        in_specs=[
            pl.BlockSpec((_R, _D), lambda i: (i, 0)),
            pl.BlockSpec((_R, _D), lambda i: (i + _NB, 0)),
            pl.BlockSpec((_R, _NW), lambda i: (i, 0)),
            pl.BlockSpec((_R, _D), lambda i: (i, 0)),
            pl.BlockSpec((_D, _D), lambda i: (0, 0)),
            pl.BlockSpec((1, _D), lambda i: (0, 0)),
            pl.BlockSpec((_D, _D), lambda i: (0, 0)),
            pl.BlockSpec((_D, _D), lambda i: (0, 0)),
        ],
        out_specs=[
            pl.BlockSpec((_R, _D), lambda i: (i, 0)),
            pl.BlockSpec((_R, _D), lambda i: (i, 0)),
            pl.BlockSpec((_R, 1), lambda i: (i, 0)),
        ],
        out_shape=[
            jax.ShapeDtypeStruct((_NP, _D), jnp.float32),
            jax.ShapeDtypeStruct((_NP, _D), jnp.float32),
            jax.ShapeDtypeStruct((_NP, 1), jnp.float32),
        ],
    )(aggP, aggP, hist, x, W1_l, b1, W1_r, W2_r)


def _tc_layer2(aggP, cnt, h1r, W2_l, b2, W_out, b_out):
    def body(a0, a1, c_r, h1r_r, wl, br, wo, bo, y_o):
        mean = (a0[...] + a1[...]) / c_r[...]
        t = lax.dot_general(mean, wl[...], _CONTRACT_T,
                            preferred_element_type=jnp.float32)
        h2 = jnp.maximum(t + br[...] + h1r_r[...], 0.0)
        logit = jnp.sum(h2 * wo[...], axis=1, keepdims=True) + bo[0, 0]
        y_o[...] = jax.nn.sigmoid(logit)

    grid = (_NB,)
    return pl.pallas_call(
        body,
        grid=grid,
        in_specs=[
            pl.BlockSpec((_R, _D), lambda i: (i, 0)),
            pl.BlockSpec((_R, _D), lambda i: (i + _NB, 0)),
            pl.BlockSpec((_R, 1), lambda i: (i, 0)),
            pl.BlockSpec((_R, _D), lambda i: (i, 0)),
            pl.BlockSpec((_D, _D), lambda i: (0, 0)),
            pl.BlockSpec((1, _D), lambda i: (0, 0)),
            pl.BlockSpec((1, _D), lambda i: (0, 0)),
            pl.BlockSpec((1, 1), lambda i: (0, 0)),
        ],
        out_specs=[pl.BlockSpec((_R, 1), lambda i: (i, 0))],
        out_shape=[jax.ShapeDtypeStruct((_NP, 1), jnp.float32)],
    )(aggP, aggP, cnt, h1r, W2_l, b2, W_out, b_out)


def kernel(x, W1_l, b1_l, W1_r, W2_l, b2_l, W2_r, W_out, b_out, edge_index):
    npad = _EPAD - _E
    pad_src = (jnp.arange(npad, dtype=jnp.int32) * 997) % _N
    pad_dst = _N + (jnp.arange(npad, dtype=jnp.int32) % (_NP - _N))
    src = jnp.concatenate([edge_index[0], pad_src]).reshape(_NCHUNK, _CH)
    dst = jnp.concatenate([edge_index[1], pad_dst]).reshape(_NCHUNK, _CH)
    zrow = jnp.zeros((_NP, _D), jnp.float32)

    agg1, hist = _AGG_CNT(src, dst, x, zrow)
    hist = hist.reshape(_NW, _NP).T
    h1, h1r, cnt = _tc_layer1(agg1, hist, x, W1_l, b1_l.reshape(1, _D),
                              W1_r, W2_r)
    agg2 = _AGG(src, dst, h1, zrow)
    if isinstance(agg2, (tuple, list)):
        agg2 = agg2[0]
    y = _tc_layer2(agg2, cnt, h1r, W2_l, b2_l.reshape(1, _D),
                   W_out, b_out.reshape(1, 1))
    if isinstance(y, (tuple, list)):
        y = y[0]
    return y.reshape(_NP)[:_N]

# --- scband reference (transcript-rebuilt; emitter-appended) ---
"""Pipeline reference for scband-line-sage-8796093022474 (READ-ONLY COPY).

The authoritative reference and input builder live on the scoring server;
editing this copy changes nothing except your own understanding.
"""

import jax, jax.numpy as jnp
import numpy as np

N = 10000
E = 320000
D = 128
H = 128


def _sage_conv(x, src, dst, W_l, b_l, W_r, num_nodes):
    # PyG SAGEConv: mean-aggregate messages from src nodes at dst nodes,
    # then out = lin_l(aggr) + lin_r(x). lin_l has bias, lin_r does not.
    msg = x[src]
    agg = jax.ops.segment_sum(msg, dst, num_segments=num_nodes)
    cnt = jax.ops.segment_sum(jnp.ones((msg.shape[0],), x.dtype), dst, num_segments=num_nodes)
    mean = agg / jnp.clip(cnt, 1.0)[:, None]
    return mean @ W_l.T + b_l + x @ W_r.T


def setup_inputs(seed: int = 0) -> dict:
    key = jax.random.key(seed)
    ks = jax.random.split(key, 12)
    x = jax.random.normal(ks[0], (N, D), dtype=jnp.float32)
    edge_index = jax.random.randint(ks[1], (2, E), 0, N, dtype=jnp.int32)
    s1 = 1.0 / np.sqrt(D)
    s2 = 1.0 / np.sqrt(H)
    W1_l = jax.random.normal(ks[2], (H, D), dtype=jnp.float32) * s1
    b1_l = jnp.zeros((H,), dtype=jnp.float32)
    W1_r = jax.random.normal(ks[3], (H, D), dtype=jnp.float32) * s1
    W2_l = jax.random.normal(ks[4], (H, H), dtype=jnp.float32) * s2
    b2_l = jnp.zeros((H,), dtype=jnp.float32)
    W2_r = jax.random.normal(ks[5], (H, H), dtype=jnp.float32) * s2
    W_out = jax.random.normal(ks[6], (1, H), dtype=jnp.float32) * s2
    b_out = jnp.zeros((1,), dtype=jnp.float32)
    return {
        "x": x,
        "W1_l": W1_l, "b1_l": b1_l, "W1_r": W1_r,
        "W2_l": W2_l, "b2_l": b2_l, "W2_r": W2_r,
        "W_out": W_out, "b_out": b_out,
        "edge_index": edge_index,
    }


def reference(x, W1_l, b1_l, W1_r, W2_l, b2_l, W2_r, W_out, b_out, edge_index):
    src = edge_index[0]
    dst = edge_index[1]
    h = jax.nn.relu(_sage_conv(x, src, dst, W1_l, b1_l, W1_r, N))
    h = jax.nn.relu(_sage_conv(h, src, dst, W2_l, b2_l, W2_r, N))
    y = jax.nn.sigmoid(h @ W_out.T + b_out).squeeze(-1)
    return y

if __name__ == "__main__":
    import jax
    _d = setup_inputs()
    print(jax.jit(kernel)(*tuple(_d.values())))

</pallas_src>

<mosaic_0001>
#map = affine_map<(d0, d1) -> (0, 0)>
#map1 = affine_map<(d0, d1) -> (0)>
module attributes {stable_mosaic.version = 14 : i64} {
  func.func @body(%arg0: i32, %arg1: i32, %arg2: memref<2560x128xi32, #tpu.memory_space<hbm>>, %arg3: memref<2560x128xi32, #tpu.memory_space<hbm>>, %arg4: memref<10000x128xf32, #tpu.memory_space<hbm>>, %arg5: memref<10240x128xf32, #tpu.memory_space<hbm>>, %arg6: memref<20480x128xf32, #tpu.memory_space<hbm>>, %arg7: memref<327680xf32, #tpu.memory_space<hbm>>, %arg8: memref<2x8x128xi32, #tpu.memory_space<vmem>>, %arg9: memref<2x8x128xi32, #tpu.memory_space<vmem>>, %arg10: memref<2x128x128xf32, #tpu.memory_space<vmem>>, %arg11: memref<10240x128xf32, #tpu.memory_space<vmem_shared>>, %arg12: memref<!tpu.dma_semaphore, #tpu.memory_space<semaphore_mem>>, %arg13: memref<!tpu.dma_semaphore, #tpu.memory_space<semaphore_mem>>, %arg14: memref<!tpu.dma_semaphore, #tpu.memory_space<semaphore_mem>>, %arg15: memref<10240xf32, #tpu.memory_space<vmem>>) attributes {dimension_semantics = [#tpu.dimension_semantics<core_parallel>, #tpu.dimension_semantics<subcore_parallel>], iteration_bounds = array<i64: 2, 16>, scalar_prefetch = 0 : i64, scratch_operands = 8 : i64, tpu.core_type = #tpu.core_type<sc_vector_subcore>, window_params = [{transform_indices = #map}, {transform_indices = #map}, {transform_indices = #map}, {transform_indices = #map}, {transform_indices = #map}, {transform_indices = #map1}]} {
    %mul3A = arith.constant 2 : i32
    %mul3A_0 = arith.muli %arg1, %mul3A : i32
    %add3A = arith.addi %mul3A_0, %arg0 : i32
    %mul3A_1 = arith.constant 640 : i32
    %mul3A_2 = arith.muli %arg1, %mul3A_1 : i32
    %mul3A_3 = arith.constant 80 : i32
    %mul3A_4 = arith.muli %add3A, %mul3A_3 : i32
    %run_scoped3A = arith.constant 0 : i32
    "tpu.region"() ({
      %run_scoped3A_76 = tpu.sem_alloc : memref<!tpu.dma_semaphore, #tpu.memory_space<semaphore_mem>>
      %dma_start3A_77 = arith.constant 0 : i32
      %dma_start3A_78 = arith.constant 0 : i32
      %dma_start3A_79 = tpu.memref_slice %arg8[%run_scoped3A, %dma_start3A_77, %dma_start3A_78] : memref<2x8x128xi32, #tpu.memory_space<vmem>> -> memref<1x8x128xi32, #tpu.memory_space<vmem>>
      %dma_start3A_80 = tpu.memref_squeeze %dma_start3A_79 : memref<1x8x128xi32, #tpu.memory_space<vmem>> -> memref<8x128xi32, #tpu.memory_space<vmem>>
      %dma_start3A_81 = arith.constant 0 : i32
      %dma_start3A_82 = tpu.memref_slice %arg2[%mul3A_4, %dma_start3A_81] : memref<2560x128xi32, #tpu.memory_space<hbm>> -> memref<8x128xi32, #tpu.memory_space<hbm>>
      %dma_start3A_83 = arith.constant 0 : i32
      %dma_start3A_84 = arith.constant 0 : i32
      %dma_start3A_85 = tpu.memref_slice %arg8[%run_scoped3A, %dma_start3A_83, %dma_start3A_84] : memref<2x8x128xi32, #tpu.memory_space<vmem>> -> memref<1x8x128xi32, #tpu.memory_space<vmem>>
      %dma_start3A_86 = tpu.memref_squeeze %dma_start3A_85 : memref<1x8x128xi32, #tpu.memory_space<vmem>> -> memref<8x128xi32, #tpu.memory_space<vmem>>
      %dma_start3A_87 = arith.constant 0 : i32
      %dma_start3A_88 = tpu.memref_slice %arg2[%mul3A_4, %dma_start3A_87] : memref<2560x128xi32, #tpu.memory_space<hbm>> -> memref<8x128xi32, #tpu.memory_space<hbm>>
      tpu.enqueue_dma source(%dma_start3A_88 : memref<8x128xi32, #tpu.memory_space<hbm>>) target(%dma_start3A_86 : memref<8x128xi32, #tpu.memory_space<vmem>>) target_semaphore(%run_scoped3A_76 : memref<!tpu.dma_semaphore, #tpu.memory_space<semaphore_mem>>)
      %dma_wait3A = arith.constant 0 : i32
      %dma_wait3A_89 = arith.constant 0 : i32
      %dma_wait3A_90 = tpu.memref_slice %arg8[%run_scoped3A, %dma_wait3A, %dma_wait3A_89] : memref<2x8x128xi32, #tpu.memory_space<vmem>> -> memref<1x8x128xi32, #tpu.memory_space<vmem>>
      %dma_wait3A_91 = tpu.memref_squeeze %dma_wait3A_90 : memref<1x8x128xi32, #tpu.memory_space<vmem>> -> memref<8x128xi32, #tpu.memory_space<vmem>>
      %dma_wait3A_92 = arith.constant 0 : i32
      %dma_wait3A_93 = tpu.memref_slice %arg2[%mul3A_4, %dma_wait3A_92] : memref<2560x128xi32, #tpu.memory_space<hbm>> -> memref<8x128xi32, #tpu.memory_space<hbm>>
      %dma_wait3A_94 = arith.constant 0 : i32
      %dma_wait3A_95 = arith.constant 0 : i32
      %dma_wait3A_96 = tpu.memref_slice %arg8[%run_scoped3A, %dma_wait3A_94, %dma_wait3A_95] : memref<2x8x128xi32, #tpu.memory_space<vmem>> -> memref<1x8x128xi32, #tpu.memory_space<vmem>>
      %dma_wait3A_97 = tpu.memref_squeeze %dma_wait3A_96 : memref<1x8x128xi32, #tpu.memory_space<vmem>> -> memref<8x128xi32, #tpu.memory_space<vmem>>
      %dma_wait3A_98 = arith.constant 0 : i32
      %dma_wait3A_99 = tpu.memref_slice %arg2[%mul3A_4, %dma_wait3A_98] : memref<2560x128xi32, #tpu.memory_space<hbm>> -> memref<8x128xi32, #tpu.memory_space<hbm>>
      tpu.wait_dma2 semaphore(%run_scoped3A_76 : memref<!tpu.dma_semaphore, #tpu.memory_space<semaphore_mem>>) src(%dma_wait3A_99 : memref<8x128xi32, #tpu.memory_space<hbm>>) dst(%dma_wait3A_97 : memref<8x128xi32, #tpu.memory_space<vmem>>)
      tpu.yield
    }) : () -> ()
    %run_scoped3A_5 = arith.constant 0 : i32
    "tpu.region"() ({
      %run_scoped3A_76 = tpu.sem_alloc : memref<!tpu.dma_semaphore, #tpu.memory_space<semaphore_mem>>
      %dma_start3A_77 = arith.constant 0 : i32
      %dma_start3A_78 = arith.constant 0 : i32
      %dma_start3A_79 = tpu.memref_slice %arg9[%run_scoped3A_5, %dma_start3A_77, %dma_start3A_78] : memref<2x8x128xi32, #tpu.memory_space<vmem>> -> memref<1x8x128xi32, #tpu.memory_space<vmem>>
      %dma_start3A_80 = tpu.memref_squeeze %dma_start3A_79 : memref<1x8x128xi32, #tpu.memory_space<vmem>> -> memref<8x128xi32, #tpu.memory_space<vmem>>
      %dma_start3A_81 = arith.constant 0 : i32
      %dma_start3A_82 = tpu.memref_slice %arg3[%mul3A_4, %dma_start3A_81] : memref<2560x128xi32, #tpu.memory_space<hbm>> -> memref<8x128xi32, #tpu.memory_space<hbm>>
      %dma_start3A_83 = arith.constant 0 : i32
      %dma_start3A_84 = arith.constant 0 : i32
      %dma_start3A_85 = tpu.memref_slice %arg9[%run_scoped3A_5, %dma_start3A_83, %dma_start3A_84] : memref<2x8x128xi32, #tpu.memory_space<vmem>> -> memref<1x8x128xi32, #tpu.memory_space<vmem>>
      %dma_start3A_86 = tpu.memref_squeeze %dma_start3A_85 : memref<1x8x128xi32, #tpu.memory_space<vmem>> -> memref<8x128xi32, #tpu.memory_space<vmem>>
      %dma_start3A_87 = arith.constant 0 : i32
      %dma_start3A_88 = tpu.memref_slice %arg3[%mul3A_4, %dma_start3A_87] : memref<2560x128xi32, #tpu.memory_space<hbm>> -> memref<8x128xi32, #tpu.memory_space<hbm>>
      tpu.enqueue_dma source(%dma_start3A_88 : memref<8x128xi32, #tpu.memory_space<hbm>>) target(%dma_start3A_86 : memref<8x128xi32, #tpu.memory_space<vmem>>) target_semaphore(%run_scoped3A_76 : memref<!tpu.dma_semaphore, #tpu.memory_space<semaphore_mem>>)
      %dma_wait3A = arith.constant 0 : i32
      %dma_wait3A_89 = arith.constant 0 : i32
      %dma_wait3A_90 = tpu.memref_slice %arg9[%run_scoped3A_5, %dma_wait3A, %dma_wait3A_89] : memref<2x8x128xi32, #tpu.memory_space<vmem>> -> memref<1x8x128xi32, #tpu.memory_space<vmem>>
      %dma_wait3A_91 = tpu.memref_squeeze %dma_wait3A_90 : memref<1x8x128xi32, #tpu.memory_space<vmem>> -> memref<8x128xi32, #tpu.memory_space<vmem>>
      %dma_wait3A_92 = arith.constant 0 : i32
      %dma_wait3A_93 = tpu.memref_slice %arg3[%mul3A_4, %dma_wait3A_92] : memref<2560x128xi32, #tpu.memory_space<hbm>> -> memref<8x128xi32, #tpu.memory_space<hbm>>
      %dma_wait3A_94 = arith.constant 0 : i32
      %dma_wait3A_95 = arith.constant 0 : i32
      %dma_wait3A_96 = tpu.memref_slice %arg9[%run_scoped3A_5, %dma_wait3A_94, %dma_wait3A_95] : memref<2x8x128xi32, #tpu.memory_space<vmem>> -> memref<1x8x128xi32, #tpu.memory_space<vmem>>
      %dma_wait3A_97 = tpu.memref_squeeze %dma_wait3A_96 : memref<1x8x128xi32, #tpu.memory_space<vmem>> -> memref<8x128xi32, #tpu.memory_space<vmem>>
      %dma_wait3A_98 = arith.constant 0 : i32
      %dma_wait3A_99 = tpu.memref_slice %arg3[%mul3A_4, %dma_wait3A_98] : memref<2560x128xi32, #tpu.memory_space<hbm>> -> memref<8x128xi32, #tpu.memory_space<hbm>>
      tpu.wait_dma2 semaphore(%run_scoped3A_76 : memref<!tpu.dma_semaphore, #tpu.memory_space<semaphore_mem>>) src(%dma_wait3A_99 : memref<8x128xi32, #tpu.memory_space<hbm>>) dst(%dma_wait3A_97 : memref<8x128xi32, #tpu.memory_space<vmem>>)
      tpu.yield
    }) : () -> ()
    "tpu.region"() ({
      %run_scoped3A_76 = tpu.sem_alloc : memref<!tpu.dma_semaphore, #tpu.memory_space<semaphore_mem>>
      %dma_start3A_77 = arith.constant 0 : i32
      %dma_start3A_78 = tpu.memref_slice %arg11[%mul3A_2, %dma_start3A_77] : memref<10240x128xf32, #tpu.memory_space<vmem_shared>> -> memref<640x128xf32, #tpu.memory_space<vmem_shared>>
      %dma_start3A_79 = arith.constant 0 : i32
      %dma_start3A_80 = tpu.memref_slice %arg5[%mul3A_2, %dma_start3A_79] : memref<10240x128xf32, #tpu.memory_space<hbm>> -> memref<640x128xf32, #tpu.memory_space<hbm>>
      tpu.enqueue_dma source(%dma_start3A_80 : memref<640x128xf32, #tpu.memory_space<hbm>>) target(%dma_start3A_78 : memref<640x128xf32, #tpu.memory_space<vmem_shared>>) target_semaphore(%run_scoped3A_76 : memref<!tpu.dma_semaphore, #tpu.memory_space<semaphore_mem>>)
      %dma_wait3A = arith.constant 0 : i32
      %dma_wait3A_81 = tpu.memref_slice %arg11[%mul3A_2, %dma_wait3A] : memref<10240x128xf32, #tpu.memory_space<vmem_shared>> -> memref<640x128xf32, #tpu.memory_space<vmem_shared>>
      %dma_wait3A_82 = arith.constant 0 : i32
      %dma_wait3A_83 = tpu.memref_slice %arg5[%mul3A_2, %dma_wait3A_82] : memref<10240x128xf32, #tpu.memory_space<hbm>> -> memref<640x128xf32, #tpu.memory_space<hbm>>
      tpu.wait_dma2 semaphore(%run_scoped3A_76 : memref<!tpu.dma_semaphore, #tpu.memory_space<semaphore_mem>>) src(%dma_wait3A_83 : memref<640x128xf32, #tpu.memory_space<hbm>>) dst(%dma_wait3A_81 : memref<640x128xf32, #tpu.memory_space<vmem_shared>>)
      tpu.yield
    }) : () -> ()
    %scan3A = arith.constant 0 : i32
    %scan3A_6 = arith.constant 0 : i32
    %scan3A_7 = arith.constant 640 : i32
    %scan3A_8 = arith.addi %scan3A_6, %scan3A_7 : i32
    %scan3A_9 = arith.constant 1 : i32
    scf.for %scan3A_76 = %scan3A_6 to %scan3A_8 step %scan3A_9  : i32 {
      %broadcast_in_dim3A = arith.constant 0.000000e+00 : f32
      %broadcast_in_dim3A_77 = vector.broadcast %broadcast_in_dim3A : f32 to vector<16xf32>
      %mul3A_78 = arith.constant 16 : i32
      %mul3A_79 = arith.muli %scan3A_76, %mul3A_78 : i32
      %swap3A = arith.index_cast %mul3A_79 : i32 to index
      %swap3A_80 = tpu.vector_load %arg15[%swap3A] {strides = array<i32>} : memref<10240xf32, #tpu.memory_space<vmem>>, vector<16xf32>,
      tpu.vector_store %arg15[%swap3A], %broadcast_in_dim3A_77 {strides = array<i32>} : memref<10240xf32, #tpu.memory_space<vmem>>, vector<16xf32>,
    }
    %scan3A_10 = arith.constant 640 : i32
    %barrier3A = arith.constant 0 : index
    tpu.barrier barrier_id(%barrier3A)
    %dma_start3A = arith.constant 0 : i32
    %dma_start3A_11 = arith.constant 0 : i32
    %dma_start3A_12 = arith.constant 0 : i32
    %dma_start3A_13 = arith.constant 0 : i32
    %dma_start3A_14 = arith.constant 0 : i32
    %dma_start3A_15 = tpu.memref_slice %arg10[%dma_start3A_12, %dma_start3A_13, %dma_start3A_14] : memref<2x128x128xf32, #tpu.memory_space<vmem>> -> memref<1x128x128xf32, #tpu.memory_space<vmem>>
    %dma_start3A_16 = tpu.memref_squeeze %dma_start3A_15 : memref<1x128x128xf32, #tpu.memory_space<vmem>> -> memref<128x128xf32, #tpu.memory_space<vmem>>
    %dma_start3A_17 = arith.constant 0 : i32
    %dma_start3A_18 = tpu.memref_slice %arg8[%dma_start3A, %dma_start3A_11, %dma_start3A_17] : memref<2x8x128xi32, #tpu.memory_space<vmem>> -> memref<1x1x128xi32, #tpu.memory_space<vmem>>
    %dma_start3A_19 = tpu.memref_squeeze %dma_start3A_18 : memref<1x1x128xi32, #tpu.memory_space<vmem>> -> memref<128xi32, #tpu.memory_space<vmem>>
    %dma_start3A_20 = arith.constant 0 : i32
    %dma_start3A_21 = arith.constant 0 : i32
    %dma_start3A_22 = tpu.memref_slice %arg4[%dma_start3A_20, %dma_start3A_21] : memref<10000x128xf32, #tpu.memory_space<hbm>> -> memref<10000x128xf32, #tpu.memory_space<hbm>>
    tpu.enqueue_indirect_dma source(%dma_start3A_22 : memref<10000x128xf32, #tpu.memory_space<hbm>>) target(%dma_start3A_16 : memref<128x128xf32, #tpu.memory_space<vmem>>) offsets(%dma_start3A_19 : memref<128xi32, #tpu.memory_space<vmem>>) semaphore(%arg12 : memref<!tpu.dma_semaphore, #tpu.memory_space<semaphore_mem>>)
    %dma_start3A_23 = arith.constant 0 : i32
    %dma_start3A_24 = arith.constant 1 : i32
    %dma_start3A_25 = arith.constant 1 : i32
    %dma_start3A_26 = arith.constant 0 : i32
    %dma_start3A_27 = arith.constant 0 : i32
    %dma_start3A_28 = tpu.memref_slice %arg10[%dma_start3A_25, %dma_start3A_26, %dma_start3A_27] : memref<2x128x128xf32, #tpu.memory_space<vmem>> -> memref<1x128x128xf32, #tpu.memory_space<vmem>>
    %dma_start3A_29 = tpu.memref_squeeze %dma_start3A_28 : memref<1x128x128xf32, #tpu.memory_space<vmem>> -> memref<128x128xf32, #tpu.memory_space<vmem>>
    %dma_start3A_30 = arith.constant 0 : i32
    %dma_start3A_31 = tpu.memref_slice %arg8[%dma_start3A_23, %dma_start3A_24, %dma_start3A_30] : memref<2x8x128xi32, #tpu.memory_space<vmem>> -> memref<1x1x128xi32, #tpu.memory_space<vmem>>
    %dma_start3A_32 = tpu.memref_squeeze %dma_start3A_31 : memref<1x1x128xi32, #tpu.memory_space<vmem>> -> memref<128xi32, #tpu.memory_space<vmem>>
    %dma_start3A_33 = arith.constant 0 : i32
    %dma_start3A_34 = arith.constant 0 : i32
    %dma_start3A_35 = tpu.memref_slice %arg4[%dma_start3A_33, %dma_start3A_34] : memref<10000x128xf32, #tpu.memory_space<hbm>> -> memref<10000x128xf32, #tpu.memory_space<hbm>>
    tpu.enqueue_indirect_dma source(%dma_start3A_35 : memref<10000x128xf32, #tpu.memory_space<hbm>>) target(%dma_start3A_29 : memref<128x128xf32, #tpu.memory_space<vmem>>) offsets(%dma_start3A_32 : memref<128xi32, #tpu.memory_space<vmem>>) semaphore(%arg13 : memref<!tpu.dma_semaphore, #tpu.memory_space<semaphore_mem>>)
    %add3A_36 = arith.constant 8 : i32
    %add3A_37 = arith.addi %mul3A_4, %add3A_36 : i32
    %dma_start3A_38 = arith.constant 1 : i32
    %dma_start3A_39 = arith.constant 0 : i32
    %dma_start3A_40 = arith.constant 0 : i32
    %dma_start3A_41 = tpu.memref_slice %arg8[%dma_start3A_38, %dma_start3A_39, %dma_start3A_40] : memref<2x8x128xi32, #tpu.memory_space<vmem>> -> memref<1x8x128xi32, #tpu.memory_space<vmem>>
    %dma_start3A_42 = tpu.memref_squeeze %dma_start3A_41 : memref<1x8x128xi32, #tpu.memory_space<vmem>> -> memref<8x128xi32, #tpu.memory_space<vmem>>
    %dma_start3A_43 = arith.constant 0 : i32
    %dma_start3A_44 = tpu.memref_slice %arg2[%add3A_37, %dma_start3A_43] : memref<2560x128xi32, #tpu.memory_space<hbm>> -> memref<8x128xi32, #tpu.memory_space<hbm>>
    %dma_start3A_45 = arith.constant 0 : i32
    %dma_start3A_46 = arith.constant 0 : i32
    %dma_start3A_47 = tpu.memref_slice %arg8[%dma_start3A_38, %dma_start3A_45, %dma_start3A_46] : memref<2x8x128xi32, #tpu.memory_space<vmem>> -> memref<1x8x128xi32, #tpu.memory_space<vmem>>
    %dma_start3A_48 = tpu.memref_squeeze %dma_start3A_47 : memref<1x8x128xi32, #tpu.memory_space<vmem>> -> memref<8x128xi32, #tpu.memory_space<vmem>>
    %dma_start3A_49 = arith.constant 0 : i32
    %dma_start3A_50 = tpu.memref_slice %arg2[%add3A_37, %dma_start3A_49] : memref<2560x128xi32, #tpu.memory_space<hbm>> -> memref<8x128xi32, #tpu.memory_space<hbm>>
    tpu.enqueue_dma source(%dma_start3A_50 : memref<8x128xi32, #tpu.memory_space<hbm>>) target(%dma_start3A_48 : memref<8x128xi32, #tpu.memory_space<vmem>>) target_semaphore(%arg14 : memref<!tpu.dma_semaphore, #tpu.memory_space<semaphore_mem>>)
    %dma_start3A_51 = arith.constant 1 : i32
    %dma_start3A_52 = arith.constant 0 : i32
    %dma_start3A_53 = arith.constant 0 : i32
    %dma_start3A_54 = tpu.memref_slice %arg9[%dma_start3A_51, %dma_start3A_52, %dma_start3A_53] : memref<2x8x128xi32, #tpu.memory_space<vmem>> -> memref<1x8x128xi32, #tpu.memory_space<vmem>>
    %dma_start3A_55 = tpu.memref_squeeze %dma_start3A_54 : memref<1x8x128xi32, #tpu.memory_space<vmem>> -> memref<8x128xi32, #tpu.memory_space<vmem>>
    %dma_start3A_56 = arith.constant 0 : i32
    %dma_start3A_57 = tpu.memref_slice %arg3[%add3A_37, %dma_start3A_56] : memref<2560x128xi32, #tpu.memory_space<hbm>> -> memref<8x128xi32, #tpu.memory_space<hbm>>
    %dma_start3A_58 = arith.constant 0 : i32
    %dma_start3A_59 = arith.constant 0 : i32
    %dma_start3A_60 = tpu.memref_slice %arg9[%dma_start3A_51, %dma_start3A_58, %dma_start3A_59] : memref<2x8x128xi32, #tpu.memory_space<vmem>> -> memref<1x8x128xi32, #tpu.memory_space<vmem>>
    %dma_start3A_61 = tpu.memref_squeeze %dma_start3A_60 : memref<1x8x128xi32, #tpu.memory_space<vmem>> -> memref<8x128xi32, #tpu.memory_space<vmem>>
    %dma_start3A_62 = arith.constant 0 : i32
    %dma_start3A_63 = tpu.memref_slice %arg3[%add3A_37, %dma_start3A_62] : memref<2560x128xi32, #tpu.memory_space<hbm>> -> memref<8x128xi32, #tpu.memory_space<hbm>>
    tpu.enqueue_dma source(%dma_start3A_63 : memref<8x128xi32, #tpu.memory_space<hbm>>) target(%dma_start3A_61 : memref<8x128xi32, #tpu.memory_space<vmem>>) target_semaphore(%arg14 : memref<!tpu.dma_semaphore, #tpu.memory_space<semaphore_mem>>)
    %scan3A_64 = arith.constant 0 : i32
    %scan3A_65 = arith.constant 0 : i32
    %scan3A_66 = arith.constant 10 : i32
    %scan3A_67 = arith.addi %scan3A_65, %scan3A_66 : i32
    %scan3A_68 = arith.constant 1 : i32
    scf.for %scan3A_76 = %scan3A_65 to %scan3A_67 step %scan3A_68  : i32 {
      %rem3A = arith.constant 2 : i32
      %rem3A_77 = arith.remsi %scan3A_76, %rem3A : i32
      %sub3A = arith.constant 1 : i32
      %sub3A_78 = arith.subi %sub3A, %rem3A_77 : i32
      %add3A_79 = arith.constant 1 : i32
      %add3A_80 = arith.addi %scan3A_76, %add3A_79 : i32
      %lt3A = arith.constant 10 : i32
      %lt3A_81 = arith.cmpi slt, %add3A_80, %lt3A : i32
      %convert_element_type3A = arith.extui %lt3A_81 : i1 to i32
      %cond3A = arith.constant 0 : i32
      %cond3A_82 = arith.cmpi ne, %convert_element_type3A, %cond3A : i32
      scf.if %cond3A_82 {
        %add3A_733 = arith.constant 1 : i32
        %add3A_734 = arith.addi %scan3A_76, %add3A_733 : i32
        %mul3A_735 = arith.constant 8 : i32
        %mul3A_736 = arith.muli %add3A_734, %mul3A_735 : i32
        %add3A_737 = arith.addi %mul3A_4, %mul3A_736 : i32
        %dma_wait3A_738 = arith.constant 0 : i32
        %dma_wait3A_739 = arith.constant 0 : i32
        %dma_wait3A_740 = tpu.memref_slice %arg8[%sub3A_78, %dma_wait3A_738, %dma_wait3A_739] : memref<2x8x128xi32, #tpu.memory_space<vmem>> -> memref<1x8x128xi32, #tpu.memory_space<vmem>>
        %dma_wait3A_741 = tpu.memref_squeeze %dma_wait3A_740 : memref<1x8x128xi32, #tpu.memory_space<vmem>> -> memref<8x128xi32, #tpu.memory_space<vmem>>
        %dma_wait3A_742 = arith.constant 0 : i32
        %dma_wait3A_743 = tpu.memref_slice %arg2[%add3A_737, %dma_wait3A_742] : memref<2560x128xi32, #tpu.memory_space<hbm>> -> memref<8x128xi32, #tpu.memory_space<hbm>>
        %dma_wait3A_744 = arith.constant 0 : i32
        %dma_wait3A_745 = arith.constant 0 : i32
        %dma_wait3A_746 = tpu.memref_slice %arg8[%sub3A_78, %dma_wait3A_744, %dma_wait3A_745] : memref<2x8x128xi32, #tpu.memory_space<vmem>> -> memref<1x8x128xi32, #tpu.memory_space<vmem>>
        %dma_wait3A_747 = tpu.memref_squeeze %dma_wait3A_746 : memref<1x8x128xi32, #tpu.memory_space<vmem>> -> memref<8x128xi32, #tpu.memory_space<vmem>>
        %dma_wait3A_748 = arith.constant 0 : i32
        %dma_wait3A_749 = tpu.memref_slice %arg2[%add3A_737, %dma_wait3A_748] : memref<2560x128xi32, #tpu.memory_space<hbm>> -> memref<8x128xi32, #tpu.memory_space<hbm>>
        tpu.wait_dma2 semaphore(%arg14 : memref<!tpu.dma_semaphore, #tpu.memory_space<semaphore_mem>>) src(%dma_wait3A_749 : memref<8x128xi32, #tpu.memory_space<hbm>>) dst(%dma_wait3A_747 : memref<8x128xi32, #tpu.memory_space<vmem>>)
        %dma_wait3A_750 = arith.constant 0 : i32
        %dma_wait3A_751 = arith.constant 0 : i32
        %dma_wait3A_752 = tpu.memref_slice %arg9[%sub3A_78, %dma_wait3A_750, %dma_wait3A_751] : memref<2x8x128xi32, #tpu.memory_space<vmem>> -> memref<1x8x128xi32, #tpu.memory_space<vmem>>
        %dma_wait3A_753 = tpu.memref_squeeze %dma_wait3A_752 : memref<1x8x128xi32, #tpu.memory_space<vmem>> -> memref<8x128xi32, #tpu.memory_space<vmem>>
        %dma_wait3A_754 = arith.constant 0 : i32
        %dma_wait3A_755 = tpu.memref_slice %arg3[%add3A_737, %dma_wait3A_754] : memref<2560x128xi32, #tpu.memory_space<hbm>> -> memref<8x128xi32, #tpu.memory_space<hbm>>
        %dma_wait3A_756 = arith.constant 0 : i32
        %dma_wait3A_757 = arith.constant 0 : i32
        %dma_wait3A_758 = tpu.memref_slice %arg9[%sub3A_78, %dma_wait3A_756, %dma_wait3A_757] : memref<2x8x128xi32, #tpu.memory_space<vmem>> -> memref<1x8x128xi32, #tpu.memory_space<vmem>>
        %dma_wait3A_759 = tpu.memref_squeeze %dma_wait3A_758 : memref<1x8x128xi32, #tpu.memory_space<vmem>> -> memref<8x128xi32, #tpu.memory_space<vmem>>
        %dma_wait3A_760 = arith.constant 0 : i32
        %dma_wait3A_761 = tpu.memref_slice %arg3[%add3A_737, %dma_wait3A_760] : memref<2560x128xi32, #tpu.memory_space<hbm>> -> memref<8x128xi32, #tpu.memory_space<hbm>>
        tpu.wait_dma2 semaphore(%arg14 : memref<!tpu.dma_semaphore, #tpu.memory_space<semaphore_mem>>) src(%dma_wait3A_761 : memref<8x128xi32, #tpu.memory_space<hbm>>) dst(%dma_wait3A_759 : memref<8x128xi32, #tpu.memory_space<vmem>>)
      } else {
      }
      %dma_wait3A = arith.constant 0 : i32
      %dma_wait3A_83 = arith.constant 0 : i32
      %dma_wait3A_84 = arith.constant 0 : i32
      %dma_wait3A_85 = arith.constant 0 : i32
      %dma_wait3A_86 = tpu.memref_slice %arg10[%dma_wait3A_83, %dma_wait3A_84, %dma_wait3A_85] : memref<2x128x128xf32, #tpu.memory_space<vmem>> -> memref<1x128x128xf32, #tpu.memory_space<vmem>>
      %dma_wait3A_87 = tpu.memref_squeeze %dma_wait3A_86 : memref<1x128x128xf32, #tpu.memory_space<vmem>> -> memref<128x128xf32, #tpu.memory_space<vmem>>
      %dma_wait3A_88 = arith.constant 0 : i32
      %dma_wait3A_89 = tpu.memref_slice %arg8[%rem3A_77, %dma_wait3A, %dma_wait3A_88] : memref<2x8x128xi32, #tpu.memory_space<vmem>> -> memref<1x1x128xi32, #tpu.memory_space<vmem>>
      %dma_wait3A_90 = tpu.memref_squeeze %dma_wait3A_89 : memref<1x1x128xi32, #tpu.memory_space<vmem>> -> memref<128xi32, #tpu.memory_space<vmem>>
      %dma_wait3A_91 = arith.constant 0 : i32
      %dma_wait3A_92 = arith.constant 0 : i32
      %dma_wait3A_93 = tpu.memref_slice %arg4[%dma_wait3A_91, %dma_wait3A_92] : memref<10000x128xf32, #tpu.memory_space<hbm>> -> memref<10000x128xf32, #tpu.memory_space<hbm>>
      tpu.wait_indirect_dma semaphore(%arg12 : memref<!tpu.dma_semaphore, #tpu.memory_space<semaphore_mem>>) src(%dma_wait3A_93 : memref<10000x128xf32, #tpu.memory_space<hbm>>) dst(%dma_wait3A_87 : memref<128x128xf32, #tpu.memory_space<vmem>>)
      %run_scoped3A_94 = arith.constant 0 : i32
      %run_scoped3A_95 = arith.constant 0 : i32
      "tpu.region"() ({
        %run_scoped3A_733 = tpu.sem_alloc : memref<!tpu.dma_semaphore, #tpu.memory_space<semaphore_mem>>
        %dma_start3A_734 = arith.constant 0 : i32
        %dma_start3A_735 = arith.constant 0 : i32
        %dma_start3A_736 = tpu.memref_slice %arg10[%run_scoped3A_94, %dma_start3A_734, %dma_start3A_735] : memref<2x128x128xf32, #tpu.memory_space<vmem>> -> memref<1x128x128xf32, #tpu.memory_space<vmem>>
        %dma_start3A_737 = tpu.memref_squeeze %dma_start3A_736 : memref<1x128x128xf32, #tpu.memory_space<vmem>> -> memref<128x128xf32, #tpu.memory_space<vmem>>
        %dma_start3A_738 = arith.constant 0 : i32
        %dma_start3A_739 = tpu.memref_slice %arg9[%rem3A_77, %run_scoped3A_95, %dma_start3A_738] : memref<2x8x128xi32, #tpu.memory_space<vmem>> -> memref<1x1x128xi32, #tpu.memory_space<vmem>>
        %dma_start3A_740 = tpu.memref_squeeze %dma_start3A_739 : memref<1x1x128xi32, #tpu.memory_space<vmem>> -> memref<128xi32, #tpu.memory_space<vmem>>
        %dma_start3A_741 = arith.constant 0 : i32
        %dma_start3A_742 = arith.constant 0 : i32
        %dma_start3A_743 = tpu.memref_slice %arg11[%dma_start3A_741, %dma_start3A_742] : memref<10240x128xf32, #tpu.memory_space<vmem_shared>> -> memref<10240x128xf32, #tpu.memory_space<vmem_shared>>
        tpu.enqueue_indirect_dma source(%dma_start3A_737 : memref<128x128xf32, #tpu.memory_space<vmem>>) target(%dma_start3A_743 : memref<10240x128xf32, #tpu.memory_space<vmem_shared>>) offsets(%dma_start3A_740 : memref<128xi32, #tpu.memory_space<vmem>>) semaphore(%run_scoped3A_733 : memref<!tpu.dma_semaphore, #tpu.memory_space<semaphore_mem>>) {add = true}
        %dma_wait3A_744 = arith.constant 0 : i32
        %dma_wait3A_745 = arith.constant 0 : i32
        %dma_wait3A_746 = tpu.memref_slice %arg10[%run_scoped3A_94, %dma_wait3A_744, %dma_wait3A_745] : memref<2x128x128xf32, #tpu.memory_space<vmem>> -> memref<1x128x128xf32, #tpu.memory_space<vmem>>
        %dma_wait3A_747 = tpu.memref_squeeze %dma_wait3A_746 : memref<1x128x128xf32, #tpu.memory_space<vmem>> -> memref<128x128xf32, #tpu.memory_space<vmem>>
        %dma_wait3A_748 = arith.constant 0 : i32
        %dma_wait3A_749 = tpu.memref_slice %arg9[%rem3A_77, %run_scoped3A_95, %dma_wait3A_748] : memref<2x8x128xi32, #tpu.memory_space<vmem>> -> memref<1x1x128xi32, #tpu.memory_space<vmem>>
        %dma_wait3A_750 = tpu.memref_squeeze %dma_wait3A_749 : memref<1x1x128xi32, #tpu.memory_space<vmem>> -> memref<128xi32, #tpu.memory_space<vmem>>
        %dma_wait3A_751 = arith.constant 0 : i32
        %dma_wait3A_752 = arith.constant 0 : i32
        %dma_wait3A_753 = tpu.memref_slice %arg11[%dma_wait3A_751, %dma_wait3A_752] : memref<10240x128xf32, #tpu.memory_space<vmem_shared>> -> memref<10240x128xf32, #tpu.memory_space<vmem_shared>>
        tpu.wait_indirect_dma semaphore(%run_scoped3A_733 : memref<!tpu.dma_semaphore, #tpu.memory_space<semaphore_mem>>) src(%dma_wait3A_747 : memref<128x128xf32, #tpu.memory_space<vmem>>) dst(%dma_wait3A_753 : memref<10240x128xf32, #tpu.memory_space<vmem_shared>>)
        tpu.yield
      }) : () -> ()
      %dma_start3A_96 = arith.constant 2 : i32
      %dma_start3A_97 = arith.constant 0 : i32
      %dma_start3A_98 = arith.constant 0 : i32
      %dma_start3A_99 = arith.constant 0 : i32
      %dma_start3A_100 = tpu.memref_slice %arg10[%dma_start3A_97, %dma_start3A_98, %dma_start3A_99] : memref<2x128x128xf32, #tpu.memory_space<vmem>> -> memref<1x128x128xf32, #tpu.memory_space<vmem>>
      %dma_start3A_101 = tpu.memref_squeeze %dma_start3A_100 : memref<1x128x128xf32, #tpu.memory_space<vmem>> -> memref<128x128xf32, #tpu.memory_space<vmem>>
      %dma_start3A_102 = arith.constant 0 : i32
      %dma_start3A_103 = tpu.memref_slice %arg8[%rem3A_77, %dma_start3A_96, %dma_start3A_102] : memref<2x8x128xi32, #tpu.memory_space<vmem>> -> memref<1x1x128xi32, #tpu.memory_space<vmem>>
      %dma_start3A_104 = tpu.memref_squeeze %dma_start3A_103 : memref<1x1x128xi32, #tpu.memory_space<vmem>> -> memref<128xi32, #tpu.memory_space<vmem>>
      %dma_start3A_105 = arith.constant 0 : i32
      %dma_start3A_106 = arith.constant 0 : i32
      %dma_start3A_107 = tpu.memref_slice %arg4[%dma_start3A_105, %dma_start3A_106] : memref<10000x128xf32, #tpu.memory_space<hbm>> -> memref<10000x128xf32, #tpu.memory_space<hbm>>
      tpu.enqueue_indirect_dma source(%dma_start3A_107 : memref<10000x128xf32, #tpu.memory_space<hbm>>) target(%dma_start3A_101 : memref<128x128xf32, #tpu.memory_space<vmem>>) offsets(%dma_start3A_104 : memref<128xi32, #tpu.memory_space<vmem>>) semaphore(%arg12 : memref<!tpu.dma_semaphore, #tpu.memory_space<semaphore_mem>>)
      %get3A = arith.constant 0 : i32
      %get3A_108 = arith.index_cast %rem3A_77 : i32 to index
      %get3A_109 = arith.index_cast %get3A : i32 to index
      %get3A_110 = arith.constant 0 : index
      %get3A_111 = tpu.vector_load %arg9[%get3A_108, %get3A_109, %get3A_110] {strides = array<i32>} : memref<2x8x128xi32, #tpu.memory_space<vmem>>, vector<16xi32>,
      %broadcast_in_dim3A = arith.constant 1.000000e+00 : f32
      %broadcast_in_dim3A_112 = vector.broadcast %broadcast_in_dim3A : f32 to vector<16xf32>
      tpu.vector_store_idx %arg15[%get3A_111], %broadcast_in_dim3A_112 {add = true} : memref<10240xf32, #tpu.memory_space<vmem>>[vector<16xi32>], vector<16xf32>,
      %get3A_113 = arith.constant 0 : i32
      %get3A_114 = arith.index_cast %rem3A_77 : i32 to index
      %get3A_115 = arith.index_cast %get3A_113 : i32 to index
      %get3A_116 = arith.constant 16 : index
      %get3A_117 = tpu.vector_load %arg9[%get3A_114, %get3A_115, %get3A_116] {strides = array<i32>} : memref<2x8x128xi32, #tpu.memory_space<vmem>>, vector<16xi32>,
      %broadcast_in_dim3A_118 = arith.constant 1.000000e+00 : f32
      %broadcast_in_dim3A_119 = vector.broadcast %broadcast_in_dim3A_118 : f32 to vector<16xf32>
      tpu.vector_store_idx %arg15[%get3A_117], %broadcast_in_dim3A_119 {add = true} : memref<10240xf32, #tpu.memory_space<vmem>>[vector<16xi32>], vector<16xf32>,
      %get3A_120 = arith.constant 0 : i32
      %get3A_121 = arith.index_cast %rem3A_77 : i32 to index
      %get3A_122 = arith.index_cast %get3A_120 : i32 to index
      %get3A_123 = arith.constant 32 : index
      %get3A_124 = tpu.vector_load %arg9[%get3A_121, %get3A_122, %get3A_123] {strides = array<i32>} : memref<2x8x128xi32, #tpu.memory_space<vmem>>, vector<16xi32>,
      %broadcast_in_dim3A_125 = arith.constant 1.000000e+00 : f32
      %broadcast_in_dim3A_126 = vector.broadcast %broadcast_in_dim3A_125 : f32 to vector<16xf32>
      tpu.vector_store_idx %arg15[%get3A_124], %broadcast_in_dim3A_126 {add = true} : memref<10240xf32, #tpu.memory_space<vmem>>[vector<16xi32>], vector<16xf32>,
      %get3A_127 = arith.constant 0 : i32
      %get3A_128 = arith.index_cast %rem3A_77 : i32 to index
      %get3A_129 = arith.index_cast %get3A_127 : i32 to index
      %get3A_130 = arith.constant 48 : index
      %get3A_131 = tpu.vector_load %arg9[%get3A_128, %get3A_129, %get3A_130] {strides = array<i32>} : memref<2x8x128xi32, #tpu.memory_space<vmem>>, vector<16xi32>,
      %broadcast_in_dim3A_132 = arith.constant 1.000000e+00 : f32
      %broadcast_in_dim3A_133 = vector.broadcast %broadcast_in_dim3A_132 : f32 to vector<16xf32>
      tpu.vector_store_idx %arg15[%get3A_131], %broadcast_in_dim3A_133 {add = true} : memref<10240xf32, #tpu.memory_space<vmem>>[vector<16xi32>], vector<16xf32>,
      %get3A_134 = arith.constant 0 : i32
      %get3A_135 = arith.index_cast %rem3A_77 : i32 to index
      %get3A_136 = arith.index_cast %get3A_134 : i32 to index
      %get3A_137 = arith.constant 64 : index
      %get3A_138 = tpu.vector_load %arg9[%get3A_135, %get3A_136, %get3A_137] {strides = array<i32>} : memref<2x8x128xi32, #tpu.memory_space<vmem>>, vector<16xi32>,
      %broadcast_in_dim3A_139 = arith.constant 1.000000e+00 : f32
      %broadcast_in_dim3A_140 = vector.broadcast %broadcast_in_dim3A_139 : f32 to vector<16xf32>
      tpu.vector_store_idx %arg15[%get3A_138], %broadcast_in_dim3A_140 {add = true} : memref<10240xf32, #tpu.memory_space<vmem>>[vector<16xi32>], vector<16xf32>,
      %get3A_141 = arith.constant 0 : i32
      %get3A_142 = arith.index_cast %rem3A_77 : i32 to index
      %get3A_143 = arith.index_cast %get3A_141 : i32 to index
      %get3A_144 = arith.constant 80 : index
      %get3A_145 = tpu.vector_load %arg9[%get3A_142, %get3A_143, %get3A_144] {strides = array<i32>} : memref<2x8x128xi32, #tpu.memory_space<vmem>>, vector<16xi32>,
      %broadcast_in_dim3A_146 = arith.constant 1.000000e+00 : f32
      %broadcast_in_dim3A_147 = vector.broadcast %broadcast_in_dim3A_146 : f32 to vector<16xf32>
      tpu.vector_store_idx %arg15[%get3A_145], %broadcast_in_dim3A_147 {add = true} : memref<10240xf32, #tpu.memory_space<vmem>>[vector<16xi32>], vector<16xf32>,
      %get3A_148 = arith.constant 0 : i32
      %get3A_149 = arith.index_cast %rem3A_77 : i32 to index
      %get3A_150 = arith.index_cast %get3A_148 : i32 to index
      %get3A_151 = arith.constant 96 : index
      %get3A_152 = tpu.vector_load %arg9[%get3A_149, %get3A_150, %get3A_151] {strides = array<i32>} : memref<2x8x128xi32, #tpu.memory_space<vmem>>, vector<16xi32>,
      %broadcast_in_dim3A_153 = arith.constant 1.000000e+00 : f32
      %broadcast_in_dim3A_154 = vector.broadcast %broadcast_in_dim3A_153 : f32 to vector<16xf32>
      tpu.vector_store_idx %arg15[%get3A_152], %broadcast_in_dim3A_154 {add = true} : memref<10240xf32, #tpu.memory_space<vmem>>[vector<16xi32>], vector<16xf32>,
      %get3A_155 = arith.constant 0 : i32
      %get3A_156 = arith.index_cast %rem3A_77 : i32 to index
      %get3A_157 = arith.index_cast %get3A_155 : i32 to index
      %get3A_158 = arith.constant 112 : index
      %get3A_159 = tpu.vector_load %arg9[%get3A_156, %get3A_157, %get3A_158] {strides = array<i32>} : memref<2x8x128xi32, #tpu.memory_space<vmem>>, vector<16xi32>,
      %broadcast_in_dim3A_160 = arith.constant 1.000000e+00 : f32
      %broadcast_in_dim3A_161 = vector.broadcast %broadcast_in_dim3A_160 : f32 to vector<16xf32>
      tpu.vector_store_idx %arg15[%get3A_159], %broadcast_in_dim3A_161 {add = true} : memref<10240xf32, #tpu.memory_space<vmem>>[vector<16xi32>], vector<16xf32>,
      %dma_wait3A_162 = arith.constant 1 : i32
      %dma_wait3A_163 = arith.constant 1 : i32
      %dma_wait3A_164 = arith.constant 0 : i32
      %dma_wait3A_165 = arith.constant 0 : i32
      %dma_wait3A_166 = tpu.memref_slice %arg10[%dma_wait3A_163, %dma_wait3A_164, %dma_wait3A_165] : memref<2x128x128xf32, #tpu.memory_space<vmem>> -> memref<1x128x128xf32, #tpu.memory_space<vmem>>
      %dma_wait3A_167 = tpu.memref_squeeze %dma_wait3A_166 : memref<1x128x128xf32, #tpu.memory_space<vmem>> -> memref<128x128xf32, #tpu.memory_space<vmem>>
      %dma_wait3A_168 = arith.constant 0 : i32
      %dma_wait3A_169 = tpu.memref_slice %arg8[%rem3A_77, %dma_wait3A_162, %dma_wait3A_168] : memref<2x8x128xi32, #tpu.memory_space<vmem>> -> memref<1x1x128xi32, #tpu.memory_space<vmem>>
      %dma_wait3A_170 = tpu.memref_squeeze %dma_wait3A_169 : memref<1x1x128xi32, #tpu.memory_space<vmem>> -> memref<128xi32, #tpu.memory_space<vmem>>
      %dma_wait3A_171 = arith.constant 0 : i32
      %dma_wait3A_172 = arith.constant 0 : i32
      %dma_wait3A_173 = tpu.memref_slice %arg4[%dma_wait3A_171, %dma_wait3A_172] : memref<10000x128xf32, #tpu.memory_space<hbm>> -> memref<10000x128xf32, #tpu.memory_space<hbm>>
      tpu.wait_indirect_dma semaphore(%arg13 : memref<!tpu.dma_semaphore, #tpu.memory_space<semaphore_mem>>) src(%dma_wait3A_173 : memref<10000x128xf32, #tpu.memory_space<hbm>>) dst(%dma_wait3A_167 : memref<128x128xf32, #tpu.memory_space<vmem>>)
      %run_scoped3A_174 = arith.constant 1 : i32
      %run_scoped3A_175 = arith.constant 1 : i32
      "tpu.region"() ({
        %run_scoped3A_733 = tpu.sem_alloc : memref<!tpu.dma_semaphore, #tpu.memory_space<semaphore_mem>>
        %dma_start3A_734 = arith.constant 0 : i32
        %dma_start3A_735 = arith.constant 0 : i32
        %dma_start3A_736 = tpu.memref_slice %arg10[%run_scoped3A_174, %dma_start3A_734, %dma_start3A_735] : memref<2x128x128xf32, #tpu.memory_space<vmem>> -> memref<1x128x128xf32, #tpu.memory_space<vmem>>
        %dma_start3A_737 = tpu.memref_squeeze %dma_start3A_736 : memref<1x128x128xf32, #tpu.memory_space<vmem>> -> memref<128x128xf32, #tpu.memory_space<vmem>>
        %dma_start3A_738 = arith.constant 0 : i32
        %dma_start3A_739 = tpu.memref_slice %arg9[%rem3A_77, %run_scoped3A_175, %dma_start3A_738] : memref<2x8x128xi32, #tpu.memory_space<vmem>> -> memref<1x1x128xi32, #tpu.memory_space<vmem>>
        %dma_start3A_740 = tpu.memref_squeeze %dma_start3A_739 : memref<1x1x128xi32, #tpu.memory_space<vmem>> -> memref<128xi32, #tpu.memory_space<vmem>>
        %dma_start3A_741 = arith.constant 0 : i32
        %dma_start3A_742 = arith.constant 0 : i32
        %dma_start3A_743 = tpu.memref_slice %arg11[%dma_start3A_741, %dma_start3A_742] : memref<10240x128xf32, #tpu.memory_space<vmem_shared>> -> memref<10240x128xf32, #tpu.memory_space<vmem_shared>>
        tpu.enqueue_indirect_dma source(%dma_start3A_737 : memref<128x128xf32, #tpu.memory_space<vmem>>) target(%dma_start3A_743 : memref<10240x128xf32, #tpu.memory_space<vmem_shared>>) offsets(%dma_start3A_740 : memref<128xi32, #tpu.memory_space<vmem>>) semaphore(%run_scoped3A_733 : memref<!tpu.dma_semaphore, #tpu.memory_space<semaphore_mem>>) {add = true}
        %dma_wait3A_744 = arith.constant 0 : i32
        %dma_wait3A_745 = arith.constant 0 : i32
        %dma_wait3A_746 = tpu.memref_slice %arg10[%run_scoped3A_174, %dma_wait3A_744, %dma_wait3A_745] : memref<2x128x128xf32, #tpu.memory_space<vmem>> -> memref<1x128x128xf32, #tpu.memory_space<vmem>>
        %dma_wait3A_747 = tpu.memref_squeeze %dma_wait3A_746 : memref<1x128x128xf32, #tpu.memory_space<vmem>> -> memref<128x128xf32, #tpu.memory_space<vmem>>
        %dma_wait3A_748 = arith.constant 0 : i32
        %dma_wait3A_749 = tpu.memref_slice %arg9[%rem3A_77, %run_scoped3A_175, %dma_wait3A_748] : memref<2x8x128xi32, #tpu.memory_space<vmem>> -> memref<1x1x128xi32, #tpu.memory_space<vmem>>
        %dma_wait3A_750 = tpu.memref_squeeze %dma_wait3A_749 : memref<1x1x128xi32, #tpu.memory_space<vmem>> -> memref<128xi32, #tpu.memory_space<vmem>>
        %dma_wait3A_751 = arith.constant 0 : i32
        %dma_wait3A_752 = arith.constant 0 : i32
        %dma_wait3A_753 = tpu.memref_slice %arg11[%dma_wait3A_751, %dma_wait3A_752] : memref<10240x128xf32, #tpu.memory_space<vmem_shared>> -> memref<10240x128xf32, #tpu.memory_space<vmem_shared>>
        tpu.wait_indirect_dma semaphore(%run_scoped3A_733 : memref<!tpu.dma_semaphore, #tpu.memory_space<semaphore_mem>>) src(%dma_wait3A_747 : memref<128x128xf32, #tpu.memory_space<vmem>>) dst(%dma_wait3A_753 : memref<10240x128xf32, #tpu.memory_space<vmem_shared>>)
        tpu.yield
      }) : () -> ()
      %dma_start3A_176 = arith.constant 3 : i32
      %dma_start3A_177 = arith.constant 1 : i32
      %dma_start3A_178 = arith.constant 0 : i32
      %dma_start3A_179 = arith.constant 0 : i32
      %dma_start3A_180 = tpu.memref_slice %arg10[%dma_start3A_177, %dma_start3A_178, %dma_start3A_179] : memref<2x128x128xf32, #tpu.memory_space<vmem>> -> memref<1x128x128xf32, #tpu.memory_space<vmem>>
      %dma_start3A_181 = tpu.memref_squeeze %dma_start3A_180 : memref<1x128x128xf32, #tpu.memory_space<vmem>> -> memref<128x128xf32, #tpu.memory_space<vmem>>
      %dma_start3A_182 = arith.constant 0 : i32
      %dma_start3A_183 = tpu.memref_slice %arg8[%rem3A_77, %dma_start3A_176, %dma_start3A_182] : memref<2x8x128xi32, #tpu.memory_space<vmem>> -> memref<1x1x128xi32, #tpu.memory_space<vmem>>
      %dma_start3A_184 = tpu.memref_squeeze %dma_start3A_183 : memref<1x1x128xi32, #tpu.memory_space<vmem>> -> memref<128xi32, #tpu.memory_space<vmem>>
      %dma_start3A_185 = arith.constant 0 : i32
      %dma_start3A_186 = arith.constant 0 : i32
      %dma_start3A_187 = tpu.memref_slice %arg4[%dma_start3A_185, %dma_start3A_186] : memref<10000x128xf32, #tpu.memory_space<hbm>> -> memref<10000x128xf32, #tpu.memory_space<hbm>>
      tpu.enqueue_indirect_dma source(%dma_start3A_187 : memref<10000x128xf32, #tpu.memory_space<hbm>>) target(%dma_start3A_181 : memref<128x128xf32, #tpu.memory_space<vmem>>) offsets(%dma_start3A_184 : memref<128xi32, #tpu.memory_space<vmem>>) semaphore(%arg13 : memref<!tpu.dma_semaphore, #tpu.memory_space<semaphore_mem>>)
      %get3A_188 = arith.constant 1 : i32
      %get3A_189 = arith.index_cast %rem3A_77 : i32 to index
      %get3A_190 = arith.index_cast %get3A_188 : i32 to index
      %get3A_191 = arith.constant 0 : index
      %get3A_192 = tpu.vector_load %arg9[%get3A_189, %get3A_190, %get3A_191] {strides = array<i32>} : memref<2x8x128xi32, #tpu.memory_space<vmem>>, vector<16xi32>,
      %broadcast_in_dim3A_193 = arith.constant 1.000000e+00 : f32
      %broadcast_in_dim3A_194 = vector.broadcast %broadcast_in_dim3A_193 : f32 to vector<16xf32>
      tpu.vector_store_idx %arg15[%get3A_192], %broadcast_in_dim3A_194 {add = true} : memref<10240xf32, #tpu.memory_space<vmem>>[vector<16xi32>], vector<16xf32>,
      %get3A_195 = arith.constant 1 : i32
      %get3A_196 = arith.index_cast %rem3A_77 : i32 to index
      %get3A_197 = arith.index_cast %get3A_195 : i32 to index
      %get3A_198 = arith.constant 16 : index
      %get3A_199 = tpu.vector_load %arg9[%get3A_196, %get3A_197, %get3A_198] {strides = array<i32>} : memref<2x8x128xi32, #tpu.memory_space<vmem>>, vector<16xi32>,
      %broadcast_in_dim3A_200 = arith.constant 1.000000e+00 : f32
      %broadcast_in_dim3A_201 = vector.broadcast %broadcast_in_dim3A_200 : f32 to vector<16xf32>
      tpu.vector_store_idx %arg15[%get3A_199], %broadcast_in_dim3A_201 {add = true} : memref<10240xf32, #tpu.memory_space<vmem>>[vector<16xi32>], vector<16xf32>,
      %get3A_202 = arith.constant 1 : i32
      %get3A_203 = arith.index_cast %rem3A_77 : i32 to index
      %get3A_204 = arith.index_cast %get3A_202 : i32 to index
      %get3A_205 = arith.constant 32 : index
      %get3A_206 = tpu.vector_load %arg9[%get3A_203, %get3A_204, %get3A_205] {strides = array<i32>} : memref<2x8x128xi32, #tpu.memory_space<vmem>>, vector<16xi32>,
      %broadcast_in_dim3A_207 = arith.constant 1.000000e+00 : f32
      %broadcast_in_dim3A_208 = vector.broadcast %broadcast_in_dim3A_207 : f32 to vector<16xf32>
      tpu.vector_store_idx %arg15[%get3A_206], %broadcast_in_dim3A_208 {add = true} : memref<10240xf32, #tpu.memory_space<vmem>>[vector<16xi32>], vector<16xf32>,
      %get3A_209 = arith.constant 1 : i32
      %get3A_210 = arith.index_cast %rem3A_77 : i32 to index
      %get3A_211 = arith.index_cast %get3A_209 : i32 to index
      %get3A_212 = arith.constant 48 : index
      %get3A_213 = tpu.vector_load %arg9[%get3A_210, %get3A_211, %get3A_212] {strides = array<i32>} : memref<2x8x128xi32, #tpu.memory_space<vmem>>, vector<16xi32>,
      %broadcast_in_dim3A_214 = arith.constant 1.000000e+00 : f32
      %broadcast_in_dim3A_215 = vector.broadcast %broadcast_in_dim3A_214 : f32 to vector<16xf32>
      tpu.vector_store_idx %arg15[%get3A_213], %broadcast_in_dim3A_215 {add = true} : memref<10240xf32, #tpu.memory_space<vmem>>[vector<16xi32>], vector<16xf32>,
      %get3A_216 = arith.constant 1 : i32
      %get3A_217 = arith.index_cast %rem3A_77 : i32 to index
      %get3A_218 = arith.index_cast %get3A_216 : i32 to index
      %get3A_219 = arith.constant 64 : index
      %get3A_220 = tpu.vector_load %arg9[%get3A_217, %get3A_218, %get3A_219] {strides = array<i32>} : memref<2x8x128xi32, #tpu.memory_space<vmem>>, vector<16xi32>,
      %broadcast_in_dim3A_221 = arith.constant 1.000000e+00 : f32
      %broadcast_in_dim3A_222 = vector.broadcast %broadcast_in_dim3A_221 : f32 to vector<16xf32>
      tpu.vector_store_idx %arg15[%get3A_220], %broadcast_in_dim3A_222 {add = true} : memref<10240xf32, #tpu.memory_space<vmem>>[vector<16xi32>], vector<16xf32>,
      %get3A_223 = arith.constant 1 : i32
      %get3A_224 = arith.index_cast %rem3A_77 : i32 to index
      %get3A_225 = arith.index_cast %get3A_223 : i32 to index
      %get3A_226 = arith.constant 80 : index
      %get3A_227 = tpu.vector_load %arg9[%get3A_224, %get3A_225, %get3A_226] {strides = array<i32>} : memref<2x8x128xi32, #tpu.memory_space<vmem>>, vector<16xi32>,
      %broadcast_in_dim3A_228 = arith.constant 1.000000e+00 : f32
      %broadcast_in_dim3A_229 = vector.broadcast %broadcast_in_dim3A_228 : f32 to vector<16xf32>
      tpu.vector_store_idx %arg15[%get3A_227], %broadcast_in_dim3A_229 {add = true} : memref<10240xf32, #tpu.memory_space<vmem>>[vector<16xi32>], vector<16xf32>,
      %get3A_230 = arith.constant 1 : i32
      %get3A_231 = arith.index_cast %rem3A_77 : i32 to index
      %get3A_232 = arith.index_cast %get3A_230 : i32 to index
      %get3A_233 = arith.constant 96 : index
      %get3A_234 = tpu.vector_load %arg9[%get3A_231, %get3A_232, %get3A_233] {strides = array<i32>} : memref<2x8x128xi32, #tpu.memory_space<vmem>>, vector<16xi32>,
      %broadcast_in_dim3A_235 = arith.constant 1.000000e+00 : f32
      %broadcast_in_dim3A_236 = vector.broadcast %broadcast_in_dim3A_235 : f32 to vector<16xf32>
      tpu.vector_store_idx %arg15[%get3A_234], %broadcast_in_dim3A_236 {add = true} : memref<10240xf32, #tpu.memory_space<vmem>>[vector<16xi32>], vector<16xf32>,
      %get3A_237 = arith.constant 1 : i32
      %get3A_238 = arith.index_cast %rem3A_77 : i32 to index
      %get3A_239 = arith.index_cast %get3A_237 : i32 to index
      %get3A_240 = arith.constant 112 : index
      %get3A_241 = tpu.vector_load %arg9[%get3A_238, %get3A_239, %get3A_240] {strides = array<i32>} : memref<2x8x128xi32, #tpu.memory_space<vmem>>, vector<16xi32>,
      %broadcast_in_dim3A_242 = arith.constant 1.000000e+00 : f32
      %broadcast_in_dim3A_243 = vector.broadcast %broadcast_in_dim3A_242 : f32 to vector<16xf32>
      tpu.vector_store_idx %arg15[%get3A_241], %broadcast_in_dim3A_243 {add = true} : memref<10240xf32, #tpu.memory_space<vmem>>[vector<16xi32>], vector<16xf32>,
      %dma_wait3A_244 = arith.constant 2 : i32
      %dma_wait3A_245 = arith.constant 0 : i32
      %dma_wait3A_246 = arith.constant 0 : i32
      %dma_wait3A_247 = arith.constant 0 : i32
      %dma_wait3A_248 = tpu.memref_slice %arg10[%dma_wait3A_245, %dma_wait3A_246, %dma_wait3A_247] : memref<2x128x128xf32, #tpu.memory_space<vmem>> -> memref<1x128x128xf32, #tpu.memory_space<vmem>>
      %dma_wait3A_249 = tpu.memref_squeeze %dma_wait3A_248 : memref<1x128x128xf32, #tpu.memory_space<vmem>> -> memref<128x128xf32, #tpu.memory_space<vmem>>
      %dma_wait3A_250 = arith.constant 0 : i32
      %dma_wait3A_251 = tpu.memref_slice %arg8[%rem3A_77, %dma_wait3A_244, %dma_wait3A_250] : memref<2x8x128xi32, #tpu.memory_space<vmem>> -> memref<1x1x128xi32, #tpu.memory_space<vmem>>
      %dma_wait3A_252 = tpu.memref_squeeze %dma_wait3A_251 : memref<1x1x128xi32, #tpu.memory_space<vmem>> -> memref<128xi32, #tpu.memory_space<vmem>>
      %dma_wait3A_253 = arith.constant 0 : i32
      %dma_wait3A_254 = arith.constant 0 : i32
      %dma_wait3A_255 = tpu.memref_slice %arg4[%dma_wait3A_253, %dma_wait3A_254] : memref<10000x128xf32, #tpu.memory_space<hbm>> -> memref<10000x128xf32, #tpu.memory_space<hbm>>
      tpu.wait_indirect_dma semaphore(%arg12 : memref<!tpu.dma_semaphore, #tpu.memory_space<semaphore_mem>>) src(%dma_wait3A_255 : memref<10000x128xf32, #tpu.memory_space<hbm>>) dst(%dma_wait3A_249 : memref<128x128xf32, #tpu.memory_space<vmem>>)
      %run_scoped3A_256 = arith.constant 0 : i32
      %run_scoped3A_257 = arith.constant 2 : i32
      "tpu.region"() ({
        %run_scoped3A_733 = tpu.sem_alloc : memref<!tpu.dma_semaphore, #tpu.memory_space<semaphore_mem>>
        %dma_start3A_734 = arith.constant 0 : i32
        %dma_start3A_735 = arith.constant 0 : i32
        %dma_start3A_736 = tpu.memref_slice %arg10[%run_scoped3A_256, %dma_start3A_734, %dma_start3A_735] : memref<2x128x128xf32, #tpu.memory_space<vmem>> -> memref<1x128x128xf32, #tpu.memory_space<vmem>>
        %dma_start3A_737 = tpu.memref_squeeze %dma_start3A_736 : memref<1x128x128xf32, #tpu.memory_space<vmem>> -> memref<128x128xf32, #tpu.memory_space<vmem>>
        %dma_start3A_738 = arith.constant 0 : i32
        %dma_start3A_739 = tpu.memref_slice %arg9[%rem3A_77, %run_scoped3A_257, %dma_start3A_738] : memref<2x8x128xi32, #tpu.memory_space<vmem>> -> memref<1x1x128xi32, #tpu.memory_space<vmem>>
        %dma_start3A_740 = tpu.memref_squeeze %dma_start3A_739 : memref<1x1x128xi32, #tpu.memory_space<vmem>> -> memref<128xi32, #tpu.memory_space<vmem>>
        %dma_start3A_741 = arith.constant 0 : i32
        %dma_start3A_742 = arith.constant 0 : i32
        %dma_start3A_743 = tpu.memref_slice %arg11[%dma_start3A_741, %dma_start3A_742] : memref<10240x128xf32, #tpu.memory_space<vmem_shared>> -> memref<10240x128xf32, #tpu.memory_space<vmem_shared>>
        tpu.enqueue_indirect_dma source(%dma_start3A_737 : memref<128x128xf32, #tpu.memory_space<vmem>>) target(%dma_start3A_743 : memref<10240x128xf32, #tpu.memory_space<vmem_shared>>) offsets(%dma_start3A_740 : memref<128xi32, #tpu.memory_space<vmem>>) semaphore(%run_scoped3A_733 : memref<!tpu.dma_semaphore, #tpu.memory_space<semaphore_mem>>) {add = true}
        %dma_wait3A_744 = arith.constant 0 : i32
        %dma_wait3A_745 = arith.constant 0 : i32
        %dma_wait3A_746 = tpu.memref_slice %arg10[%run_scoped3A_256, %dma_wait3A_744, %dma_wait3A_745] : memref<2x128x128xf32, #tpu.memory_space<vmem>> -> memref<1x128x128xf32, #tpu.memory_space<vmem>>
        %dma_wait3A_747 = tpu.memref_squeeze %dma_wait3A_746 : memref<1x128x128xf32, #tpu.memory_space<vmem>> -> memref<128x128xf32, #tpu.memory_space<vmem>>
        %dma_wait3A_748 = arith.constant 0 : i32
        %dma_wait3A_749 = tpu.memref_slice %arg9[%rem3A_77, %run_scoped3A_257, %dma_wait3A_748] : memref<2x8x128xi32, #tpu.memory_space<vmem>> -> memref<1x1x128xi32, #tpu.memory_space<vmem>>
        %dma_wait3A_750 = tpu.memref_squeeze %dma_wait3A_749 : memref<1x1x128xi32, #tpu.memory_space<vmem>> -> memref<128xi32, #tpu.memory_space<vmem>>
        %dma_wait3A_751 = arith.constant 0 : i32
        %dma_wait3A_752 = arith.constant 0 : i32
        %dma_wait3A_753 = tpu.memref_slice %arg11[%dma_wait3A_751, %dma_wait3A_752] : memref<10240x128xf32, #tpu.memory_space<vmem_shared>> -> memref<10240x128xf32, #tpu.memory_space<vmem_shared>>
        tpu.wait_indirect_dma semaphore(%run_scoped3A_733 : memref<!tpu.dma_semaphore, #tpu.memory_space<semaphore_mem>>) src(%dma_wait3A_747 : memref<128x128xf32, #tpu.memory_space<vmem>>) dst(%dma_wait3A_753 : memref<10240x128xf32, #tpu.memory_space<vmem_shared>>)
        tpu.yield
      }) : () -> ()
      %dma_start3A_258 = arith.constant 4 : i32
      %dma_start3A_259 = arith.constant 0 : i32
      %dma_start3A_260 = arith.constant 0 : i32
      %dma_start3A_261 = arith.constant 0 : i32
      %dma_start3A_262 = tpu.memref_slice %arg10[%dma_start3A_259, %dma_start3A_260, %dma_start3A_261] : memref<2x128x128xf32, #tpu.memory_space<vmem>> -> memref<1x128x128xf32, #tpu.memory_space<vmem>>
      %dma_start3A_263 = tpu.memref_squeeze %dma_start3A_262 : memref<1x128x128xf32, #tpu.memory_space<vmem>> -> memref<128x128xf32, #tpu.memory_space<vmem>>
      %dma_start3A_264 = arith.constant 0 : i32
      %dma_start3A_265 = tpu.memref_slice %arg8[%rem3A_77, %dma_start3A_258, %dma_start3A_264] : memref<2x8x128xi32, #tpu.memory_space<vmem>> -> memref<1x1x128xi32, #tpu.memory_space<vmem>>
      %dma_start3A_266 = tpu.memref_squeeze %dma_start3A_265 : memref<1x1x128xi32, #tpu.memory_space<vmem>> -> memref<128xi32, #tpu.memory_space<vmem>>
      %dma_start3A_267 = arith.constant 0 : i32
      %dma_start3A_268 = arith.constant 0 : i32
      %dma_start3A_269 = tpu.memref_slice %arg4[%dma_start3A_267, %dma_start3A_268] : memref<10000x128xf32, #tpu.memory_space<hbm>> -> memref<10000x128xf32, #tpu.memory_space<hbm>>
      tpu.enqueue_indirect_dma source(%dma_start3A_269 : memref<10000x128xf32, #tpu.memory_space<hbm>>) target(%dma_start3A_263 : memref<128x128xf32, #tpu.memory_space<vmem>>) offsets(%dma_start3A_266 : memref<128xi32, #tpu.memory_space<vmem>>) semaphore(%arg12 : memref<!tpu.dma_semaphore, #tpu.memory_space<semaphore_mem>>)
      %get3A_270 = arith.constant 2 : i32
      %get3A_271 = arith.index_cast %rem3A_77 : i32 to index
      %get3A_272 = arith.index_cast %get3A_270 : i32 to index
      %get3A_273 = arith.constant 0 : index
      %get3A_274 = tpu.vector_load %arg9[%get3A_271, %get3A_272, %get3A_273] {strides = array<i32>} : memref<2x8x128xi32, #tpu.memory_space<vmem>>, vector<16xi32>,
      %broadcast_in_dim3A_275 = arith.constant 1.000000e+00 : f32
      %broadcast_in_dim3A_276 = vector.broadcast %broadcast_in_dim3A_275 : f32 to vector<16xf32>
      tpu.vector_store_idx %arg15[%get3A_274], %broadcast_in_dim3A_276 {add = true} : memref<10240xf32, #tpu.memory_space<vmem>>[vector<16xi32>], vector<16xf32>,
      %get3A_277 = arith.constant 2 : i32
      %get3A_278 = arith.index_cast %rem3A_77 : i32 to index
      %get3A_279 = arith.index_cast %get3A_277 : i32 to index
      %get3A_280 = arith.constant 16 : index
      %get3A_281 = tpu.vector_load %arg9[%get3A_278, %get3A_279, %get3A_280] {strides = array<i32>} : memref<2x8x128xi32, #tpu.memory_space<vmem>>, vector<16xi32>,
      %broadcast_in_dim3A_282 = arith.constant 1.000000e+00 : f32
      %broadcast_in_dim3A_283 = vector.broadcast %broadcast_in_dim3A_282 : f32 to vector<16xf32>
      tpu.vector_store_idx %arg15[%get3A_281], %broadcast_in_dim3A_283 {add = true} : memref<10240xf32, #tpu.memory_space<vmem>>[vector<16xi32>], vector<16xf32>,
      %get3A_284 = arith.constant 2 : i32
      %get3A_285 = arith.index_cast %rem3A_77 : i32 to index
      %get3A_286 = arith.index_cast %get3A_284 : i32 to index
      %get3A_287 = arith.constant 32 : index
      %get3A_288 = tpu.vector_load %arg9[%get3A_285, %get3A_286, %get3A_287] {strides = array<i32>} : memref<2x8x128xi32, #tpu.memory_space<vmem>>, vector<16xi32>,
      %broadcast_in_dim3A_289 = arith.constant 1.000000e+00 : f32
      %broadcast_in_dim3A_290 = vector.broadcast %broadcast_in_dim3A_289 : f32 to vector<16xf32>
      tpu.vector_store_idx %arg15[%get3A_288], %broadcast_in_dim3A_290 {add = true} : memref<10240xf32, #tpu.memory_space<vmem>>[vector<16xi32>], vector<16xf32>,
      %get3A_291 = arith.constant 2 : i32
      %get3A_292 = arith.index_cast %rem3A_77 : i32 to index
      %get3A_293 = arith.index_cast %get3A_291 : i32 to index
      %get3A_294 = arith.constant 48 : index
      %get3A_295 = tpu.vector_load %arg9[%get3A_292, %get3A_293, %get3A_294] {strides = array<i32>} : memref<2x8x128xi32, #tpu.memory_space<vmem>>, vector<16xi32>,
      %broadcast_in_dim3A_296 = arith.constant 1.000000e+00 : f32
      %broadcast_in_dim3A_297 = vector.broadcast %broadcast_in_dim3A_296 : f32 to vector<16xf32>
      tpu.vector_store_idx %arg15[%get3A_295], %broadcast_in_dim3A_297 {add = true} : memref<10240xf32, #tpu.memory_space<vmem>>[vector<16xi32>], vector<16xf32>,
      %get3A_298 = arith.constant 2 : i32
      %get3A_299 = arith.index_cast %rem3A_77 : i32 to index
      %get3A_300 = arith.index_cast %get3A_298 : i32 to index
      %get3A_301 = arith.constant 64 : index
      %get3A_302 = tpu.vector_load %arg9[%get3A_299, %get3A_300, %get3A_301] {strides = array<i32>} : memref<2x8x128xi32, #tpu.memory_space<vmem>>, vector<16xi32>,
      %broadcast_in_dim3A_303 = arith.constant 1.000000e+00 : f32
      %broadcast_in_dim3A_304 = vector.broadcast %broadcast_in_dim3A_303 : f32 to vector<16xf32>
      tpu.vector_store_idx %arg15[%get3A_302], %broadcast_in_dim3A_304 {add = true} : memref<10240xf32, #tpu.memory_space<vmem>>[vector<16xi32>], vector<16xf32>,
      %get3A_305 = arith.constant 2 : i32
      %get3A_306 = arith.index_cast %rem3A_77 : i32 to index
      %get3A_307 = arith.index_cast %get3A_305 : i32 to index
      %get3A_308 = arith.constant 80 : index
      %get3A_309 = tpu.vector_load %arg9[%get3A_306, %get3A_307, %get3A_308] {strides = array<i32>} : memref<2x8x128xi32, #tpu.memory_space<vmem>>, vector<16xi32>,
      %broadcast_in_dim3A_310 = arith.constant 1.000000e+00 : f32
      %broadcast_in_dim3A_311 = vector.broadcast %broadcast_in_dim3A_310 : f32 to vector<16xf32>
      tpu.vector_store_idx %arg15[%get3A_309], %broadcast_in_dim3A_311 {add = true} : memref<10240xf32, #tpu.memory_space<vmem>>[vector<16xi32>], vector<16xf32>,
      %get3A_312 = arith.constant 2 : i32
      %get3A_313 = arith.index_cast %rem3A_77 : i32 to index
      %get3A_314 = arith.index_cast %get3A_312 : i32 to index
      %get3A_315 = arith.constant 96 : index
      %get3A_316 = tpu.vector_load %arg9[%get3A_313, %get3A_314, %get3A_315] {strides = array<i32>} : memref<2x8x128xi32, #tpu.memory_space<vmem>>, vector<16xi32>,
      %broadcast_in_dim3A_317 = arith.constant 1.000000e+00 : f32
      %broadcast_in_dim3A_318 = vector.broadcast %broadcast_in_dim3A_317 : f32 to vector<16xf32>
      tpu.vector_store_idx %arg15[%get3A_316], %broadcast_in_dim3A_318 {add = true} : memref<10240xf32, #tpu.memory_space<vmem>>[vector<16xi32>], vector<16xf32>,
      %get3A_319 = arith.constant 2 : i32
      %get3A_320 = arith.index_cast %rem3A_77 : i32 to index
      %get3A_321 = arith.index_cast %get3A_319 : i32 to index
      %get3A_322 = arith.constant 112 : index
      %get3A_323 = tpu.vector_load %arg9[%get3A_320, %get3A_321, %get3A_322] {strides = array<i32>} : memref<2x8x128xi32, #tpu.memory_space<vmem>>, vector<16xi32>,
      %broadcast_in_dim3A_324 = arith.constant 1.000000e+00 : f32
      %broadcast_in_dim3A_325 = vector.broadcast %broadcast_in_dim3A_324 : f32 to vector<16xf32>
      tpu.vector_store_idx %arg15[%get3A_323], %broadcast_in_dim3A_325 {add = true} : memref<10240xf32, #tpu.memory_space<vmem>>[vector<16xi32>], vector<16xf32>,
      %dma_wait3A_326 = arith.constant 3 : i32
      %dma_wait3A_327 = arith.constant 1 : i32
      %dma_wait3A_328 = arith.constant 0 : i32
      %dma_wait3A_329 = arith.constant 0 : i32
      %dma_wait3A_330 = tpu.memref_slice %arg10[%dma_wait3A_327, %dma_wait3A_328, %dma_wait3A_329] : memref<2x128x128xf32, #tpu.memory_space<vmem>> -> memref<1x128x128xf32, #tpu.memory_space<vmem>>
      %dma_wait3A_331 = tpu.memref_squeeze %dma_wait3A_330 : memref<1x128x128xf32, #tpu.memory_space<vmem>> -> memref<128x128xf32, #tpu.memory_space<vmem>>
      %dma_wait3A_332 = arith.constant 0 : i32
      %dma_wait3A_333 = tpu.memref_slice %arg8[%rem3A_77, %dma_wait3A_326, %dma_wait3A_332] : memref<2x8x128xi32, #tpu.memory_space<vmem>> -> memref<1x1x128xi32, #tpu.memory_space<vmem>>
      %dma_wait3A_334 = tpu.memref_squeeze %dma_wait3A_333 : memref<1x1x128xi32, #tpu.memory_space<vmem>> -> memref<128xi32, #tpu.memory_space<vmem>>
      %dma_wait3A_335 = arith.constant 0 : i32
      %dma_wait3A_336 = arith.constant 0 : i32
      %dma_wait3A_337 = tpu.memref_slice %arg4[%dma_wait3A_335, %dma_wait3A_336] : memref<10000x128xf32, #tpu.memory_space<hbm>> -> memref<10000x128xf32, #tpu.memory_space<hbm>>
      tpu.wait_indirect_dma semaphore(%arg13 : memref<!tpu.dma_semaphore, #tpu.memory_space<semaphore_mem>>) src(%dma_wait3A_337 : memref<10000x128xf32, #tpu.memory_space<hbm>>) dst(%dma_wait3A_331 : memref<128x128xf32, #tpu.memory_space<vmem>>)
      %run_scoped3A_338 = arith.constant 1 : i32
      %run_scoped3A_339 = arith.constant 3 : i32
      "tpu.region"() ({
        %run_scoped3A_733 = tpu.sem_alloc : memref<!tpu.dma_semaphore, #tpu.memory_space<semaphore_mem>>
        %dma_start3A_734 = arith.constant 0 : i32
        %dma_start3A_735 = arith.constant 0 : i32
        %dma_start3A_736 = tpu.memref_slice %arg10[%run_scoped3A_338, %dma_start3A_734, %dma_start3A_735] : memref<2x128x128xf32, #tpu.memory_space<vmem>> -> memref<1x128x128xf32, #tpu.memory_space<vmem>>
        %dma_start3A_737 = tpu.memref_squeeze %dma_start3A_736 : memref<1x128x128xf32, #tpu.memory_space<vmem>> -> memref<128x128xf32, #tpu.memory_space<vmem>>
        %dma_start3A_738 = arith.constant 0 : i32
        %dma_start3A_739 = tpu.memref_slice %arg9[%rem3A_77, %run_scoped3A_339, %dma_start3A_738] : memref<2x8x128xi32, #tpu.memory_space<vmem>> -> memref<1x1x128xi32, #tpu.memory_space<vmem>>
        %dma_start3A_740 = tpu.memref_squeeze %dma_start3A_739 : memref<1x1x128xi32, #tpu.memory_space<vmem>> -> memref<128xi32, #tpu.memory_space<vmem>>
        %dma_start3A_741 = arith.constant 0 : i32
        %dma_start3A_742 = arith.constant 0 : i32
        %dma_start3A_743 = tpu.memref_slice %arg11[%dma_start3A_741, %dma_start3A_742] : memref<10240x128xf32, #tpu.memory_space<vmem_shared>> -> memref<10240x128xf32, #tpu.memory_space<vmem_shared>>
        tpu.enqueue_indirect_dma source(%dma_start3A_737 : memref<128x128xf32, #tpu.memory_space<vmem>>) target(%dma_start3A_743 : memref<10240x128xf32, #tpu.memory_space<vmem_shared>>) offsets(%dma_start3A_740 : memref<128xi32, #tpu.memory_space<vmem>>) semaphore(%run_scoped3A_733 : memref<!tpu.dma_semaphore, #tpu.memory_space<semaphore_mem>>) {add = true}
        %dma_wait3A_744 = arith.constant 0 : i32
        %dma_wait3A_745 = arith.constant 0 : i32
        %dma_wait3A_746 = tpu.memref_slice %arg10[%run_scoped3A_338, %dma_wait3A_744, %dma_wait3A_745] : memref<2x128x128xf32, #tpu.memory_space<vmem>> -> memref<1x128x128xf32, #tpu.memory_space<vmem>>
        %dma_wait3A_747 = tpu.memref_squeeze %dma_wait3A_746 : memref<1x128x128xf32, #tpu.memory_space<vmem>> -> memref<128x128xf32, #tpu.memory_space<vmem>>
        %dma_wait3A_748 = arith.constant 0 : i32
        %dma_wait3A_749 = tpu.memref_slice %arg9[%rem3A_77, %run_scoped3A_339, %dma_wait3A_748] : memref<2x8x128xi32, #tpu.memory_space<vmem>> -> memref<1x1x128xi32, #tpu.memory_space<vmem>>
        %dma_wait3A_750 = tpu.memref_squeeze %dma_wait3A_749 : memref<1x1x128xi32, #tpu.memory_space<vmem>> -> memref<128xi32, #tpu.memory_space<vmem>>
        %dma_wait3A_751 = arith.constant 0 : i32
        %dma_wait3A_752 = arith.constant 0 : i32
        %dma_wait3A_753 = tpu.memref_slice %arg11[%dma_wait3A_751, %dma_wait3A_752] : memref<10240x128xf32, #tpu.memory_space<vmem_shared>> -> memref<10240x128xf32, #tpu.memory_space<vmem_shared>>
        tpu.wait_indirect_dma semaphore(%run_scoped3A_733 : memref<!tpu.dma_semaphore, #tpu.memory_space<semaphore_mem>>) src(%dma_wait3A_747 : memref<128x128xf32, #tpu.memory_space<vmem>>) dst(%dma_wait3A_753 : memref<10240x128xf32, #tpu.memory_space<vmem_shared>>)
        tpu.yield
      }) : () -> ()
      %dma_start3A_340 = arith.constant 5 : i32
      %dma_start3A_341 = arith.constant 1 : i32
      %dma_start3A_342 = arith.constant 0 : i32
      %dma_start3A_343 = arith.constant 0 : i32
      %dma_start3A_344 = tpu.memref_slice %arg10[%dma_start3A_341, %dma_start3A_342, %dma_start3A_343] : memref<2x128x128xf32, #tpu.memory_space<vmem>> -> memref<1x128x128xf32, #tpu.memory_space<vmem>>
      %dma_start3A_345 = tpu.memref_squeeze %dma_start3A_344 : memref<1x128x128xf32, #tpu.memory_space<vmem>> -> memref<128x128xf32, #tpu.memory_space<vmem>>
      %dma_start3A_346 = arith.constant 0 : i32
      %dma_start3A_347 = tpu.memref_slice %arg8[%rem3A_77, %dma_start3A_340, %dma_start3A_346] : memref<2x8x128xi32, #tpu.memory_space<vmem>> -> memref<1x1x128xi32, #tpu.memory_space<vmem>>
      %dma_start3A_348 = tpu.memref_squeeze %dma_start3A_347 : memref<1x1x128xi32, #tpu.memory_space<vmem>> -> memref<128xi32, #tpu.memory_space<vmem>>
      %dma_start3A_349 = arith.constant 0 : i32
      %dma_start3A_350 = arith.constant 0 : i32
      %dma_start3A_351 = tpu.memref_slice %arg4[%dma_start3A_349, %dma_start3A_350] : memref<10000x128xf32, #tpu.memory_space<hbm>> -> memref<10000x128xf32, #tpu.memory_space<hbm>>
      tpu.enqueue_indirect_dma source(%dma_start3A_351 : memref<10000x128xf32, #tpu.memory_space<hbm>>) target(%dma_start3A_345 : memref<128x128xf32, #tpu.memory_space<vmem>>) offsets(%dma_start3A_348 : memref<128xi32, #tpu.memory_space<vmem>>) semaphore(%arg13 : memref<!tpu.dma_semaphore, #tpu.memory_space<semaphore_mem>>)
      %get3A_352 = arith.constant 3 : i32
      %get3A_353 = arith.index_cast %rem3A_77 : i32 to index
      %get3A_354 = arith.index_cast %get3A_352 : i32 to index
      %get3A_355 = arith.constant 0 : index
      %get3A_356 = tpu.vector_load %arg9[%get3A_353, %get3A_354, %get3A_355] {strides = array<i32>} : memref<2x8x128xi32, #tpu.memory_space<vmem>>, vector<16xi32>,
      %broadcast_in_dim3A_357 = arith.constant 1.000000e+00 : f32
      %broadcast_in_dim3A_358 = vector.broadcast %broadcast_in_dim3A_357 : f32 to vector<16xf32>
      tpu.vector_store_idx %arg15[%get3A_356], %broadcast_in_dim3A_358 {add = true} : memref<10240xf32, #tpu.memory_space<vmem>>[vector<16xi32>], vector<16xf32>,
      %get3A_359 = arith.constant 3 : i32
      %get3A_360 = arith.index_cast %rem3A_77 : i32 to index
      %get3A_361 = arith.index_cast %get3A_359 : i32 to index
      %get3A_362 = arith.constant 16 : index
      %get3A_363 = tpu.vector_load %arg9[%get3A_360, %get3A_361, %get3A_362] {strides = array<i32>} : memref<2x8x128xi32, #tpu.memory_space<vmem>>, vector<16xi32>,
      %broadcast_in_dim3A_364 = arith.constant 1.000000e+00 : f32
      %broadcast_in_dim3A_365 = vector.broadcast %broadcast_in_dim3A_364 : f32 to vector<16xf32>
      tpu.vector_store_idx %arg15[%get3A_363], %broadcast_in_dim3A_365 {add = true} : memref<10240xf32, #tpu.memory_space<vmem>>[vector<16xi32>], vector<16xf32>,
      %get3A_366 = arith.constant 3 : i32
      %get3A_367 = arith.index_cast %rem3A_77 : i32 to index
      %get3A_368 = arith.index_cast %get3A_366 : i32 to index
      %get3A_369 = arith.constant 32 : index
      %get3A_370 = tpu.vector_load %arg9[%get3A_367, %get3A_368, %get3A_369] {strides = array<i32>} : memref<2x8x128xi32, #tpu.memory_space<vmem>>, vector<16xi32>,
      %broadcast_in_dim3A_371 = arith.constant 1.000000e+00 : f32
      %broadcast_in_dim3A_372 = vector.broadcast %broadcast_in_dim3A_371 : f32 to vector<16xf32>
      tpu.vector_store_idx %arg15[%get3A_370], %broadcast_in_dim3A_372 {add = true} : memref<10240xf32, #tpu.memory_space<vmem>>[vector<16xi32>], vector<16xf32>,
      %get3A_373 = arith.constant 3 : i32
      %get3A_374 = arith.index_cast %rem3A_77 : i32 to index
      %get3A_375 = arith.index_cast %get3A_373 : i32 to index
      %get3A_376 = arith.constant 48 : index
      %get3A_377 = tpu.vector_load %arg9[%get3A_374, %get3A_375, %get3A_376] {strides = array<i32>} : memref<2x8x128xi32, #tpu.memory_space<vmem>>, vector<16xi32>,
      %broadcast_in_dim3A_378 = arith.constant 1.000000e+00 : f32
      %broadcast_in_dim3A_379 = vector.broadcast %broadcast_in_dim3A_378 : f32 to vector<16xf32>
      tpu.vector_store_idx %arg15[%get3A_377], %broadcast_in_dim3A_379 {add = true} : memref<10240xf32, #tpu.memory_space<vmem>>[vector<16xi32>], vector<16xf32>,
      %get3A_380 = arith.constant 3 : i32
      %get3A_381 = arith.index_cast %rem3A_77 : i32 to index
      %get3A_382 = arith.index_cast %get3A_380 : i32 to index
      %get3A_383 = arith.constant 64 : index
      %get3A_384 = tpu.vector_load %arg9[%get3A_381, %get3A_382, %get3A_383] {strides = array<i32>} : memref<2x8x128xi32, #tpu.memory_space<vmem>>, vector<16xi32>,
      %broadcast_in_dim3A_385 = arith.constant 1.000000e+00 : f32
      %broadcast_in_dim3A_386 = vector.broadcast %broadcast_in_dim3A_385 : f32 to vector<16xf32>
      tpu.vector_store_idx %arg15[%get3A_384], %broadcast_in_dim3A_386 {add = true} : memref<10240xf32, #tpu.memory_space<vmem>>[vector<16xi32>], vector<16xf32>,
      %get3A_387 = arith.constant 3 : i32
      %get3A_388 = arith.index_cast %rem3A_77 : i32 to index
      %get3A_389 = arith.index_cast %get3A_387 : i32 to index
      %get3A_390 = arith.constant 80 : index
      %get3A_391 = tpu.vector_load %arg9[%get3A_388, %get3A_389, %get3A_390] {strides = array<i32>} : memref<2x8x128xi32, #tpu.memory_space<vmem>>, vector<16xi32>,
      %broadcast_in_dim3A_392 = arith.constant 1.000000e+00 : f32
      %broadcast_in_dim3A_393 = vector.broadcast %broadcast_in_dim3A_392 : f32 to vector<16xf32>
      tpu.vector_store_idx %arg15[%get3A_391], %broadcast_in_dim3A_393 {add = true} : memref<10240xf32, #tpu.memory_space<vmem>>[vector<16xi32>], vector<16xf32>,
      %get3A_394 = arith.constant 3 : i32
      %get3A_395 = arith.index_cast %rem3A_77 : i32 to index
      %get3A_396 = arith.index_cast %get3A_394 : i32 to index
      %get3A_397 = arith.constant 96 : index
      %get3A_398 = tpu.vector_load %arg9[%get3A_395, %get3A_396, %get3A_397] {strides = array<i32>} : memref<2x8x128xi32, #tpu.memory_space<vmem>>, vector<16xi32>,
      %broadcast_in_dim3A_399 = arith.constant 1.000000e+00 : f32
      %broadcast_in_dim3A_400 = vector.broadcast %broadcast_in_dim3A_399 : f32 to vector<16xf32>
      tpu.vector_store_idx %arg15[%get3A_398], %broadcast_in_dim3A_400 {add = true} : memref<10240xf32, #tpu.memory_space<vmem>>[vector<16xi32>], vector<16xf32>,
      %get3A_401 = arith.constant 3 : i32
      %get3A_402 = arith.index_cast %rem3A_77 : i32 to index
      %get3A_403 = arith.index_cast %get3A_401 : i32 to index
      %get3A_404 = arith.constant 112 : index
      %get3A_405 = tpu.vector_load %arg9[%get3A_402, %get3A_403, %get3A_404] {strides = array<i32>} : memref<2x8x128xi32, #tpu.memory_space<vmem>>, vector<16xi32>,
      %broadcast_in_dim3A_406 = arith.constant 1.000000e+00 : f32
      %broadcast_in_dim3A_407 = vector.broadcast %broadcast_in_dim3A_406 : f32 to vector<16xf32>
      tpu.vector_store_idx %arg15[%get3A_405], %broadcast_in_dim3A_407 {add = true} : memref<10240xf32, #tpu.memory_space<vmem>>[vector<16xi32>], vector<16xf32>,
      %dma_wait3A_408 = arith.constant 4 : i32
      %dma_wait3A_409 = arith.constant 0 : i32
      %dma_wait3A_410 = arith.constant 0 : i32
      %dma_wait3A_411 = arith.constant 0 : i32
      %dma_wait3A_412 = tpu.memref_slice %arg10[%dma_wait3A_409, %dma_wait3A_410, %dma_wait3A_411] : memref<2x128x128xf32, #tpu.memory_space<vmem>> -> memref<1x128x128xf32, #tpu.memory_space<vmem>>
      %dma_wait3A_413 = tpu.memref_squeeze %dma_wait3A_412 : memref<1x128x128xf32, #tpu.memory_space<vmem>> -> memref<128x128xf32, #tpu.memory_space<vmem>>
      %dma_wait3A_414 = arith.constant 0 : i32
      %dma_wait3A_415 = tpu.memref_slice %arg8[%rem3A_77, %dma_wait3A_408, %dma_wait3A_414] : memref<2x8x128xi32, #tpu.memory_space<vmem>> -> memref<1x1x128xi32, #tpu.memory_space<vmem>>
      %dma_wait3A_416 = tpu.memref_squeeze %dma_wait3A_415 : memref<1x1x128xi32, #tpu.memory_space<vmem>> -> memref<128xi32, #tpu.memory_space<vmem>>
      %dma_wait3A_417 = arith.constant 0 : i32
      %dma_wait3A_418 = arith.constant 0 : i32
      %dma_wait3A_419 = tpu.memref_slice %arg4[%dma_wait3A_417, %dma_wait3A_418] : memref<10000x128xf32, #tpu.memory_space<hbm>> -> memref<10000x128xf32, #tpu.memory_space<hbm>>
      tpu.wait_indirect_dma semaphore(%arg12 : memref<!tpu.dma_semaphore, #tpu.memory_space<semaphore_mem>>) src(%dma_wait3A_419 : memref<10000x128xf32, #tpu.memory_space<hbm>>) dst(%dma_wait3A_413 : memref<128x128xf32, #tpu.memory_space<vmem>>)
      %run_scoped3A_420 = arith.constant 0 : i32
      %run_scoped3A_421 = arith.constant 4 : i32
      "tpu.region"() ({
        %run_scoped3A_733 = tpu.sem_alloc : memref<!tpu.dma_semaphore, #tpu.memory_space<semaphore_mem>>
        %dma_start3A_734 = arith.constant 0 : i32
        %dma_start3A_735 = arith.constant 0 : i32
        %dma_start3A_736 = tpu.memref_slice %arg10[%run_scoped3A_420, %dma_start3A_734, %dma_start3A_735] : memref<2x128x128xf32, #tpu.memory_space<vmem>> -> memref<1x128x128xf32, #tpu.memory_space<vmem>>
        %dma_start3A_737 = tpu.memref_squeeze %dma_start3A_736 : memref<1x128x128xf32, #tpu.memory_space<vmem>> -> memref<128x128xf32, #tpu.memory_space<vmem>>
        %dma_start3A_738 = arith.constant 0 : i32
        %dma_start3A_739 = tpu.memref_slice %arg9[%rem3A_77, %run_scoped3A_421, %dma_start3A_738] : memref<2x8x128xi32, #tpu.memory_space<vmem>> -> memref<1x1x128xi32, #tpu.memory_space<vmem>>
        %dma_start3A_740 = tpu.memref_squeeze %dma_start3A_739 : memref<1x1x128xi32, #tpu.memory_space<vmem>> -> memref<128xi32, #tpu.memory_space<vmem>>
        %dma_start3A_741 = arith.constant 0 : i32
        %dma_start3A_742 = arith.constant 0 : i32
        %dma_start3A_743 = tpu.memref_slice %arg11[%dma_start3A_741, %dma_start3A_742] : memref<10240x128xf32, #tpu.memory_space<vmem_shared>> -> memref<10240x128xf32, #tpu.memory_space<vmem_shared>>
        tpu.enqueue_indirect_dma source(%dma_start3A_737 : memref<128x128xf32, #tpu.memory_space<vmem>>) target(%dma_start3A_743 : memref<10240x128xf32, #tpu.memory_space<vmem_shared>>) offsets(%dma_start3A_740 : memref<128xi32, #tpu.memory_space<vmem>>) semaphore(%run_scoped3A_733 : memref<!tpu.dma_semaphore, #tpu.memory_space<semaphore_mem>>) {add = true}
        %dma_wait3A_744 = arith.constant 0 : i32
        %dma_wait3A_745 = arith.constant 0 : i32
        %dma_wait3A_746 = tpu.memref_slice %arg10[%run_scoped3A_420, %dma_wait3A_744, %dma_wait3A_745] : memref<2x128x128xf32, #tpu.memory_space<vmem>> -> memref<1x128x128xf32, #tpu.memory_space<vmem>>
        %dma_wait3A_747 = tpu.memref_squeeze %dma_wait3A_746 : memref<1x128x128xf32, #tpu.memory_space<vmem>> -> memref<128x128xf32, #tpu.memory_space<vmem>>
        %dma_wait3A_748 = arith.constant 0 : i32
        %dma_wait3A_749 = tpu.memref_slice %arg9[%rem3A_77, %run_scoped3A_421, %dma_wait3A_748] : memref<2x8x128xi32, #tpu.memory_space<vmem>> -> memref<1x1x128xi32, #tpu.memory_space<vmem>>
        %dma_wait3A_750 = tpu.memref_squeeze %dma_wait3A_749 : memref<1x1x128xi32, #tpu.memory_space<vmem>> -> memref<128xi32, #tpu.memory_space<vmem>>
        %dma_wait3A_751 = arith.constant 0 : i32
        %dma_wait3A_752 = arith.constant 0 : i32
        %dma_wait3A_753 = tpu.memref_slice %arg11[%dma_wait3A_751, %dma_wait3A_752] : memref<10240x128xf32, #tpu.memory_space<vmem_shared>> -> memref<10240x128xf32, #tpu.memory_space<vmem_shared>>
        tpu.wait_indirect_dma semaphore(%run_scoped3A_733 : memref<!tpu.dma_semaphore, #tpu.memory_space<semaphore_mem>>) src(%dma_wait3A_747 : memref<128x128xf32, #tpu.memory_space<vmem>>) dst(%dma_wait3A_753 : memref<10240x128xf32, #tpu.memory_space<vmem_shared>>)
        tpu.yield
      }) : () -> ()
      %dma_start3A_422 = arith.constant 6 : i32
      %dma_start3A_423 = arith.constant 0 : i32
      %dma_start3A_424 = arith.constant 0 : i32
      %dma_start3A_425 = arith.constant 0 : i32
      %dma_start3A_426 = tpu.memref_slice %arg10[%dma_start3A_423, %dma_start3A_424, %dma_start3A_425] : memref<2x128x128xf32, #tpu.memory_space<vmem>> -> memref<1x128x128xf32, #tpu.memory_space<vmem>>
      %dma_start3A_427 = tpu.memref_squeeze %dma_start3A_426 : memref<1x128x128xf32, #tpu.memory_space<vmem>> -> memref<128x128xf32, #tpu.memory_space<vmem>>
      %dma_start3A_428 = arith.constant 0 : i32
      %dma_start3A_429 = tpu.memref_slice %arg8[%rem3A_77, %dma_start3A_422, %dma_start3A_428] : memref<2x8x128xi32, #tpu.memory_space<vmem>> -> memref<1x1x128xi32, #tpu.memory_space<vmem>>
      %dma_start3A_430 = tpu.memref_squeeze %dma_start3A_429 : memref<1x1x128xi32, #tpu.memory_space<vmem>> -> memref<128xi32, #tpu.memory_space<vmem>>
      %dma_start3A_431 = arith.constant 0 : i32
      %dma_start3A_432 = arith.constant 0 : i32
      %dma_start3A_433 = tpu.memref_slice %arg4[%dma_start3A_431, %dma_start3A_432] : memref<10000x128xf32, #tpu.memory_space<hbm>> -> memref<10000x128xf32, #tpu.memory_space<hbm>>
      tpu.enqueue_indirect_dma source(%dma_start3A_433 : memref<10000x128xf32, #tpu.memory_space<hbm>>) target(%dma_start3A_427 : memref<128x128xf32, #tpu.memory_space<vmem>>) offsets(%dma_start3A_430 : memref<128xi32, #tpu.memory_space<vmem>>) semaphore(%arg12 : memref<!tpu.dma_semaphore, #tpu.memory_space<semaphore_mem>>)
      %get3A_434 = arith.constant 4 : i32
      %get3A_435 = arith.index_cast %rem3A_77 : i32 to index
      %get3A_436 = arith.index_cast %get3A_434 : i32 to index
      %get3A_437 = arith.constant 0 : index
      %get3A_438 = tpu.vector_load %arg9[%get3A_435, %get3A_436, %get3A_437] {strides = array<i32>} : memref<2x8x128xi32, #tpu.memory_space<vmem>>, vector<16xi32>,
      %broadcast_in_dim3A_439 = arith.constant 1.000000e+00 : f32
      %broadcast_in_dim3A_440 = vector.broadcast %broadcast_in_dim3A_439 : f32 to vector<16xf32>
      tpu.vector_store_idx %arg15[%get3A_438], %broadcast_in_dim3A_440 {add = true} : memref<10240xf32, #tpu.memory_space<vmem>>[vector<16xi32>], vector<16xf32>,
      %get3A_441 = arith.constant 4 : i32
      %get3A_442 = arith.index_cast %rem3A_77 : i32 to index
      %get3A_443 = arith.index_cast %get3A_441 : i32 to index
      %get3A_444 = arith.constant 16 : index
      %get3A_445 = tpu.vector_load %arg9[%get3A_442, %get3A_443, %get3A_444] {strides = array<i32>} : memref<2x8x128xi32, #tpu.memory_space<vmem>>, vector<16xi32>,
      %broadcast_in_dim3A_446 = arith.constant 1.000000e+00 : f32
      %broadcast_in_dim3A_447 = vector.broadcast %broadcast_in_dim3A_446 : f32 to vector<16xf32>
      tpu.vector_store_idx %arg15[%get3A_445], %broadcast_in_dim3A_447 {add = true} : memref<10240xf32, #tpu.memory_space<vmem>>[vector<16xi32>], vector<16xf32>,
      %get3A_448 = arith.constant 4 : i32
      %get3A_449 = arith.index_cast %rem3A_77 : i32 to index
      %get3A_450 = arith.index_cast %get3A_448 : i32 to index
      %get3A_451 = arith.constant 32 : index
      %get3A_452 = tpu.vector_load %arg9[%get3A_449, %get3A_450, %get3A_451] {strides = array<i32>} : memref<2x8x128xi32, #tpu.memory_space<vmem>>, vector<16xi32>,
      %broadcast_in_dim3A_453 = arith.constant 1.000000e+00 : f32
      %broadcast_in_dim3A_454 = vector.broadcast %broadcast_in_dim3A_453 : f32 to vector<16xf32>
      tpu.vector_store_idx %arg15[%get3A_452], %broadcast_in_dim3A_454 {add = true} : memref<10240xf32, #tpu.memory_space<vmem>>[vector<16xi32>], vector<16xf32>,
      %get3A_455 = arith.constant 4 : i32
      %get3A_456 = arith.index_cast %rem3A_77 : i32 to index
      %get3A_457 = arith.index_cast %get3A_455 : i32 to index
      %get3A_458 = arith.constant 48 : index
      %get3A_459 = tpu.vector_load %arg9[%get3A_456, %get3A_457, %get3A_458] {strides = array<i32>} : memref<2x8x128xi32, #tpu.memory_space<vmem>>, vector<16xi32>,
      %broadcast_in_dim3A_460 = arith.constant 1.000000e+00 : f32
      %broadcast_in_dim3A_461 = vector.broadcast %broadcast_in_dim3A_460 : f32 to vector<16xf32>
      tpu.vector_store_idx %arg15[%get3A_459], %broadcast_in_dim3A_461 {add = true} : memref<10240xf32, #tpu.memory_space<vmem>>[vector<16xi32>], vector<16xf32>,
      %get3A_462 = arith.constant 4 : i32
      %get3A_463 = arith.index_cast %rem3A_77 : i32 to index
      %get3A_464 = arith.index_cast %get3A_462 : i32 to index
      %get3A_465 = arith.constant 64 : index
      %get3A_466 = tpu.vector_load %arg9[%get3A_463, %get3A_464, %get3A_465] {strides = array<i32>} : memref<2x8x128xi32, #tpu.memory_space<vmem>>, vector<16xi32>,
      %broadcast_in_dim3A_467 = arith.constant 1.000000e+00 : f32
      %broadcast_in_dim3A_468 = vector.broadcast %broadcast_in_dim3A_467 : f32 to vector<16xf32>
      tpu.vector_store_idx %arg15[%get3A_466], %broadcast_in_dim3A_468 {add = true} : memref<10240xf32, #tpu.memory_space<vmem>>[vector<16xi32>], vector<16xf32>,
      %get3A_469 = arith.constant 4 : i32
      %get3A_470 = arith.index_cast %rem3A_77 : i32 to index
      %get3A_471 = arith.index_cast %get3A_469 : i32 to index
      %get3A_472 = arith.constant 80 : index
      %get3A_473 = tpu.vector_load %arg9[%get3A_470, %get3A_471, %get3A_472] {strides = array<i32>} : memref<2x8x128xi32, #tpu.memory_space<vmem>>, vector<16xi32>,
      %broadcast_in_dim3A_474 = arith.constant 1.000000e+00 : f32
      %broadcast_in_dim3A_475 = vector.broadcast %broadcast_in_dim3A_474 : f32 to vector<16xf32>
      tpu.vector_store_idx %arg15[%get3A_473], %broadcast_in_dim3A_475 {add = true} : memref<10240xf32, #tpu.memory_space<vmem>>[vector<16xi32>], vector<16xf32>,
      %get3A_476 = arith.constant 4 : i32
      %get3A_477 = arith.index_cast %rem3A_77 : i32 to index
      %get3A_478 = arith.index_cast %get3A_476 : i32 to index
      %get3A_479 = arith.constant 96 : index
      %get3A_480 = tpu.vector_load %arg9[%get3A_477, %get3A_478, %get3A_479] {strides = array<i32>} : memref<2x8x128xi32, #tpu.memory_space<vmem>>, vector<16xi32>,
      %broadcast_in_dim3A_481 = arith.constant 1.000000e+00 : f32
      %broadcast_in_dim3A_482 = vector.broadcast %broadcast_in_dim3A_481 : f32 to vector<16xf32>
      tpu.vector_store_idx %arg15[%get3A_480], %broadcast_in_dim3A_482 {add = true} : memref<10240xf32, #tpu.memory_space<vmem>>[vector<16xi32>], vector<16xf32>,
      %get3A_483 = arith.constant 4 : i32
      %get3A_484 = arith.index_cast %rem3A_77 : i32 to index
      %get3A_485 = arith.index_cast %get3A_483 : i32 to index
      %get3A_486 = arith.constant 112 : index
      %get3A_487 = tpu.vector_load %arg9[%get3A_484, %get3A_485, %get3A_486] {strides = array<i32>} : memref<2x8x128xi32, #tpu.memory_space<vmem>>, vector<16xi32>,
      %broadcast_in_dim3A_488 = arith.constant 1.000000e+00 : f32
      %broadcast_in_dim3A_489 = vector.broadcast %broadcast_in_dim3A_488 : f32 to vector<16xf32>
      tpu.vector_store_idx %arg15[%get3A_487], %broadcast_in_dim3A_489 {add = true} : memref<10240xf32, #tpu.memory_space<vmem>>[vector<16xi32>], vector<16xf32>,
      %dma_wait3A_490 = arith.constant 5 : i32
      %dma_wait3A_491 = arith.constant 1 : i32
      %dma_wait3A_492 = arith.constant 0 : i32
      %dma_wait3A_493 = arith.constant 0 : i32
      %dma_wait3A_494 = tpu.memref_slice %arg10[%dma_wait3A_491, %dma_wait3A_492, %dma_wait3A_493] : memref<2x128x128xf32, #tpu.memory_space<vmem>> -> memref<1x128x128xf32, #tpu.memory_space<vmem>>
      %dma_wait3A_495 = tpu.memref_squeeze %dma_wait3A_494 : memref<1x128x128xf32, #tpu.memory_space<vmem>> -> memref<128x128xf32, #tpu.memory_space<vmem>>
      %dma_wait3A_496 = arith.constant 0 : i32
      %dma_wait3A_497 = tpu.memref_slice %arg8[%rem3A_77, %dma_wait3A_490, %dma_wait3A_496] : memref<2x8x128xi32, #tpu.memory_space<vmem>> -> memref<1x1x128xi32, #tpu.memory_space<vmem>>
      %dma_wait3A_498 = tpu.memref_squeeze %dma_wait3A_497 : memref<1x1x128xi32, #tpu.memory_space<vmem>> -> memref<128xi32, #tpu.memory_space<vmem>>
      %dma_wait3A_499 = arith.constant 0 : i32
      %dma_wait3A_500 = arith.constant 0 : i32
      %dma_wait3A_501 = tpu.memref_slice %arg4[%dma_wait3A_499, %dma_wait3A_500] : memref<10000x128xf32, #tpu.memory_space<hbm>> -> memref<10000x128xf32, #tpu.memory_space<hbm>>
      tpu.wait_indirect_dma semaphore(%arg13 : memref<!tpu.dma_semaphore, #tpu.memory_space<semaphore_mem>>) src(%dma_wait3A_501 : memref<10000x128xf32, #tpu.memory_space<hbm>>) dst(%dma_wait3A_495 : memref<128x128xf32, #tpu.memory_space<vmem>>)
      %run_scoped3A_502 = arith.constant 1 : i32
      %run_scoped3A_503 = arith.constant 5 : i32
      "tpu.region"() ({
        %run_scoped3A_733 = tpu.sem_alloc : memref<!tpu.dma_semaphore, #tpu.memory_space<semaphore_mem>>
        %dma_start3A_734 = arith.constant 0 : i32
        %dma_start3A_735 = arith.constant 0 : i32
        %dma_start3A_736 = tpu.memref_slice %arg10[%run_scoped3A_502, %dma_start3A_734, %dma_start3A_735] : memref<2x128x128xf32, #tpu.memory_space<vmem>> -> memref<1x128x128xf32, #tpu.memory_space<vmem>>
        %dma_start3A_737 = tpu.memref_squeeze %dma_start3A_736 : memref<1x128x128xf32, #tpu.memory_space<vmem>> -> memref<128x128xf32, #tpu.memory_space<vmem>>
        %dma_start3A_738 = arith.constant 0 : i32
        %dma_start3A_739 = tpu.memref_slice %arg9[%rem3A_77, %run_scoped3A_503, %dma_start3A_738] : memref<2x8x128xi32, #tpu.memory_space<vmem>> -> memref<1x1x128xi32, #tpu.memory_space<vmem>>
        %dma_start3A_740 = tpu.memref_squeeze %dma_start3A_739 : memref<1x1x128xi32, #tpu.memory_space<vmem>> -> memref<128xi32, #tpu.memory_space<vmem>>
        %dma_start3A_741 = arith.constant 0 : i32
        %dma_start3A_742 = arith.constant 0 : i32
        %dma_start3A_743 = tpu.memref_slice %arg11[%dma_start3A_741, %dma_start3A_742] : memref<10240x128xf32, #tpu.memory_space<vmem_shared>> -> memref<10240x128xf32, #tpu.memory_space<vmem_shared>>
        tpu.enqueue_indirect_dma source(%dma_start3A_737 : memref<128x128xf32, #tpu.memory_space<vmem>>) target(%dma_start3A_743 : memref<10240x128xf32, #tpu.memory_space<vmem_shared>>) offsets(%dma_start3A_740 : memref<128xi32, #tpu.memory_space<vmem>>) semaphore(%run_scoped3A_733 : memref<!tpu.dma_semaphore, #tpu.memory_space<semaphore_mem>>) {add = true}
        %dma_wait3A_744 = arith.constant 0 : i32
        %dma_wait3A_745 = arith.constant 0 : i32
        %dma_wait3A_746 = tpu.memref_slice %arg10[%run_scoped3A_502, %dma_wait3A_744, %dma_wait3A_745] : memref<2x128x128xf32, #tpu.memory_space<vmem>> -> memref<1x128x128xf32, #tpu.memory_space<vmem>>
        %dma_wait3A_747 = tpu.memref_squeeze %dma_wait3A_746 : memref<1x128x128xf32, #tpu.memory_space<vmem>> -> memref<128x128xf32, #tpu.memory_space<vmem>>
        %dma_wait3A_748 = arith.constant 0 : i32
        %dma_wait3A_749 = tpu.memref_slice %arg9[%rem3A_77, %run_scoped3A_503, %dma_wait3A_748] : memref<2x8x128xi32, #tpu.memory_space<vmem>> -> memref<1x1x128xi32, #tpu.memory_space<vmem>>
        %dma_wait3A_750 = tpu.memref_squeeze %dma_wait3A_749 : memref<1x1x128xi32, #tpu.memory_space<vmem>> -> memref<128xi32, #tpu.memory_space<vmem>>
        %dma_wait3A_751 = arith.constant 0 : i32
        %dma_wait3A_752 = arith.constant 0 : i32
        %dma_wait3A_753 = tpu.memref_slice %arg11[%dma_wait3A_751, %dma_wait3A_752] : memref<10240x128xf32, #tpu.memory_space<vmem_shared>> -> memref<10240x128xf32, #tpu.memory_space<vmem_shared>>
        tpu.wait_indirect_dma semaphore(%run_scoped3A_733 : memref<!tpu.dma_semaphore, #tpu.memory_space<semaphore_mem>>) src(%dma_wait3A_747 : memref<128x128xf32, #tpu.memory_space<vmem>>) dst(%dma_wait3A_753 : memref<10240x128xf32, #tpu.memory_space<vmem_shared>>)
        tpu.yield
      }) : () -> ()
      %dma_start3A_504 = arith.constant 7 : i32
      %dma_start3A_505 = arith.constant 1 : i32
      %dma_start3A_506 = arith.constant 0 : i32
      %dma_start3A_507 = arith.constant 0 : i32
      %dma_start3A_508 = tpu.memref_slice %arg10[%dma_start3A_505, %dma_start3A_506, %dma_start3A_507] : memref<2x128x128xf32, #tpu.memory_space<vmem>> -> memref<1x128x128xf32, #tpu.memory_space<vmem>>
      %dma_start3A_509 = tpu.memref_squeeze %dma_start3A_508 : memref<1x128x128xf32, #tpu.memory_space<vmem>> -> memref<128x128xf32, #tpu.memory_space<vmem>>
      %dma_start3A_510 = arith.constant 0 : i32
      %dma_start3A_511 = tpu.memref_slice %arg8[%rem3A_77, %dma_start3A_504, %dma_start3A_510] : memref<2x8x128xi32, #tpu.memory_space<vmem>> -> memref<1x1x128xi32, #tpu.memory_space<vmem>>
      %dma_start3A_512 = tpu.memref_squeeze %dma_start3A_511 : memref<1x1x128xi32, #tpu.memory_space<vmem>> -> memref<128xi32, #tpu.memory_space<vmem>>
      %dma_start3A_513 = arith.constant 0 : i32
      %dma_start3A_514 = arith.constant 0 : i32
      %dma_start3A_515 = tpu.memref_slice %arg4[%dma_start3A_513, %dma_start3A_514] : memref<10000x128xf32, #tpu.memory_space<hbm>> -> memref<10000x128xf32, #tpu.memory_space<hbm>>
      tpu.enqueue_indirect_dma source(%dma_start3A_515 : memref<10000x128xf32, #tpu.memory_space<hbm>>) target(%dma_start3A_509 : memref<128x128xf32, #tpu.memory_space<vmem>>) offsets(%dma_start3A_512 : memref<128xi32, #tpu.memory_space<vmem>>) semaphore(%arg13 : memref<!tpu.dma_semaphore, #tpu.memory_space<semaphore_mem>>)
      %get3A_516 = arith.constant 5 : i32
      %get3A_517 = arith.index_cast %rem3A_77 : i32 to index
      %get3A_518 = arith.index_cast %get3A_516 : i32 to index
      %get3A_519 = arith.constant 0 : index
      %get3A_520 = tpu.vector_load %arg9[%get3A_517, %get3A_518, %get3A_519] {strides = array<i32>} : memref<2x8x128xi32, #tpu.memory_space<vmem>>, vector<16xi32>,
      %broadcast_in_dim3A_521 = arith.constant 1.000000e+00 : f32
      %broadcast_in_dim3A_522 = vector.broadcast %broadcast_in_dim3A_521 : f32 to vector<16xf32>
      tpu.vector_store_idx %arg15[%get3A_520], %broadcast_in_dim3A_522 {add = true} : memref<10240xf32, #tpu.memory_space<vmem>>[vector<16xi32>], vector<16xf32>,
      %get3A_523 = arith.constant 5 : i32
      %get3A_524 = arith.index_cast %rem3A_77 : i32 to index
      %get3A_525 = arith.index_cast %get3A_523 : i32 to index
      %get3A_526 = arith.constant 16 : index
      %get3A_527 = tpu.vector_load %arg9[%get3A_524, %get3A_525, %get3A_526] {strides = array<i32>} : memref<2x8x128xi32, #tpu.memory_space<vmem>>, vector<16xi32>,
      %broadcast_in_dim3A_528 = arith.constant 1.000000e+00 : f32
      %broadcast_in_dim3A_529 = vector.broadcast %broadcast_in_dim3A_528 : f32 to vector<16xf32>
      tpu.vector_store_idx %arg15[%get3A_527], %broadcast_in_dim3A_529 {add = true} : memref<10240xf32, #tpu.memory_space<vmem>>[vector<16xi32>], vector<16xf32>,
      %get3A_530 = arith.constant 5 : i32
      %get3A_531 = arith.index_cast %rem3A_77 : i32 to index
      %get3A_532 = arith.index_cast %get3A_530 : i32 to index
      %get3A_533 = arith.constant 32 : index
      %get3A_534 = tpu.vector_load %arg9[%get3A_531, %get3A_532, %get3A_533] {strides = array<i32>} : memref<2x8x128xi32, #tpu.memory_space<vmem>>, vector<16xi32>,
      %broadcast_in_dim3A_535 = arith.constant 1.000000e+00 : f32
      %broadcast_in_dim3A_536 = vector.broadcast %broadcast_in_dim3A_535 : f32 to vector<16xf32>
      tpu.vector_store_idx %arg15[%get3A_534], %broadcast_in_dim3A_536 {add = true} : memref<10240xf32, #tpu.memory_space<vmem>>[vector<16xi32>], vector<16xf32>,
      %get3A_537 = arith.constant 5 : i32
      %get3A_538 = arith.index_cast %rem3A_77 : i32 to index
      %get3A_539 = arith.index_cast %get3A_537 : i32 to index
      %get3A_540 = arith.constant 48 : index
      %get3A_541 = tpu.vector_load %arg9[%get3A_538, %get3A_539, %get3A_540] {strides = array<i32>} : memref<2x8x128xi32, #tpu.memory_space<vmem>>, vector<16xi32>,
      %broadcast_in_dim3A_542 = arith.constant 1.000000e+00 : f32
      %broadcast_in_dim3A_543 = vector.broadcast %broadcast_in_dim3A_542 : f32 to vector<16xf32>
      tpu.vector_store_idx %arg15[%get3A_541], %broadcast_in_dim3A_543 {add = true} : memref<10240xf32, #tpu.memory_space<vmem>>[vector<16xi32>], vector<16xf32>,
      %get3A_544 = arith.constant 5 : i32
      %get3A_545 = arith.index_cast %rem3A_77 : i32 to index
      %get3A_546 = arith.index_cast %get3A_544 : i32 to index
      %get3A_547 = arith.constant 64 : index
      %get3A_548 = tpu.vector_load %arg9[%get3A_545, %get3A_546, %get3A_547] {strides = array<i32>} : memref<2x8x128xi32, #tpu.memory_space<vmem>>, vector<16xi32>,
      %broadcast_in_dim3A_549 = arith.constant 1.000000e+00 : f32
      %broadcast_in_dim3A_550 = vector.broadcast %broadcast_in_dim3A_549 : f32 to vector<16xf32>
      tpu.vector_store_idx %arg15[%get3A_548], %broadcast_in_dim3A_550 {add = true} : memref<10240xf32, #tpu.memory_space<vmem>>[vector<16xi32>], vector<16xf32>,
      %get3A_551 = arith.constant 5 : i32
      %get3A_552 = arith.index_cast %rem3A_77 : i32 to index
      %get3A_553 = arith.index_cast %get3A_551 : i32 to index
      %get3A_554 = arith.constant 80 : index
      %get3A_555 = tpu.vector_load %arg9[%get3A_552, %get3A_553, %get3A_554] {strides = array<i32>} : memref<2x8x128xi32, #tpu.memory_space<vmem>>, vector<16xi32>,
      %broadcast_in_dim3A_556 = arith.constant 1.000000e+00 : f32
      %broadcast_in_dim3A_557 = vector.broadcast %broadcast_in_dim3A_556 : f32 to vector<16xf32>
      tpu.vector_store_idx %arg15[%get3A_555], %broadcast_in_dim3A_557 {add = true} : memref<10240xf32, #tpu.memory_space<vmem>>[vector<16xi32>], vector<16xf32>,
      %get3A_558 = arith.constant 5 : i32
      %get3A_559 = arith.index_cast %rem3A_77 : i32 to index
      %get3A_560 = arith.index_cast %get3A_558 : i32 to index
      %get3A_561 = arith.constant 96 : index
      %get3A_562 = tpu.vector_load %arg9[%get3A_559, %get3A_560, %get3A_561] {strides = array<i32>} : memref<2x8x128xi32, #tpu.memory_space<vmem>>, vector<16xi32>,
      %broadcast_in_dim3A_563 = arith.constant 1.000000e+00 : f32
      %broadcast_in_dim3A_564 = vector.broadcast %broadcast_in_dim3A_563 : f32 to vector<16xf32>
      tpu.vector_store_idx %arg15[%get3A_562], %broadcast_in_dim3A_564 {add = true} : memref<10240xf32, #tpu.memory_space<vmem>>[vector<16xi32>], vector<16xf32>,
      %get3A_565 = arith.constant 5 : i32
      %get3A_566 = arith.index_cast %rem3A_77 : i32 to index
      %get3A_567 = arith.index_cast %get3A_565 : i32 to index
      %get3A_568 = arith.constant 112 : index
      %get3A_569 = tpu.vector_load %arg9[%get3A_566, %get3A_567, %get3A_568] {strides = array<i32>} : memref<2x8x128xi32, #tpu.memory_space<vmem>>, vector<16xi32>,
      %broadcast_in_dim3A_570 = arith.constant 1.000000e+00 : f32
      %broadcast_in_dim3A_571 = vector.broadcast %broadcast_in_dim3A_570 : f32 to vector<16xf32>
      tpu.vector_store_idx %arg15[%get3A_569], %broadcast_in_dim3A_571 {add = true} : memref<10240xf32, #tpu.memory_space<vmem>>[vector<16xi32>], vector<16xf32>,
      %dma_wait3A_572 = arith.constant 6 : i32
      %dma_wait3A_573 = arith.constant 0 : i32
      %dma_wait3A_574 = arith.constant 0 : i32
      %dma_wait3A_575 = arith.constant 0 : i32
      %dma_wait3A_576 = tpu.memref_slice %arg10[%dma_wait3A_573, %dma_wait3A_574, %dma_wait3A_575] : memref<2x128x128xf32, #tpu.memory_space<vmem>> -> memref<1x128x128xf32, #tpu.memory_space<vmem>>
      %dma_wait3A_577 = tpu.memref_squeeze %dma_wait3A_576 : memref<1x128x128xf32, #tpu.memory_space<vmem>> -> memref<128x128xf32, #tpu.memory_space<vmem>>
      %dma_wait3A_578 = arith.constant 0 : i32
      %dma_wait3A_579 = tpu.memref_slice %arg8[%rem3A_77, %dma_wait3A_572, %dma_wait3A_578] : memref<2x8x128xi32, #tpu.memory_space<vmem>> -> memref<1x1x128xi32, #tpu.memory_space<vmem>>
      %dma_wait3A_580 = tpu.memref_squeeze %dma_wait3A_579 : memref<1x1x128xi32, #tpu.memory_space<vmem>> -> memref<128xi32, #tpu.memory_space<vmem>>
      %dma_wait3A_581 = arith.constant 0 : i32
      %dma_wait3A_582 = arith.constant 0 : i32
      %dma_wait3A_583 = tpu.memref_slice %arg4[%dma_wait3A_581, %dma_wait3A_582] : memref<10000x128xf32, #tpu.memory_space<hbm>> -> memref<10000x128xf32, #tpu.memory_space<hbm>>
      tpu.wait_indirect_dma semaphore(%arg12 : memref<!tpu.dma_semaphore, #tpu.memory_space<semaphore_mem>>) src(%dma_wait3A_583 : memref<10000x128xf32, #tpu.memory_space<hbm>>) dst(%dma_wait3A_577 : memref<128x128xf32, #tpu.memory_space<vmem>>)
      %run_scoped3A_584 = arith.constant 0 : i32
      %run_scoped3A_585 = arith.constant 6 : i32
      "tpu.region"() ({
        %run_scoped3A_733 = tpu.sem_alloc : memref<!tpu.dma_semaphore, #tpu.memory_space<semaphore_mem>>
        %dma_start3A_734 = arith.constant 0 : i32
        %dma_start3A_735 = arith.constant 0 : i32
        %dma_start3A_736 = tpu.memref_slice %arg10[%run_scoped3A_584, %dma_start3A_734, %dma_start3A_735] : memref<2x128x128xf32, #tpu.memory_space<vmem>> -> memref<1x128x128xf32, #tpu.memory_space<vmem>>
        %dma_start3A_737 = tpu.memref_squeeze %dma_start3A_736 : memref<1x128x128xf32, #tpu.memory_space<vmem>> -> memref<128x128xf32, #tpu.memory_space<vmem>>
        %dma_start3A_738 = arith.constant 0 : i32
        %dma_start3A_739 = tpu.memref_slice %arg9[%rem3A_77, %run_scoped3A_585, %dma_start3A_738] : memref<2x8x128xi32, #tpu.memory_space<vmem>> -> memref<1x1x128xi32, #tpu.memory_space<vmem>>
        %dma_start3A_740 = tpu.memref_squeeze %dma_start3A_739 : memref<1x1x128xi32, #tpu.memory_space<vmem>> -> memref<128xi32, #tpu.memory_space<vmem>>
        %dma_start3A_741 = arith.constant 0 : i32
        %dma_start3A_742 = arith.constant 0 : i32
        %dma_start3A_743 = tpu.memref_slice %arg11[%dma_start3A_741, %dma_start3A_742] : memref<10240x128xf32, #tpu.memory_space<vmem_shared>> -> memref<10240x128xf32, #tpu.memory_space<vmem_shared>>
        tpu.enqueue_indirect_dma source(%dma_start3A_737 : memref<128x128xf32, #tpu.memory_space<vmem>>) target(%dma_start3A_743 : memref<10240x128xf32, #tpu.memory_space<vmem_shared>>) offsets(%dma_start3A_740 : memref<128xi32, #tpu.memory_space<vmem>>) semaphore(%run_scoped3A_733 : memref<!tpu.dma_semaphore, #tpu.memory_space<semaphore_mem>>) {add = true}
        %dma_wait3A_744 = arith.constant 0 : i32
        %dma_wait3A_745 = arith.constant 0 : i32
        %dma_wait3A_746 = tpu.memref_slice %arg10[%run_scoped3A_584, %dma_wait3A_744, %dma_wait3A_745] : memref<2x128x128xf32, #tpu.memory_space<vmem>> -> memref<1x128x128xf32, #tpu.memory_space<vmem>>
        %dma_wait3A_747 = tpu.memref_squeeze %dma_wait3A_746 : memref<1x128x128xf32, #tpu.memory_space<vmem>> -> memref<128x128xf32, #tpu.memory_space<vmem>>
        %dma_wait3A_748 = arith.constant 0 : i32
        %dma_wait3A_749 = tpu.memref_slice %arg9[%rem3A_77, %run_scoped3A_585, %dma_wait3A_748] : memref<2x8x128xi32, #tpu.memory_space<vmem>> -> memref<1x1x128xi32, #tpu.memory_space<vmem>>
        %dma_wait3A_750 = tpu.memref_squeeze %dma_wait3A_749 : memref<1x1x128xi32, #tpu.memory_space<vmem>> -> memref<128xi32, #tpu.memory_space<vmem>>
        %dma_wait3A_751 = arith.constant 0 : i32
        %dma_wait3A_752 = arith.constant 0 : i32
        %dma_wait3A_753 = tpu.memref_slice %arg11[%dma_wait3A_751, %dma_wait3A_752] : memref<10240x128xf32, #tpu.memory_space<vmem_shared>> -> memref<10240x128xf32, #tpu.memory_space<vmem_shared>>
        tpu.wait_indirect_dma semaphore(%run_scoped3A_733 : memref<!tpu.dma_semaphore, #tpu.memory_space<semaphore_mem>>) src(%dma_wait3A_747 : memref<128x128xf32, #tpu.memory_space<vmem>>) dst(%dma_wait3A_753 : memref<10240x128xf32, #tpu.memory_space<vmem_shared>>)
        tpu.yield
      }) : () -> ()
      %add3A_586 = arith.constant 1 : i32
      %add3A_587 = arith.addi %scan3A_76, %add3A_586 : i32
      %lt3A_588 = arith.constant 10 : i32
      %lt3A_589 = arith.cmpi slt, %add3A_587, %lt3A_588 : i32
      %convert_element_type3A_590 = arith.extui %lt3A_589 : i1 to i32
      %cond3A_591 = arith.constant 0 : i32
      %cond3A_592 = arith.cmpi ne, %convert_element_type3A_590, %cond3A_591 : i32
      scf.if %cond3A_592 {
        %dma_start3A_733 = arith.constant 0 : i32
        %dma_start3A_734 = arith.constant 0 : i32
        %dma_start3A_735 = arith.constant 0 : i32
        %dma_start3A_736 = arith.constant 0 : i32
        %dma_start3A_737 = tpu.memref_slice %arg10[%dma_start3A_734, %dma_start3A_735, %dma_start3A_736] : memref<2x128x128xf32, #tpu.memory_space<vmem>> -> memref<1x128x128xf32, #tpu.memory_space<vmem>>
        %dma_start3A_738 = tpu.memref_squeeze %dma_start3A_737 : memref<1x128x128xf32, #tpu.memory_space<vmem>> -> memref<128x128xf32, #tpu.memory_space<vmem>>
        %dma_start3A_739 = arith.constant 0 : i32
        %dma_start3A_740 = tpu.memref_slice %arg8[%sub3A_78, %dma_start3A_733, %dma_start3A_739] : memref<2x8x128xi32, #tpu.memory_space<vmem>> -> memref<1x1x128xi32, #tpu.memory_space<vmem>>
        %dma_start3A_741 = tpu.memref_squeeze %dma_start3A_740 : memref<1x1x128xi32, #tpu.memory_space<vmem>> -> memref<128xi32, #tpu.memory_space<vmem>>
        %dma_start3A_742 = arith.constant 0 : i32
        %dma_start3A_743 = arith.constant 0 : i32
        %dma_start3A_744 = tpu.memref_slice %arg4[%dma_start3A_742, %dma_start3A_743] : memref<10000x128xf32, #tpu.memory_space<hbm>> -> memref<10000x128xf32, #tpu.memory_space<hbm>>
        tpu.enqueue_indirect_dma source(%dma_start3A_744 : memref<10000x128xf32, #tpu.memory_space<hbm>>) target(%dma_start3A_738 : memref<128x128xf32, #tpu.memory_space<vmem>>) offsets(%dma_start3A_741 : memref<128xi32, #tpu.memory_space<vmem>>) semaphore(%arg12 : memref<!tpu.dma_semaphore, #tpu.memory_space<semaphore_mem>>)
      } else {
      }
      %get3A_593 = arith.constant 6 : i32
      %get3A_594 = arith.index_cast %rem3A_77 : i32 to index
      %get3A_595 = arith.index_cast %get3A_593 : i32 to index
      %get3A_596 = arith.constant 0 : index
      %get3A_597 = tpu.vector_load %arg9[%get3A_594, %get3A_595, %get3A_596] {strides = array<i32>} : memref<2x8x128xi32, #tpu.memory_space<vmem>>, vector<16xi32>,
      %broadcast_in_dim3A_598 = arith.constant 1.000000e+00 : f32
      %broadcast_in_dim3A_599 = vector.broadcast %broadcast_in_dim3A_598 : f32 to vector<16xf32>
      tpu.vector_store_idx %arg15[%get3A_597], %broadcast_in_dim3A_599 {add = true} : memref<10240xf32, #tpu.memory_space<vmem>>[vector<16xi32>], vector<16xf32>,
      %get3A_600 = arith.constant 6 : i32
      %get3A_601 = arith.index_cast %rem3A_77 : i32 to index
      %get3A_602 = arith.index_cast %get3A_600 : i32 to index
      %get3A_603 = arith.constant 16 : index
      %get3A_604 = tpu.vector_load %arg9[%get3A_601, %get3A_602, %get3A_603] {strides = array<i32>} : memref<2x8x128xi32, #tpu.memory_space<vmem>>, vector<16xi32>,
      %broadcast_in_dim3A_605 = arith.constant 1.000000e+00 : f32
      %broadcast_in_dim3A_606 = vector.broadcast %broadcast_in_dim3A_605 : f32 to vector<16xf32>
      tpu.vector_store_idx %arg15[%get3A_604], %broadcast_in_dim3A_606 {add = true} : memref<10240xf32, #tpu.memory_space<vmem>>[vector<16xi32>], vector<16xf32>,
      %get3A_607 = arith.constant 6 : i32
      %get3A_608 = arith.index_cast %rem3A_77 : i32 to index
      %get3A_609 = arith.index_cast %get3A_607 : i32 to index
      %get3A_610 = arith.constant 32 : index
      %get3A_611 = tpu.vector_load %arg9[%get3A_608, %get3A_609, %get3A_610] {strides = array<i32>} : memref<2x8x128xi32, #tpu.memory_space<vmem>>, vector<16xi32>,
      %broadcast_in_dim3A_612 = arith.constant 1.000000e+00 : f32
      %broadcast_in_dim3A_613 = vector.broadcast %broadcast_in_dim3A_612 : f32 to vector<16xf32>
      tpu.vector_store_idx %arg15[%get3A_611], %broadcast_in_dim3A_613 {add = true} : memref<10240xf32, #tpu.memory_space<vmem>>[vector<16xi32>], vector<16xf32>,
      %get3A_614 = arith.constant 6 : i32
      %get3A_615 = arith.index_cast %rem3A_77 : i32 to index
      %get3A_616 = arith.index_cast %get3A_614 : i32 to index
      %get3A_617 = arith.constant 48 : index
      %get3A_618 = tpu.vector_load %arg9[%get3A_615, %get3A_616, %get3A_617] {strides = array<i32>} : memref<2x8x128xi32, #tpu.memory_space<vmem>>, vector<16xi32>,
      %broadcast_in_dim3A_619 = arith.constant 1.000000e+00 : f32
      %broadcast_in_dim3A_620 = vector.broadcast %broadcast_in_dim3A_619 : f32 to vector<16xf32>
      tpu.vector_store_idx %arg15[%get3A_618], %broadcast_in_dim3A_620 {add = true} : memref<10240xf32, #tpu.memory_space<vmem>>[vector<16xi32>], vector<16xf32>,
      %get3A_621 = arith.constant 6 : i32
      %get3A_622 = arith.index_cast %rem3A_77 : i32 to index
      %get3A_623 = arith.index_cast %get3A_621 : i32 to index
      %get3A_624 = arith.constant 64 : index
      %get3A_625 = tpu.vector_load %arg9[%get3A_622, %get3A_623, %get3A_624] {strides = array<i32>} : memref<2x8x128xi32, #tpu.memory_space<vmem>>, vector<16xi32>,
      %broadcast_in_dim3A_626 = arith.constant 1.000000e+00 : f32
      %broadcast_in_dim3A_627 = vector.broadcast %broadcast_in_dim3A_626 : f32 to vector<16xf32>
      tpu.vector_store_idx %arg15[%get3A_625], %broadcast_in_dim3A_627 {add = true} : memref<10240xf32, #tpu.memory_space<vmem>>[vector<16xi32>], vector<16xf32>,
      %get3A_628 = arith.constant 6 : i32
      %get3A_629 = arith.index_cast %rem3A_77 : i32 to index
      %get3A_630 = arith.index_cast %get3A_628 : i32 to index
      %get3A_631 = arith.constant 80 : index
      %get3A_632 = tpu.vector_load %arg9[%get3A_629, %get3A_630, %get3A_631] {strides = array<i32>} : memref<2x8x128xi32, #tpu.memory_space<vmem>>, vector<16xi32>,
      %broadcast_in_dim3A_633 = arith.constant 1.000000e+00 : f32
      %broadcast_in_dim3A_634 = vector.broadcast %broadcast_in_dim3A_633 : f32 to vector<16xf32>
      tpu.vector_store_idx %arg15[%get3A_632], %broadcast_in_dim3A_634 {add = true} : memref<10240xf32, #tpu.memory_space<vmem>>[vector<16xi32>], vector<16xf32>,
      %get3A_635 = arith.constant 6 : i32
      %get3A_636 = arith.index_cast %rem3A_77 : i32 to index
      %get3A_637 = arith.index_cast %get3A_635 : i32 to index
      %get3A_638 = arith.constant 96 : index
      %get3A_639 = tpu.vector_load %arg9[%get3A_636, %get3A_637, %get3A_638] {strides = array<i32>} : memref<2x8x128xi32, #tpu.memory_space<vmem>>, vector<16xi32>,
      %broadcast_in_dim3A_640 = arith.constant 1.000000e+00 : f32
      %broadcast_in_dim3A_641 = vector.broadcast %broadcast_in_dim3A_640 : f32 to vector<16xf32>
      tpu.vector_store_idx %arg15[%get3A_639], %broadcast_in_dim3A_641 {add = true} : memref<10240xf32, #tpu.memory_space<vmem>>[vector<16xi32>], vector<16xf32>,
      %get3A_642 = arith.constant 6 : i32
      %get3A_643 = arith.index_cast %rem3A_77 : i32 to index
      %get3A_644 = arith.index_cast %get3A_642 : i32 to index
      %get3A_645 = arith.constant 112 : index
      %get3A_646 = tpu.vector_load %arg9[%get3A_643, %get3A_644, %get3A_645] {strides = array<i32>} : memref<2x8x128xi32, #tpu.memory_space<vmem>>, vector<16xi32>,
      %broadcast_in_dim3A_647 = arith.constant 1.000000e+00 : f32
      %broadcast_in_dim3A_648 = vector.broadcast %broadcast_in_dim3A_647 : f32 to vector<16xf32>
      tpu.vector_store_idx %arg15[%get3A_646], %broadcast_in_dim3A_648 {add = true} : memref<10240xf32, #tpu.memory_space<vmem>>[vector<16xi32>], vector<16xf32>,
      %dma_wait3A_649 = arith.constant 7 : i32
      %dma_wait3A_650 = arith.constant 1 : i32
      %dma_wait3A_651 = arith.constant 0 : i32
      %dma_wait3A_652 = arith.constant 0 : i32
      %dma_wait3A_653 = tpu.memref_slice %arg10[%dma_wait3A_650, %dma_wait3A_651, %dma_wait3A_652] : memref<2x128x128xf32, #tpu.memory_space<vmem>> -> memref<1x128x128xf32, #tpu.memory_space<vmem>>
      %dma_wait3A_654 = tpu.memref_squeeze %dma_wait3A_653 : memref<1x128x128xf32, #tpu.memory_space<vmem>> -> memref<128x128xf32, #tpu.memory_space<vmem>>
      %dma_wait3A_655 = arith.constant 0 : i32
      %dma_wait3A_656 = tpu.memref_slice %arg8[%rem3A_77, %dma_wait3A_649, %dma_wait3A_655] : memref<2x8x128xi32, #tpu.memory_space<vmem>> -> memref<1x1x128xi32, #tpu.memory_space<vmem>>
      %dma_wait3A_657 = tpu.memref_squeeze %dma_wait3A_656 : memref<1x1x128xi32, #tpu.memory_space<vmem>> -> memref<128xi32, #tpu.memory_space<vmem>>
      %dma_wait3A_658 = arith.constant 0 : i32
      %dma_wait3A_659 = arith.constant 0 : i32
      %dma_wait3A_660 = tpu.memref_slice %arg4[%dma_wait3A_658, %dma_wait3A_659] : memref<10000x128xf32, #tpu.memory_space<hbm>> -> memref<10000x128xf32, #tpu.memory_space<hbm>>
      tpu.wait_indirect_dma semaphore(%arg13 : memref<!tpu.dma_semaphore, #tpu.memory_space<semaphore_mem>>) src(%dma_wait3A_660 : memref<10000x128xf32, #tpu.memory_space<hbm>>) dst(%dma_wait3A_654 : memref<128x128xf32, #tpu.memory_space<vmem>>)
      %run_scoped3A_661 = arith.constant 1 : i32
      %run_scoped3A_662 = arith.constant 7 : i32
      "tpu.region"() ({
        %run_scoped3A_733 = tpu.sem_alloc : memref<!tpu.dma_semaphore, #tpu.memory_space<semaphore_mem>>
        %dma_start3A_734 = arith.constant 0 : i32
        %dma_start3A_735 = arith.constant 0 : i32
        %dma_start3A_736 = tpu.memref_slice %arg10[%run_scoped3A_661, %dma_start3A_734, %dma_start3A_735] : memref<2x128x128xf32, #tpu.memory_space<vmem>> -> memref<1x128x128xf32, #tpu.memory_space<vmem>>
        %dma_start3A_737 = tpu.memref_squeeze %dma_start3A_736 : memref<1x128x128xf32, #tpu.memory_space<vmem>> -> memref<128x128xf32, #tpu.memory_space<vmem>>
        %dma_start3A_738 = arith.constant 0 : i32
        %dma_start3A_739 = tpu.memref_slice %arg9[%rem3A_77, %run_scoped3A_662, %dma_start3A_738] : memref<2x8x128xi32, #tpu.memory_space<vmem>> -> memref<1x1x128xi32, #tpu.memory_space<vmem>>
        %dma_start3A_740 = tpu.memref_squeeze %dma_start3A_739 : memref<1x1x128xi32, #tpu.memory_space<vmem>> -> memref<128xi32, #tpu.memory_space<vmem>>
        %dma_start3A_741 = arith.constant 0 : i32
        %dma_start3A_742 = arith.constant 0 : i32
        %dma_start3A_743 = tpu.memref_slice %arg11[%dma_start3A_741, %dma_start3A_742] : memref<10240x128xf32, #tpu.memory_space<vmem_shared>> -> memref<10240x128xf32, #tpu.memory_space<vmem_shared>>
        tpu.enqueue_indirect_dma source(%dma_start3A_737 : memref<128x128xf32, #tpu.memory_space<vmem>>) target(%dma_start3A_743 : memref<10240x128xf32, #tpu.memory_space<vmem_shared>>) offsets(%dma_start3A_740 : memref<128xi32, #tpu.memory_space<vmem>>) semaphore(%run_scoped3A_733 : memref<!tpu.dma_semaphore, #tpu.memory_space<semaphore_mem>>) {add = true}
        %dma_wait3A_744 = arith.constant 0 : i32
        %dma_wait3A_745 = arith.constant 0 : i32
        %dma_wait3A_746 = tpu.memref_slice %arg10[%run_scoped3A_661, %dma_wait3A_744, %dma_wait3A_745] : memref<2x128x128xf32, #tpu.memory_space<vmem>> -> memref<1x128x128xf32, #tpu.memory_space<vmem>>
        %dma_wait3A_747 = tpu.memref_squeeze %dma_wait3A_746 : memref<1x128x128xf32, #tpu.memory_space<vmem>> -> memref<128x128xf32, #tpu.memory_space<vmem>>
        %dma_wait3A_748 = arith.constant 0 : i32
        %dma_wait3A_749 = tpu.memref_slice %arg9[%rem3A_77, %run_scoped3A_662, %dma_wait3A_748] : memref<2x8x128xi32, #tpu.memory_space<vmem>> -> memref<1x1x128xi32, #tpu.memory_space<vmem>>
        %dma_wait3A_750 = tpu.memref_squeeze %dma_wait3A_749 : memref<1x1x128xi32, #tpu.memory_space<vmem>> -> memref<128xi32, #tpu.memory_space<vmem>>
        %dma_wait3A_751 = arith.constant 0 : i32
        %dma_wait3A_752 = arith.constant 0 : i32
        %dma_wait3A_753 = tpu.memref_slice %arg11[%dma_wait3A_751, %dma_wait3A_752] : memref<10240x128xf32, #tpu.memory_space<vmem_shared>> -> memref<10240x128xf32, #tpu.memory_space<vmem_shared>>
        tpu.wait_indirect_dma semaphore(%run_scoped3A_733 : memref<!tpu.dma_semaphore, #tpu.memory_space<semaphore_mem>>) src(%dma_wait3A_747 : memref<128x128xf32, #tpu.memory_space<vmem>>) dst(%dma_wait3A_753 : memref<10240x128xf32, #tpu.memory_space<vmem_shared>>)
        tpu.yield
      }) : () -> ()
      %add3A_663 = arith.constant 1 : i32
      %add3A_664 = arith.addi %scan3A_76, %add3A_663 : i32
      %lt3A_665 = arith.constant 10 : i32
      %lt3A_666 = arith.cmpi slt, %add3A_664, %lt3A_665 : i32
      %convert_element_type3A_667 = arith.extui %lt3A_666 : i1 to i32
      %cond3A_668 = arith.constant 0 : i32
      %cond3A_669 = arith.cmpi ne, %convert_element_type3A_667, %cond3A_668 : i32
      scf.if %cond3A_669 {
        %dma_start3A_733 = arith.constant 1 : i32
        %dma_start3A_734 = arith.constant 1 : i32
        %dma_start3A_735 = arith.constant 0 : i32
        %dma_start3A_736 = arith.constant 0 : i32
        %dma_start3A_737 = tpu.memref_slice %arg10[%dma_start3A_734, %dma_start3A_735, %dma_start3A_736] : memref<2x128x128xf32, #tpu.memory_space<vmem>> -> memref<1x128x128xf32, #tpu.memory_space<vmem>>
        %dma_start3A_738 = tpu.memref_squeeze %dma_start3A_737 : memref<1x128x128xf32, #tpu.memory_space<vmem>> -> memref<128x128xf32, #tpu.memory_space<vmem>>
        %dma_start3A_739 = arith.constant 0 : i32
        %dma_start3A_740 = tpu.memref_slice %arg8[%sub3A_78, %dma_start3A_733, %dma_start3A_739] : memref<2x8x128xi32, #tpu.memory_space<vmem>> -> memref<1x1x128xi32, #tpu.memory_space<vmem>>
        %dma_start3A_741 = tpu.memref_squeeze %dma_start3A_740 : memref<1x1x128xi32, #tpu.memory_space<vmem>> -> memref<128xi32, #tpu.memory_space<vmem>>
        %dma_start3A_742 = arith.constant 0 : i32
        %dma_start3A_743 = arith.constant 0 : i32
        %dma_start3A_744 = tpu.memref_slice %arg4[%dma_start3A_742, %dma_start3A_743] : memref<10000x128xf32, #tpu.memory_space<hbm>> -> memref<10000x128xf32, #tpu.memory_space<hbm>>
        tpu.enqueue_indirect_dma source(%dma_start3A_744 : memref<10000x128xf32, #tpu.memory_space<hbm>>) target(%dma_start3A_738 : memref<128x128xf32, #tpu.memory_space<vmem>>) offsets(%dma_start3A_741 : memref<128xi32, #tpu.memory_space<vmem>>) semaphore(%arg13 : memref<!tpu.dma_semaphore, #tpu.memory_space<semaphore_mem>>)
      } else {
      }
      %get3A_670 = arith.constant 7 : i32
      %get3A_671 = arith.index_cast %rem3A_77 : i32 to index
      %get3A_672 = arith.index_cast %get3A_670 : i32 to index
      %get3A_673 = arith.constant 0 : index
      %get3A_674 = tpu.vector_load %arg9[%get3A_671, %get3A_672, %get3A_673] {strides = array<i32>} : memref<2x8x128xi32, #tpu.memory_space<vmem>>, vector<16xi32>,
      %broadcast_in_dim3A_675 = arith.constant 1.000000e+00 : f32
      %broadcast_in_dim3A_676 = vector.broadcast %broadcast_in_dim3A_675 : f32 to vector<16xf32>
      tpu.vector_store_idx %arg15[%get3A_674], %broadcast_in_dim3A_676 {add = true} : memref<10240xf32, #tpu.memory_space<vmem>>[vector<16xi32>], vector<16xf32>,
      %get3A_677 = arith.constant 7 : i32
      %get3A_678 = arith.index_cast %rem3A_77 : i32 to index
      %get3A_679 = arith.index_cast %get3A_677 : i32 to index
      %get3A_680 = arith.constant 16 : index
      %get3A_681 = tpu.vector_load %arg9[%get3A_678, %get3A_679, %get3A_680] {strides = array<i32>} : memref<2x8x128xi32, #tpu.memory_space<vmem>>, vector<16xi32>,
      %broadcast_in_dim3A_682 = arith.constant 1.000000e+00 : f32
      %broadcast_in_dim3A_683 = vector.broadcast %broadcast_in_dim3A_682 : f32 to vector<16xf32>
      tpu.vector_store_idx %arg15[%get3A_681], %broadcast_in_dim3A_683 {add = true} : memref<10240xf32, #tpu.memory_space<vmem>>[vector<16xi32>], vector<16xf32>,
      %get3A_684 = arith.constant 7 : i32
      %get3A_685 = arith.index_cast %rem3A_77 : i32 to index
      %get3A_686 = arith.index_cast %get3A_684 : i32 to index
      %get3A_687 = arith.constant 32 : index
      %get3A_688 = tpu.vector_load %arg9[%get3A_685, %get3A_686, %get3A_687] {strides = array<i32>} : memref<2x8x128xi32, #tpu.memory_space<vmem>>, vector<16xi32>,
      %broadcast_in_dim3A_689 = arith.constant 1.000000e+00 : f32
      %broadcast_in_dim3A_690 = vector.broadcast %broadcast_in_dim3A_689 : f32 to vector<16xf32>
      tpu.vector_store_idx %arg15[%get3A_688], %broadcast_in_dim3A_690 {add = true} : memref<10240xf32, #tpu.memory_space<vmem>>[vector<16xi32>], vector<16xf32>,
      %get3A_691 = arith.constant 7 : i32
      %get3A_692 = arith.index_cast %rem3A_77 : i32 to index
      %get3A_693 = arith.index_cast %get3A_691 : i32 to index
      %get3A_694 = arith.constant 48 : index
      %get3A_695 = tpu.vector_load %arg9[%get3A_692, %get3A_693, %get3A_694] {strides = array<i32>} : memref<2x8x128xi32, #tpu.memory_space<vmem>>, vector<16xi32>,
      %broadcast_in_dim3A_696 = arith.constant 1.000000e+00 : f32
      %broadcast_in_dim3A_697 = vector.broadcast %broadcast_in_dim3A_696 : f32 to vector<16xf32>
      tpu.vector_store_idx %arg15[%get3A_695], %broadcast_in_dim3A_697 {add = true} : memref<10240xf32, #tpu.memory_space<vmem>>[vector<16xi32>], vector<16xf32>,
      %get3A_698 = arith.constant 7 : i32
      %get3A_699 = arith.index_cast %rem3A_77 : i32 to index
      %get3A_700 = arith.index_cast %get3A_698 : i32 to index
      %get3A_701 = arith.constant 64 : index
      %get3A_702 = tpu.vector_load %arg9[%get3A_699, %get3A_700, %get3A_701] {strides = array<i32>} : memref<2x8x128xi32, #tpu.memory_space<vmem>>, vector<16xi32>,
      %broadcast_in_dim3A_703 = arith.constant 1.000000e+00 : f32
      %broadcast_in_dim3A_704 = vector.broadcast %broadcast_in_dim3A_703 : f32 to vector<16xf32>
      tpu.vector_store_idx %arg15[%get3A_702], %broadcast_in_dim3A_704 {add = true} : memref<10240xf32, #tpu.memory_space<vmem>>[vector<16xi32>], vector<16xf32>,
      %get3A_705 = arith.constant 7 : i32
      %get3A_706 = arith.index_cast %rem3A_77 : i32 to index
      %get3A_707 = arith.index_cast %get3A_705 : i32 to index
      %get3A_708 = arith.constant 80 : index
      %get3A_709 = tpu.vector_load %arg9[%get3A_706, %get3A_707, %get3A_708] {strides = array<i32>} : memref<2x8x128xi32, #tpu.memory_space<vmem>>, vector<16xi32>,
      %broadcast_in_dim3A_710 = arith.constant 1.000000e+00 : f32
      %broadcast_in_dim3A_711 = vector.broadcast %broadcast_in_dim3A_710 : f32 to vector<16xf32>
      tpu.vector_store_idx %arg15[%get3A_709], %broadcast_in_dim3A_711 {add = true} : memref<10240xf32, #tpu.memory_space<vmem>>[vector<16xi32>], vector<16xf32>,
      %get3A_712 = arith.constant 7 : i32
      %get3A_713 = arith.index_cast %rem3A_77 : i32 to index
      %get3A_714 = arith.index_cast %get3A_712 : i32 to index
      %get3A_715 = arith.constant 96 : index
      %get3A_716 = tpu.vector_load %arg9[%get3A_713, %get3A_714, %get3A_715] {strides = array<i32>} : memref<2x8x128xi32, #tpu.memory_space<vmem>>, vector<16xi32>,
      %broadcast_in_dim3A_717 = arith.constant 1.000000e+00 : f32
      %broadcast_in_dim3A_718 = vector.broadcast %broadcast_in_dim3A_717 : f32 to vector<16xf32>
      tpu.vector_store_idx %arg15[%get3A_716], %broadcast_in_dim3A_718 {add = true} : memref<10240xf32, #tpu.memory_space<vmem>>[vector<16xi32>], vector<16xf32>,
      %get3A_719 = arith.constant 7 : i32
      %get3A_720 = arith.index_cast %rem3A_77 : i32 to index
      %get3A_721 = arith.index_cast %get3A_719 : i32 to index
      %get3A_722 = arith.constant 112 : index
      %get3A_723 = tpu.vector_load %arg9[%get3A_720, %get3A_721, %get3A_722] {strides = array<i32>} : memref<2x8x128xi32, #tpu.memory_space<vmem>>, vector<16xi32>,
      %broadcast_in_dim3A_724 = arith.constant 1.000000e+00 : f32
      %broadcast_in_dim3A_725 = vector.broadcast %broadcast_in_dim3A_724 : f32 to vector<16xf32>
      tpu.vector_store_idx %arg15[%get3A_723], %broadcast_in_dim3A_725 {add = true} : memref<10240xf32, #tpu.memory_space<vmem>>[vector<16xi32>], vector<16xf32>,
      %add3A_726 = arith.constant 2 : i32
      %add3A_727 = arith.addi %scan3A_76, %add3A_726 : i32
      %lt3A_728 = arith.constant 10 : i32
      %lt3A_729 = arith.cmpi slt, %add3A_727, %lt3A_728 : i32
      %convert_element_type3A_730 = arith.extui %lt3A_729 : i1 to i32
      %cond3A_731 = arith.constant 0 : i32
      %cond3A_732 = arith.cmpi ne, %convert_element_type3A_730, %cond3A_731 : i32
      scf.if %cond3A_732 {
        %add3A_733 = arith.constant 2 : i32
        %add3A_734 = arith.addi %scan3A_76, %add3A_733 : i32
        %mul3A_735 = arith.constant 8 : i32
        %mul3A_736 = arith.muli %add3A_734, %mul3A_735 : i32
        %add3A_737 = arith.addi %mul3A_4, %mul3A_736 : i32
        %dma_start3A_738 = arith.constant 0 : i32
        %dma_start3A_739 = arith.constant 0 : i32
        %dma_start3A_740 = tpu.memref_slice %arg8[%rem3A_77, %dma_start3A_738, %dma_start3A_739] : memref<2x8x128xi32, #tpu.memory_space<vmem>> -> memref<1x8x128xi32, #tpu.memory_space<vmem>>
        %dma_start3A_741 = tpu.memref_squeeze %dma_start3A_740 : memref<1x8x128xi32, #tpu.memory_space<vmem>> -> memref<8x128xi32, #tpu.memory_space<vmem>>
        %dma_start3A_742 = arith.constant 0 : i32
        %dma_start3A_743 = tpu.memref_slice %arg2[%add3A_737, %dma_start3A_742] : memref<2560x128xi32, #tpu.memory_space<hbm>> -> memref<8x128xi32, #tpu.memory_space<hbm>>
        %dma_start3A_744 = arith.constant 0 : i32
        %dma_start3A_745 = arith.constant 0 : i32
        %dma_start3A_746 = tpu.memref_slice %arg8[%rem3A_77, %dma_start3A_744, %dma_start3A_745] : memref<2x8x128xi32, #tpu.memory_space<vmem>> -> memref<1x8x128xi32, #tpu.memory_space<vmem>>
        %dma_start3A_747 = tpu.memref_squeeze %dma_start3A_746 : memref<1x8x128xi32, #tpu.memory_space<vmem>> -> memref<8x128xi32, #tpu.memory_space<vmem>>
        %dma_start3A_748 = arith.constant 0 : i32
        %dma_start3A_749 = tpu.memref_slice %arg2[%add3A_737, %dma_start3A_748] : memref<2560x128xi32, #tpu.memory_space<hbm>> -> memref<8x128xi32, #tpu.memory_space<hbm>>
        tpu.enqueue_dma source(%dma_start3A_749 : memref<8x128xi32, #tpu.memory_space<hbm>>) target(%dma_start3A_747 : memref<8x128xi32, #tpu.memory_space<vmem>>) target_semaphore(%arg14 : memref<!tpu.dma_semaphore, #tpu.memory_space<semaphore_mem>>)
        %dma_start3A_750 = arith.constant 0 : i32
        %dma_start3A_751 = arith.constant 0 : i32
        %dma_start3A_752 = tpu.memref_slice %arg9[%rem3A_77, %dma_start3A_750, %dma_start3A_751] : memref<2x8x128xi32, #tpu.memory_space<vmem>> -> memref<1x8x128xi32, #tpu.memory_space<vmem>>
        %dma_start3A_753 = tpu.memref_squeeze %dma_start3A_752 : memref<1x8x128xi32, #tpu.memory_space<vmem>> -> memref<8x128xi32, #tpu.memory_space<vmem>>
        %dma_start3A_754 = arith.constant 0 : i32
        %dma_start3A_755 = tpu.memref_slice %arg3[%add3A_737, %dma_start3A_754] : memref<2560x128xi32, #tpu.memory_space<hbm>> -> memref<8x128xi32, #tpu.memory_space<hbm>>
        %dma_start3A_756 = arith.constant 0 : i32
        %dma_start3A_757 = arith.constant 0 : i32
        %dma_start3A_758 = tpu.memref_slice %arg9[%rem3A_77, %dma_start3A_756, %dma_start3A_757] : memref<2x8x128xi32, #tpu.memory_space<vmem>> -> memref<1x8x128xi32, #tpu.memory_space<vmem>>
        %dma_start3A_759 = tpu.memref_squeeze %dma_start3A_758 : memref<1x8x128xi32, #tpu.memory_space<vmem>> -> memref<8x128xi32, #tpu.memory_space<vmem>>
        %dma_start3A_760 = arith.constant 0 : i32
        %dma_start3A_761 = tpu.memref_slice %arg3[%add3A_737, %dma_start3A_760] : memref<2560x128xi32, #tpu.memory_space<hbm>> -> memref<8x128xi32, #tpu.memory_space<hbm>>
        tpu.enqueue_dma source(%dma_start3A_761 : memref<8x128xi32, #tpu.memory_space<hbm>>) target(%dma_start3A_759 : memref<8x128xi32, #tpu.memory_space<vmem>>) target_semaphore(%arg14 : memref<!tpu.dma_semaphore, #tpu.memory_space<semaphore_mem>>)
      } else {
      }
    }
    %scan3A_69 = arith.constant 10 : i32
    %barrier3A_70 = arith.constant 0 : index
    tpu.barrier barrier_id(%barrier3A_70)
    %mul3A_71 = arith.constant 10240 : i32
    %mul3A_72 = arith.muli %arg0, %mul3A_71 : i32
    %add3A_73 = arith.addi %mul3A_72, %mul3A_2 : i32
    "tpu.region"() ({
      %run_scoped3A_76 = tpu.sem_alloc : memref<!tpu.dma_semaphore, #tpu.memory_space<semaphore_mem>>
      %dma_start3A_77 = arith.constant 0 : i32
      %dma_start3A_78 = tpu.memref_slice %arg6[%add3A_73, %dma_start3A_77] : memref<20480x128xf32, #tpu.memory_space<hbm>> -> memref<640x128xf32, #tpu.memory_space<hbm>>
      %dma_start3A_79 = arith.constant 0 : i32
      %dma_start3A_80 = tpu.memref_slice %arg11[%mul3A_2, %dma_start3A_79] : memref<10240x128xf32, #tpu.memory_space<vmem_shared>> -> memref<640x128xf32, #tpu.memory_space<vmem_shared>>
      tpu.enqueue_dma source(%dma_start3A_80 : memref<640x128xf32, #tpu.memory_space<vmem_shared>>) target(%dma_start3A_78 : memref<640x128xf32, #tpu.memory_space<hbm>>) target_semaphore(%run_scoped3A_76 : memref<!tpu.dma_semaphore, #tpu.memory_space<semaphore_mem>>)
      %dma_wait3A = arith.constant 0 : i32
      %dma_wait3A_81 = tpu.memref_slice %arg6[%add3A_73, %dma_wait3A] : memref<20480x128xf32, #tpu.memory_space<hbm>> -> memref<640x128xf32, #tpu.memory_space<hbm>>
      %dma_wait3A_82 = arith.constant 0 : i32
      %dma_wait3A_83 = tpu.memref_slice %arg11[%mul3A_2, %dma_wait3A_82] : memref<10240x128xf32, #tpu.memory_space<vmem_shared>> -> memref<640x128xf32, #tpu.memory_space<vmem_shared>>
      tpu.wait_dma2 semaphore(%run_scoped3A_76 : memref<!tpu.dma_semaphore, #tpu.memory_space<semaphore_mem>>) src(%dma_wait3A_83 : memref<640x128xf32, #tpu.memory_space<vmem_shared>>) dst(%dma_wait3A_81 : memref<640x128xf32, #tpu.memory_space<hbm>>)
      tpu.yield
    }) : () -> ()
    %mul3A_74 = arith.constant 10240 : i32
    %mul3A_75 = arith.muli %add3A, %mul3A_74 : i32
    "tpu.region"() ({
      %run_scoped3A_76 = tpu.sem_alloc : memref<!tpu.dma_semaphore, #tpu.memory_space<semaphore_mem>>
      %dma_start3A_77 = tpu.memref_slice %arg7[%mul3A_75] : memref<327680xf32, #tpu.memory_space<hbm>> -> memref<10240xf32, #tpu.memory_space<hbm>>
      %dma_start3A_78 = tpu.memref_slice %arg7[%mul3A_75] : memref<327680xf32, #tpu.memory_space<hbm>> -> memref<10240xf32, #tpu.memory_space<hbm>>
      tpu.enqueue_dma source(%arg15 : memref<10240xf32, #tpu.memory_space<vmem>>) target(%dma_start3A_78 : memref<10240xf32, #tpu.memory_space<hbm>>) target_semaphore(%run_scoped3A_76 : memref<!tpu.dma_semaphore, #tpu.memory_space<semaphore_mem>>)
      %dma_wait3A = tpu.memref_slice %arg7[%mul3A_75] : memref<327680xf32, #tpu.memory_space<hbm>> -> memref<10240xf32, #tpu.memory_space<hbm>>
      %dma_wait3A_79 = tpu.memref_slice %arg7[%mul3A_75] : memref<327680xf32, #tpu.memory_space<hbm>> -> memref<10240xf32, #tpu.memory_space<hbm>>
      tpu.wait_dma2 semaphore(%run_scoped3A_76 : memref<!tpu.dma_semaphore, #tpu.memory_space<semaphore_mem>>) src(%arg15 : memref<10240xf32, #tpu.memory_space<vmem>>) dst(%dma_wait3A_79 : memref<10240xf32, #tpu.memory_space<hbm>>)
      tpu.yield
    }) : () -> ()
    return
  }
}

#map = affine_map<(d0, d1) -> (0, 0)>
module attributes {stable_mosaic.version = 14 : i64} {
  func.func @body(%arg0: i32, %arg1: i32, %arg2: memref<2560x128xi32, #tpu.memory_space<hbm>>, %arg3: memref<2560x128xi32, #tpu.memory_space<hbm>>, %arg4: memref<10240x128xf32, #tpu.memory_space<hbm>>, %arg5: memref<10240x128xf32, #tpu.memory_space<hbm>>, %arg6: memref<20480x128xf32, #tpu.memory_space<hbm>>, %arg7: memref<2x8x128xi32, #tpu.memory_space<vmem>>, %arg8: memref<2x8x128xi32, #tpu.memory_space<vmem>>, %arg9: memref<2x128x128xf32, #tpu.memory_space<vmem>>, %arg10: memref<10240x128xf32, #tpu.memory_space<vmem_shared>>, %arg11: memref<!tpu.dma_semaphore, #tpu.memory_space<semaphore_mem>>, %arg12: memref<!tpu.dma_semaphore, #tpu.memory_space<semaphore_mem>>, %arg13: memref<!tpu.dma_semaphore, #tpu.memory_space<semaphore_mem>>) attributes {dimension_semantics = [#tpu.dimension_semantics<core_parallel>, #tpu.dimension_semantics<subcore_parallel>], iteration_bounds = array<i64: 2, 16>, scalar_prefetch = 0 : i64, scratch_operands = 7 : i64, tpu.core_type = #tpu.core_type<sc_vector_subcore>, window_params = [{transform_indices = #map}, {transform_indices = #map}, {transform_indices = #map}, {transform_indices = #map}, {transform_indices = #map}]} {
    %mul3A = arith.constant 2 : i32
    %mul3A_0 = arith.muli %arg1, %mul3A : i32
    %add3A = arith.addi %mul3A_0, %arg0 : i32
    %mul3A_1 = arith.constant 640 : i32
    %mul3A_2 = arith.muli %arg1, %mul3A_1 : i32
    %mul3A_3 = arith.constant 80 : i32
    %mul3A_4 = arith.muli %add3A, %mul3A_3 : i32
    %run_scoped3A = arith.constant 0 : i32
    "tpu.region"() ({
      %run_scoped3A_68 = tpu.sem_alloc : memref<!tpu.dma_semaphore, #tpu.memory_space<semaphore_mem>>
      %dma_start3A_69 = arith.constant 0 : i32
      %dma_start3A_70 = arith.constant 0 : i32
      %dma_start3A_71 = tpu.memref_slice %arg7[%run_scoped3A, %dma_start3A_69, %dma_start3A_70] : memref<2x8x128xi32, #tpu.memory_space<vmem>> -> memref<1x8x128xi32, #tpu.memory_space<vmem>>
      %dma_start3A_72 = tpu.memref_squeeze %dma_start3A_71 : memref<1x8x128xi32, #tpu.memory_space<vmem>> -> memref<8x128xi32, #tpu.memory_space<vmem>>
      %dma_start3A_73 = arith.constant 0 : i32
      %dma_start3A_74 = tpu.memref_slice %arg2[%mul3A_4, %dma_start3A_73] : memref<2560x128xi32, #tpu.memory_space<hbm>> -> memref<8x128xi32, #tpu.memory_space<hbm>>
      %dma_start3A_75 = arith.constant 0 : i32
      %dma_start3A_76 = arith.constant 0 : i32
      %dma_start3A_77 = tpu.memref_slice %arg7[%run_scoped3A, %dma_start3A_75, %dma_start3A_76] : memref<2x8x128xi32, #tpu.memory_space<vmem>> -> memref<1x8x128xi32, #tpu.memory_space<vmem>>
      %dma_start3A_78 = tpu.memref_squeeze %dma_start3A_77 : memref<1x8x128xi32, #tpu.memory_space<vmem>> -> memref<8x128xi32, #tpu.memory_space<vmem>>
      %dma_start3A_79 = arith.constant 0 : i32
      %dma_start3A_80 = tpu.memref_slice %arg2[%mul3A_4, %dma_start3A_79] : memref<2560x128xi32, #tpu.memory_space<hbm>> -> memref<8x128xi32, #tpu.memory_space<hbm>>
      tpu.enqueue_dma source(%dma_start3A_80 : memref<8x128xi32, #tpu.memory_space<hbm>>) target(%dma_start3A_78 : memref<8x128xi32, #tpu.memory_space<vmem>>) target_semaphore(%run_scoped3A_68 : memref<!tpu.dma_semaphore, #tpu.memory_space<semaphore_mem>>)
      %dma_wait3A = arith.constant 0 : i32
      %dma_wait3A_81 = arith.constant 0 : i32
      %dma_wait3A_82 = tpu.memref_slice %arg7[%run_scoped3A, %dma_wait3A, %dma_wait3A_81] : memref<2x8x128xi32, #tpu.memory_space<vmem>> -> memref<1x8x128xi32, #tpu.memory_space<vmem>>
      %dma_wait3A_83 = tpu.memref_squeeze %dma_wait3A_82 : memref<1x8x128xi32, #tpu.memory_space<vmem>> -> memref<8x128xi32, #tpu.memory_space<vmem>>
      %dma_wait3A_84 = arith.constant 0 : i32
      %dma_wait3A_85 = tpu.memref_slice %arg2[%mul3A_4, %dma_wait3A_84] : memref<2560x128xi32, #tpu.memory_space<hbm>> -> memref<8x128xi32, #tpu.memory_space<hbm>>
      %dma_wait3A_86 = arith.constant 0 : i32
      %dma_wait3A_87 = arith.constant 0 : i32
      %dma_wait3A_88 = tpu.memref_slice %arg7[%run_scoped3A, %dma_wait3A_86, %dma_wait3A_87] : memref<2x8x128xi32, #tpu.memory_space<vmem>> -> memref<1x8x128xi32, #tpu.memory_space<vmem>>
      %dma_wait3A_89 = tpu.memref_squeeze %dma_wait3A_88 : memref<1x8x128xi32, #tpu.memory_space<vmem>> -> memref<8x128xi32, #tpu.memory_space<vmem>>
      %dma_wait3A_90 = arith.constant 0 : i32
      %dma_wait3A_91 = tpu.memref_slice %arg2[%mul3A_4, %dma_wait3A_90] : memref<2560x128xi32, #tpu.memory_space<hbm>> -> memref<8x128xi32, #tpu.memory_space<hbm>>
      tpu.wait_dma2 semaphore(%run_scoped3A_68 : memref<!tpu.dma_semaphore, #tpu.memory_space<semaphore_mem>>) src(%dma_wait3A_91 : memref<8x128xi32, #tpu.memory_space<hbm>>) dst(%dma_wait3A_89 : memref<8x128xi32, #tpu.memory_space<vmem>>)
      tpu.yield
    }) : () -> ()
    %run_scoped3A_5 = arith.constant 0 : i32
    "tpu.region"() ({
      %run_scoped3A_68 = tpu.sem_alloc : memref<!tpu.dma_semaphore, #tpu.memory_space<semaphore_mem>>
      %dma_start3A_69 = arith.constant 0 : i32
      %dma_start3A_70 = arith.constant 0 : i32
      %dma_start3A_71 = tpu.memref_slice %arg8[%run_scoped3A_5, %dma_start3A_69, %dma_start3A_70] : memref<2x8x128xi32, #tpu.memory_space<vmem>> -> memref<1x8x128xi32, #tpu.memory_space<vmem>>
      %dma_start3A_72 = tpu.memref_squeeze %dma_start3A_71 : memref<1x8x128xi32, #tpu.memory_space<vmem>> -> memref<8x128xi32, #tpu.memory_space<vmem>>
      %dma_start3A_73 = arith.constant 0 : i32
      %dma_start3A_74 = tpu.memref_slice %arg3[%mul3A_4, %dma_start3A_73] : memref<2560x128xi32, #tpu.memory_space<hbm>> -> memref<8x128xi32, #tpu.memory_space<hbm>>
      %dma_start3A_75 = arith.constant 0 : i32
      %dma_start3A_76 = arith.constant 0 : i32
      %dma_start3A_77 = tpu.memref_slice %arg8[%run_scoped3A_5, %dma_start3A_75, %dma_start3A_76] : memref<2x8x128xi32, #tpu.memory_space<vmem>> -> memref<1x8x128xi32, #tpu.memory_space<vmem>>
      %dma_start3A_78 = tpu.memref_squeeze %dma_start3A_77 : memref<1x8x128xi32, #tpu.memory_space<vmem>> -> memref<8x128xi32, #tpu.memory_space<vmem>>
      %dma_start3A_79 = arith.constant 0 : i32
      %dma_start3A_80 = tpu.memref_slice %arg3[%mul3A_4, %dma_start3A_79] : memref<2560x128xi32, #tpu.memory_space<hbm>> -> memref<8x128xi32, #tpu.memory_space<hbm>>
      tpu.enqueue_dma source(%dma_start3A_80 : memref<8x128xi32, #tpu.memory_space<hbm>>) target(%dma_start3A_78 : memref<8x128xi32, #tpu.memory_space<vmem>>) target_semaphore(%run_scoped3A_68 : memref<!tpu.dma_semaphore, #tpu.memory_space<semaphore_mem>>)
      %dma_wait3A = arith.constant 0 : i32
      %dma_wait3A_81 = arith.constant 0 : i32
      %dma_wait3A_82 = tpu.memref_slice %arg8[%run_scoped3A_5, %dma_wait3A, %dma_wait3A_81] : memref<2x8x128xi32, #tpu.memory_space<vmem>> -> memref<1x8x128xi32, #tpu.memory_space<vmem>>
      %dma_wait3A_83 = tpu.memref_squeeze %dma_wait3A_82 : memref<1x8x128xi32, #tpu.memory_space<vmem>> -> memref<8x128xi32, #tpu.memory_space<vmem>>
      %dma_wait3A_84 = arith.constant 0 : i32
      %dma_wait3A_85 = tpu.memref_slice %arg3[%mul3A_4, %dma_wait3A_84] : memref<2560x128xi32, #tpu.memory_space<hbm>> -> memref<8x128xi32, #tpu.memory_space<hbm>>
      %dma_wait3A_86 = arith.constant 0 : i32
      %dma_wait3A_87 = arith.constant 0 : i32
      %dma_wait3A_88 = tpu.memref_slice %arg8[%run_scoped3A_5, %dma_wait3A_86, %dma_wait3A_87] : memref<2x8x128xi32, #tpu.memory_space<vmem>> -> memref<1x8x128xi32, #tpu.memory_space<vmem>>
      %dma_wait3A_89 = tpu.memref_squeeze %dma_wait3A_88 : memref<1x8x128xi32, #tpu.memory_space<vmem>> -> memref<8x128xi32, #tpu.memory_space<vmem>>
      %dma_wait3A_90 = arith.constant 0 : i32
      %dma_wait3A_91 = tpu.memref_slice %arg3[%mul3A_4, %dma_wait3A_90] : memref<2560x128xi32, #tpu.memory_space<hbm>> -> memref<8x128xi32, #tpu.memory_space<hbm>>
      tpu.wait_dma2 semaphore(%run_scoped3A_68 : memref<!tpu.dma_semaphore, #tpu.memory_space<semaphore_mem>>) src(%dma_wait3A_91 : memref<8x128xi32, #tpu.memory_space<hbm>>) dst(%dma_wait3A_89 : memref<8x128xi32, #tpu.memory_space<vmem>>)
      tpu.yield
    }) : () -> ()
    "tpu.region"() ({
      %run_scoped3A_68 = tpu.sem_alloc : memref<!tpu.dma_semaphore, #tpu.memory_space<semaphore_mem>>
      %dma_start3A_69 = arith.constant 0 : i32
      %dma_start3A_70 = tpu.memref_slice %arg10[%mul3A_2, %dma_start3A_69] : memref<10240x128xf32, #tpu.memory_space<vmem_shared>> -> memref<640x128xf32, #tpu.memory_space<vmem_shared>>
      %dma_start3A_71 = arith.constant 0 : i32
      %dma_start3A_72 = tpu.memref_slice %arg5[%mul3A_2, %dma_start3A_71] : memref<10240x128xf32, #tpu.memory_space<hbm>> -> memref<640x128xf32, #tpu.memory_space<hbm>>
      tpu.enqueue_dma source(%dma_start3A_72 : memref<640x128xf32, #tpu.memory_space<hbm>>) target(%dma_start3A_70 : memref<640x128xf32, #tpu.memory_space<vmem_shared>>) target_semaphore(%run_scoped3A_68 : memref<!tpu.dma_semaphore, #tpu.memory_space<semaphore_mem>>)
      %dma_wait3A = arith.constant 0 : i32
      %dma_wait3A_73 = tpu.memref_slice %arg10[%mul3A_2, %dma_wait3A] : memref<10240x128xf32, #tpu.memory_space<vmem_shared>> -> memref<640x128xf32, #tpu.memory_space<vmem_shared>>
      %dma_wait3A_74 = arith.constant 0 : i32
      %dma_wait3A_75 = tpu.memref_slice %arg5[%mul3A_2, %dma_wait3A_74] : memref<10240x128xf32, #tpu.memory_space<hbm>> -> memref<640x128xf32, #tpu.memory_space<hbm>>
      tpu.wait_dma2 semaphore(%run_scoped3A_68 : memref<!tpu.dma_semaphore, #tpu.memory_space<semaphore_mem>>) src(%dma_wait3A_75 : memref<640x128xf32, #tpu.memory_space<hbm>>) dst(%dma_wait3A_73 : memref<640x128xf32, #tpu.memory_space<vmem_shared>>)
      tpu.yield
    }) : () -> ()
    %barrier3A = arith.constant 0 : index
    tpu.barrier barrier_id(%barrier3A)
    %dma_start3A = arith.constant 0 : i32
    %dma_start3A_6 = arith.constant 0 : i32
    %dma_start3A_7 = arith.constant 0 : i32
    %dma_start3A_8 = arith.constant 0 : i32
    %dma_start3A_9 = arith.constant 0 : i32
    %dma_start3A_10 = tpu.memref_slice %arg9[%dma_start3A_7, %dma_start3A_8, %dma_start3A_9] : memref<2x128x128xf32, #tpu.memory_space<vmem>> -> memref<1x128x128xf32, #tpu.memory_space<vmem>>
    %dma_start3A_11 = tpu.memref_squeeze %dma_start3A_10 : memref<1x128x128xf32, #tpu.memory_space<vmem>> -> memref<128x128xf32, #tpu.memory_space<vmem>>
    %dma_start3A_12 = arith.constant 0 : i32
    %dma_start3A_13 = tpu.memref_slice %arg7[%dma_start3A, %dma_start3A_6, %dma_start3A_12] : memref<2x8x128xi32, #tpu.memory_space<vmem>> -> memref<1x1x128xi32, #tpu.memory_space<vmem>>
    %dma_start3A_14 = tpu.memref_squeeze %dma_start3A_13 : memref<1x1x128xi32, #tpu.memory_space<vmem>> -> memref<128xi32, #tpu.memory_space<vmem>>
    %dma_start3A_15 = arith.constant 0 : i32
    %dma_start3A_16 = arith.constant 0 : i32
    %dma_start3A_17 = tpu.memref_slice %arg4[%dma_start3A_15, %dma_start3A_16] : memref<10240x128xf32, #tpu.memory_space<hbm>> -> memref<10240x128xf32, #tpu.memory_space<hbm>>
    tpu.enqueue_indirect_dma source(%dma_start3A_17 : memref<10240x128xf32, #tpu.memory_space<hbm>>) target(%dma_start3A_11 : memref<128x128xf32, #tpu.memory_space<vmem>>) offsets(%dma_start3A_14 : memref<128xi32, #tpu.memory_space<vmem>>) semaphore(%arg11 : memref<!tpu.dma_semaphore, #tpu.memory_space<semaphore_mem>>)
    %dma_start3A_18 = arith.constant 0 : i32
    %dma_start3A_19 = arith.constant 1 : i32
    %dma_start3A_20 = arith.constant 1 : i32
    %dma_start3A_21 = arith.constant 0 : i32
    %dma_start3A_22 = arith.constant 0 : i32
    %dma_start3A_23 = tpu.memref_slice %arg9[%dma_start3A_20, %dma_start3A_21, %dma_start3A_22] : memref<2x128x128xf32, #tpu.memory_space<vmem>> -> memref<1x128x128xf32, #tpu.memory_space<vmem>>
    %dma_start3A_24 = tpu.memref_squeeze %dma_start3A_23 : memref<1x128x128xf32, #tpu.memory_space<vmem>> -> memref<128x128xf32, #tpu.memory_space<vmem>>
    %dma_start3A_25 = arith.constant 0 : i32
    %dma_start3A_26 = tpu.memref_slice %arg7[%dma_start3A_18, %dma_start3A_19, %dma_start3A_25] : memref<2x8x128xi32, #tpu.memory_space<vmem>> -> memref<1x1x128xi32, #tpu.memory_space<vmem>>
    %dma_start3A_27 = tpu.memref_squeeze %dma_start3A_26 : memref<1x1x128xi32, #tpu.memory_space<vmem>> -> memref<128xi32, #tpu.memory_space<vmem>>
    %dma_start3A_28 = arith.constant 0 : i32
    %dma_start3A_29 = arith.constant 0 : i32
    %dma_start3A_30 = tpu.memref_slice %arg4[%dma_start3A_28, %dma_start3A_29] : memref<10240x128xf32, #tpu.memory_space<hbm>> -> memref<10240x128xf32, #tpu.memory_space<hbm>>
    tpu.enqueue_indirect_dma source(%dma_start3A_30 : memref<10240x128xf32, #tpu.memory_space<hbm>>) target(%dma_start3A_24 : memref<128x128xf32, #tpu.memory_space<vmem>>) offsets(%dma_start3A_27 : memref<128xi32, #tpu.memory_space<vmem>>) semaphore(%arg12 : memref<!tpu.dma_semaphore, #tpu.memory_space<semaphore_mem>>)
    %add3A_31 = arith.constant 8 : i32
    %add3A_32 = arith.addi %mul3A_4, %add3A_31 : i32
    %dma_start3A_33 = arith.constant 1 : i32
    %dma_start3A_34 = arith.constant 0 : i32
    %dma_start3A_35 = arith.constant 0 : i32
    %dma_start3A_36 = tpu.memref_slice %arg7[%dma_start3A_33, %dma_start3A_34, %dma_start3A_35] : memref<2x8x128xi32, #tpu.memory_space<vmem>> -> memref<1x8x128xi32, #tpu.memory_space<vmem>>
    %dma_start3A_37 = tpu.memref_squeeze %dma_start3A_36 : memref<1x8x128xi32, #tpu.memory_space<vmem>> -> memref<8x128xi32, #tpu.memory_space<vmem>>
    %dma_start3A_38 = arith.constant 0 : i32
    %dma_start3A_39 = tpu.memref_slice %arg2[%add3A_32, %dma_start3A_38] : memref<2560x128xi32, #tpu.memory_space<hbm>> -> memref<8x128xi32, #tpu.memory_space<hbm>>
    %dma_start3A_40 = arith.constant 0 : i32
    %dma_start3A_41 = arith.constant 0 : i32
    %dma_start3A_42 = tpu.memref_slice %arg7[%dma_start3A_33, %dma_start3A_40, %dma_start3A_41] : memref<2x8x128xi32, #tpu.memory_space<vmem>> -> memref<1x8x128xi32, #tpu.memory_space<vmem>>
    %dma_start3A_43 = tpu.memref_squeeze %dma_start3A_42 : memref<1x8x128xi32, #tpu.memory_space<vmem>> -> memref<8x128xi32, #tpu.memory_space<vmem>>
    %dma_start3A_44 = arith.constant 0 : i32
    %dma_start3A_45 = tpu.memref_slice %arg2[%add3A_32, %dma_start3A_44] : memref<2560x128xi32, #tpu.memory_space<hbm>> -> memref<8x128xi32, #tpu.memory_space<hbm>>
    tpu.enqueue_dma source(%dma_start3A_45 : memref<8x128xi32, #tpu.memory_space<hbm>>) target(%dma_start3A_43 : memref<8x128xi32, #tpu.memory_space<vmem>>) target_semaphore(%arg13 : memref<!tpu.dma_semaphore, #tpu.memory_space<semaphore_mem>>)
    %dma_start3A_46 = arith.constant 1 : i32
    %dma_start3A_47 = arith.constant 0 : i32
    %dma_start3A_48 = arith.constant 0 : i32
    %dma_start3A_49 = tpu.memref_slice %arg8[%dma_start3A_46, %dma_start3A_47, %dma_start3A_48] : memref<2x8x128xi32, #tpu.memory_space<vmem>> -> memref<1x8x128xi32, #tpu.memory_space<vmem>>
    %dma_start3A_50 = tpu.memref_squeeze %dma_start3A_49 : memref<1x8x128xi32, #tpu.memory_space<vmem>> -> memref<8x128xi32, #tpu.memory_space<vmem>>
    %dma_start3A_51 = arith.constant 0 : i32
    %dma_start3A_52 = tpu.memref_slice %arg3[%add3A_32, %dma_start3A_51] : memref<2560x128xi32, #tpu.memory_space<hbm>> -> memref<8x128xi32, #tpu.memory_space<hbm>>
    %dma_start3A_53 = arith.constant 0 : i32
    %dma_start3A_54 = arith.constant 0 : i32
    %dma_start3A_55 = tpu.memref_slice %arg8[%dma_start3A_46, %dma_start3A_53, %dma_start3A_54] : memref<2x8x128xi32, #tpu.memory_space<vmem>> -> memref<1x8x128xi32, #tpu.memory_space<vmem>>
    %dma_start3A_56 = tpu.memref_squeeze %dma_start3A_55 : memref<1x8x128xi32, #tpu.memory_space<vmem>> -> memref<8x128xi32, #tpu.memory_space<vmem>>
    %dma_start3A_57 = arith.constant 0 : i32
    %dma_start3A_58 = tpu.memref_slice %arg3[%add3A_32, %dma_start3A_57] : memref<2560x128xi32, #tpu.memory_space<hbm>> -> memref<8x128xi32, #tpu.memory_space<hbm>>
    tpu.enqueue_dma source(%dma_start3A_58 : memref<8x128xi32, #tpu.memory_space<hbm>>) target(%dma_start3A_56 : memref<8x128xi32, #tpu.memory_space<vmem>>) target_semaphore(%arg13 : memref<!tpu.dma_semaphore, #tpu.memory_space<semaphore_mem>>)
    %scan3A = arith.constant 0 : i32
    %scan3A_59 = arith.constant 0 : i32
    %scan3A_60 = arith.constant 10 : i32
    %scan3A_61 = arith.addi %scan3A_59, %scan3A_60 : i32
    %scan3A_62 = arith.constant 1 : i32
    scf.for %scan3A_68 = %scan3A_59 to %scan3A_61 step %scan3A_62  : i32 {
      %rem3A = arith.constant 2 : i32
      %rem3A_69 = arith.remsi %scan3A_68, %rem3A : i32
      %sub3A = arith.constant 1 : i32
      %sub3A_70 = arith.subi %sub3A, %rem3A_69 : i32
      %add3A_71 = arith.constant 1 : i32
      %add3A_72 = arith.addi %scan3A_68, %add3A_71 : i32
      %lt3A = arith.constant 10 : i32
      %lt3A_73 = arith.cmpi slt, %add3A_72, %lt3A : i32
      %convert_element_type3A = arith.extui %lt3A_73 : i1 to i32
      %cond3A = arith.constant 0 : i32
      %cond3A_74 = arith.cmpi ne, %convert_element_type3A, %cond3A : i32
      scf.if %cond3A_74 {
        %add3A_279 = arith.constant 1 : i32
        %add3A_280 = arith.addi %scan3A_68, %add3A_279 : i32
        %mul3A_281 = arith.constant 8 : i32
        %mul3A_282 = arith.muli %add3A_280, %mul3A_281 : i32
        %add3A_283 = arith.addi %mul3A_4, %mul3A_282 : i32
        %dma_wait3A_284 = arith.constant 0 : i32
        %dma_wait3A_285 = arith.constant 0 : i32
        %dma_wait3A_286 = tpu.memref_slice %arg7[%sub3A_70, %dma_wait3A_284, %dma_wait3A_285] : memref<2x8x128xi32, #tpu.memory_space<vmem>> -> memref<1x8x128xi32, #tpu.memory_space<vmem>>
        %dma_wait3A_287 = tpu.memref_squeeze %dma_wait3A_286 : memref<1x8x128xi32, #tpu.memory_space<vmem>> -> memref<8x128xi32, #tpu.memory_space<vmem>>
        %dma_wait3A_288 = arith.constant 0 : i32
        %dma_wait3A_289 = tpu.memref_slice %arg2[%add3A_283, %dma_wait3A_288] : memref<2560x128xi32, #tpu.memory_space<hbm>> -> memref<8x128xi32, #tpu.memory_space<hbm>>
        %dma_wait3A_290 = arith.constant 0 : i32
        %dma_wait3A_291 = arith.constant 0 : i32
        %dma_wait3A_292 = tpu.memref_slice %arg7[%sub3A_70, %dma_wait3A_290, %dma_wait3A_291] : memref<2x8x128xi32, #tpu.memory_space<vmem>> -> memref<1x8x128xi32, #tpu.memory_space<vmem>>
        %dma_wait3A_293 = tpu.memref_squeeze %dma_wait3A_292 : memref<1x8x128xi32, #tpu.memory_space<vmem>> -> memref<8x128xi32, #tpu.memory_space<vmem>>
        %dma_wait3A_294 = arith.constant 0 : i32
        %dma_wait3A_295 = tpu.memref_slice %arg2[%add3A_283, %dma_wait3A_294] : memref<2560x128xi32, #tpu.memory_space<hbm>> -> memref<8x128xi32, #tpu.memory_space<hbm>>
        tpu.wait_dma2 semaphore(%arg13 : memref<!tpu.dma_semaphore, #tpu.memory_space<semaphore_mem>>) src(%dma_wait3A_295 : memref<8x128xi32, #tpu.memory_space<hbm>>) dst(%dma_wait3A_293 : memref<8x128xi32, #tpu.memory_space<vmem>>)
        %dma_wait3A_296 = arith.constant 0 : i32
        %dma_wait3A_297 = arith.constant 0 : i32
        %dma_wait3A_298 = tpu.memref_slice %arg8[%sub3A_70, %dma_wait3A_296, %dma_wait3A_297] : memref<2x8x128xi32, #tpu.memory_space<vmem>> -> memref<1x8x128xi32, #tpu.memory_space<vmem>>
        %dma_wait3A_299 = tpu.memref_squeeze %dma_wait3A_298 : memref<1x8x128xi32, #tpu.memory_space<vmem>> -> memref<8x128xi32, #tpu.memory_space<vmem>>
        %dma_wait3A_300 = arith.constant 0 : i32
        %dma_wait3A_301 = tpu.memref_slice %arg3[%add3A_283, %dma_wait3A_300] : memref<2560x128xi32, #tpu.memory_space<hbm>> -> memref<8x128xi32, #tpu.memory_space<hbm>>
        %dma_wait3A_302 = arith.constant 0 : i32
        %dma_wait3A_303 = arith.constant 0 : i32
        %dma_wait3A_304 = tpu.memref_slice %arg8[%sub3A_70, %dma_wait3A_302, %dma_wait3A_303] : memref<2x8x128xi32, #tpu.memory_space<vmem>> -> memref<1x8x128xi32, #tpu.memory_space<vmem>>
        %dma_wait3A_305 = tpu.memref_squeeze %dma_wait3A_304 : memref<1x8x128xi32, #tpu.memory_space<vmem>> -> memref<8x128xi32, #tpu.memory_space<vmem>>
        %dma_wait3A_306 = arith.constant 0 : i32
        %dma_wait3A_307 = tpu.memref_slice %arg3[%add3A_283, %dma_wait3A_306] : memref<2560x128xi32, #tpu.memory_space<hbm>> -> memref<8x128xi32, #tpu.memory_space<hbm>>
        tpu.wait_dma2 semaphore(%arg13 : memref<!tpu.dma_semaphore, #tpu.memory_space<semaphore_mem>>) src(%dma_wait3A_307 : memref<8x128xi32, #tpu.memory_space<hbm>>) dst(%dma_wait3A_305 : memref<8x128xi32, #tpu.memory_space<vmem>>)
      } else {
      }
      %dma_wait3A = arith.constant 0 : i32
      %dma_wait3A_75 = arith.constant 0 : i32
      %dma_wait3A_76 = arith.constant 0 : i32
      %dma_wait3A_77 = arith.constant 0 : i32
      %dma_wait3A_78 = tpu.memref_slice %arg9[%dma_wait3A_75, %dma_wait3A_76, %dma_wait3A_77] : memref<2x128x128xf32, #tpu.memory_space<vmem>> -> memref<1x128x128xf32, #tpu.memory_space<vmem>>
      %dma_wait3A_79 = tpu.memref_squeeze %dma_wait3A_78 : memref<1x128x128xf32, #tpu.memory_space<vmem>> -> memref<128x128xf32, #tpu.memory_space<vmem>>
      %dma_wait3A_80 = arith.constant 0 : i32
      %dma_wait3A_81 = tpu.memref_slice %arg7[%rem3A_69, %dma_wait3A, %dma_wait3A_80] : memref<2x8x128xi32, #tpu.memory_space<vmem>> -> memref<1x1x128xi32, #tpu.memory_space<vmem>>
      %dma_wait3A_82 = tpu.memref_squeeze %dma_wait3A_81 : memref<1x1x128xi32, #tpu.memory_space<vmem>> -> memref<128xi32, #tpu.memory_space<vmem>>
      %dma_wait3A_83 = arith.constant 0 : i32
      %dma_wait3A_84 = arith.constant 0 : i32
      %dma_wait3A_85 = tpu.memref_slice %arg4[%dma_wait3A_83, %dma_wait3A_84] : memref<10240x128xf32, #tpu.memory_space<hbm>> -> memref<10240x128xf32, #tpu.memory_space<hbm>>
      tpu.wait_indirect_dma semaphore(%arg11 : memref<!tpu.dma_semaphore, #tpu.memory_space<semaphore_mem>>) src(%dma_wait3A_85 : memref<10240x128xf32, #tpu.memory_space<hbm>>) dst(%dma_wait3A_79 : memref<128x128xf32, #tpu.memory_space<vmem>>)
      %run_scoped3A_86 = arith.constant 0 : i32
      %run_scoped3A_87 = arith.constant 0 : i32
      "tpu.region"() ({
        %run_scoped3A_279 = tpu.sem_alloc : memref<!tpu.dma_semaphore, #tpu.memory_space<semaphore_mem>>
        %dma_start3A_280 = arith.constant 0 : i32
        %dma_start3A_281 = arith.constant 0 : i32
        %dma_start3A_282 = tpu.memref_slice %arg9[%run_scoped3A_86, %dma_start3A_280, %dma_start3A_281] : memref<2x128x128xf32, #tpu.memory_space<vmem>> -> memref<1x128x128xf32, #tpu.memory_space<vmem>>
        %dma_start3A_283 = tpu.memref_squeeze %dma_start3A_282 : memref<1x128x128xf32, #tpu.memory_space<vmem>> -> memref<128x128xf32, #tpu.memory_space<vmem>>
        %dma_start3A_284 = arith.constant 0 : i32
        %dma_start3A_285 = tpu.memref_slice %arg8[%rem3A_69, %run_scoped3A_87, %dma_start3A_284] : memref<2x8x128xi32, #tpu.memory_space<vmem>> -> memref<1x1x128xi32, #tpu.memory_space<vmem>>
        %dma_start3A_286 = tpu.memref_squeeze %dma_start3A_285 : memref<1x1x128xi32, #tpu.memory_space<vmem>> -> memref<128xi32, #tpu.memory_space<vmem>>
        %dma_start3A_287 = arith.constant 0 : i32
        %dma_start3A_288 = arith.constant 0 : i32
        %dma_start3A_289 = tpu.memref_slice %arg10[%dma_start3A_287, %dma_start3A_288] : memref<10240x128xf32, #tpu.memory_space<vmem_shared>> -> memref<10240x128xf32, #tpu.memory_space<vmem_shared>>
        tpu.enqueue_indirect_dma source(%dma_start3A_283 : memref<128x128xf32, #tpu.memory_space<vmem>>) target(%dma_start3A_289 : memref<10240x128xf32, #tpu.memory_space<vmem_shared>>) offsets(%dma_start3A_286 : memref<128xi32, #tpu.memory_space<vmem>>) semaphore(%run_scoped3A_279 : memref<!tpu.dma_semaphore, #tpu.memory_space<semaphore_mem>>) {add = true}
        %dma_wait3A_290 = arith.constant 0 : i32
        %dma_wait3A_291 = arith.constant 0 : i32
        %dma_wait3A_292 = tpu.memref_slice %arg9[%run_scoped3A_86, %dma_wait3A_290, %dma_wait3A_291] : memref<2x128x128xf32, #tpu.memory_space<vmem>> -> memref<1x128x128xf32, #tpu.memory_space<vmem>>
        %dma_wait3A_293 = tpu.memref_squeeze %dma_wait3A_292 : memref<1x128x128xf32, #tpu.memory_space<vmem>> -> memref<128x128xf32, #tpu.memory_space<vmem>>
        %dma_wait3A_294 = arith.constant 0 : i32
        %dma_wait3A_295 = tpu.memref_slice %arg8[%rem3A_69, %run_scoped3A_87, %dma_wait3A_294] : memref<2x8x128xi32, #tpu.memory_space<vmem>> -> memref<1x1x128xi32, #tpu.memory_space<vmem>>
        %dma_wait3A_296 = tpu.memref_squeeze %dma_wait3A_295 : memref<1x1x128xi32, #tpu.memory_space<vmem>> -> memref<128xi32, #tpu.memory_space<vmem>>
        %dma_wait3A_297 = arith.constant 0 : i32
        %dma_wait3A_298 = arith.constant 0 : i32
        %dma_wait3A_299 = tpu.memref_slice %arg10[%dma_wait3A_297, %dma_wait3A_298] : memref<10240x128xf32, #tpu.memory_space<vmem_shared>> -> memref<10240x128xf32, #tpu.memory_space<vmem_shared>>
        tpu.wait_indirect_dma semaphore(%run_scoped3A_279 : memref<!tpu.dma_semaphore, #tpu.memory_space<semaphore_mem>>) src(%dma_wait3A_293 : memref<128x128xf32, #tpu.memory_space<vmem>>) dst(%dma_wait3A_299 : memref<10240x128xf32, #tpu.memory_space<vmem_shared>>)
        tpu.yield
      }) : () -> ()
      %dma_start3A_88 = arith.constant 2 : i32
      %dma_start3A_89 = arith.constant 0 : i32
      %dma_start3A_90 = arith.constant 0 : i32
      %dma_start3A_91 = arith.constant 0 : i32
      %dma_start3A_92 = tpu.memref_slice %arg9[%dma_start3A_89, %dma_start3A_90, %dma_start3A_91] : memref<2x128x128xf32, #tpu.memory_space<vmem>> -> memref<1x128x128xf32, #tpu.memory_space<vmem>>
      %dma_start3A_93 = tpu.memref_squeeze %dma_start3A_92 : memref<1x128x128xf32, #tpu.memory_space<vmem>> -> memref<128x128xf32, #tpu.memory_space<vmem>>
      %dma_start3A_94 = arith.constant 0 : i32
      %dma_start3A_95 = tpu.memref_slice %arg7[%rem3A_69, %dma_start3A_88, %dma_start3A_94] : memref<2x8x128xi32, #tpu.memory_space<vmem>> -> memref<1x1x128xi32, #tpu.memory_space<vmem>>
      %dma_start3A_96 = tpu.memref_squeeze %dma_start3A_95 : memref<1x1x128xi32, #tpu.memory_space<vmem>> -> memref<128xi32, #tpu.memory_space<vmem>>
      %dma_start3A_97 = arith.constant 0 : i32
      %dma_start3A_98 = arith.constant 0 : i32
      %dma_start3A_99 = tpu.memref_slice %arg4[%dma_start3A_97, %dma_start3A_98] : memref<10240x128xf32, #tpu.memory_space<hbm>> -> memref<10240x128xf32, #tpu.memory_space<hbm>>
      tpu.enqueue_indirect_dma source(%dma_start3A_99 : memref<10240x128xf32, #tpu.memory_space<hbm>>) target(%dma_start3A_93 : memref<128x128xf32, #tpu.memory_space<vmem>>) offsets(%dma_start3A_96 : memref<128xi32, #tpu.memory_space<vmem>>) semaphore(%arg11 : memref<!tpu.dma_semaphore, #tpu.memory_space<semaphore_mem>>)
      %dma_wait3A_100 = arith.constant 1 : i32
      %dma_wait3A_101 = arith.constant 1 : i32
      %dma_wait3A_102 = arith.constant 0 : i32
      %dma_wait3A_103 = arith.constant 0 : i32
      %dma_wait3A_104 = tpu.memref_slice %arg9[%dma_wait3A_101, %dma_wait3A_102, %dma_wait3A_103] : memref<2x128x128xf32, #tpu.memory_space<vmem>> -> memref<1x128x128xf32, #tpu.memory_space<vmem>>
      %dma_wait3A_105 = tpu.memref_squeeze %dma_wait3A_104 : memref<1x128x128xf32, #tpu.memory_space<vmem>> -> memref<128x128xf32, #tpu.memory_space<vmem>>
      %dma_wait3A_106 = arith.constant 0 : i32
      %dma_wait3A_107 = tpu.memref_slice %arg7[%rem3A_69, %dma_wait3A_100, %dma_wait3A_106] : memref<2x8x128xi32, #tpu.memory_space<vmem>> -> memref<1x1x128xi32, #tpu.memory_space<vmem>>
      %dma_wait3A_108 = tpu.memref_squeeze %dma_wait3A_107 : memref<1x1x128xi32, #tpu.memory_space<vmem>> -> memref<128xi32, #tpu.memory_space<vmem>>
      %dma_wait3A_109 = arith.constant 0 : i32
      %dma_wait3A_110 = arith.constant 0 : i32
      %dma_wait3A_111 = tpu.memref_slice %arg4[%dma_wait3A_109, %dma_wait3A_110] : memref<10240x128xf32, #tpu.memory_space<hbm>> -> memref<10240x128xf32, #tpu.memory_space<hbm>>
      tpu.wait_indirect_dma semaphore(%arg12 : memref<!tpu.dma_semaphore, #tpu.memory_space<semaphore_mem>>) src(%dma_wait3A_111 : memref<10240x128xf32, #tpu.memory_space<hbm>>) dst(%dma_wait3A_105 : memref<128x128xf32, #tpu.memory_space<vmem>>)
      %run_scoped3A_112 = arith.constant 1 : i32
      %run_scoped3A_113 = arith.constant 1 : i32
      "tpu.region"() ({
        %run_scoped3A_279 = tpu.sem_alloc : memref<!tpu.dma_semaphore, #tpu.memory_space<semaphore_mem>>
        %dma_start3A_280 = arith.constant 0 : i32
        %dma_start3A_281 = arith.constant 0 : i32
        %dma_start3A_282 = tpu.memref_slice %arg9[%run_scoped3A_112, %dma_start3A_280, %dma_start3A_281] : memref<2x128x128xf32, #tpu.memory_space<vmem>> -> memref<1x128x128xf32, #tpu.memory_space<vmem>>
        %dma_start3A_283 = tpu.memref_squeeze %dma_start3A_282 : memref<1x128x128xf32, #tpu.memory_space<vmem>> -> memref<128x128xf32, #tpu.memory_space<vmem>>
        %dma_start3A_284 = arith.constant 0 : i32
        %dma_start3A_285 = tpu.memref_slice %arg8[%rem3A_69, %run_scoped3A_113, %dma_start3A_284] : memref<2x8x128xi32, #tpu.memory_space<vmem>> -> memref<1x1x128xi32, #tpu.memory_space<vmem>>
        %dma_start3A_286 = tpu.memref_squeeze %dma_start3A_285 : memref<1x1x128xi32, #tpu.memory_space<vmem>> -> memref<128xi32, #tpu.memory_space<vmem>>
        %dma_start3A_287 = arith.constant 0 : i32
        %dma_start3A_288 = arith.constant 0 : i32
        %dma_start3A_289 = tpu.memref_slice %arg10[%dma_start3A_287, %dma_start3A_288] : memref<10240x128xf32, #tpu.memory_space<vmem_shared>> -> memref<10240x128xf32, #tpu.memory_space<vmem_shared>>
        tpu.enqueue_indirect_dma source(%dma_start3A_283 : memref<128x128xf32, #tpu.memory_space<vmem>>) target(%dma_start3A_289 : memref<10240x128xf32, #tpu.memory_space<vmem_shared>>) offsets(%dma_start3A_286 : memref<128xi32, #tpu.memory_space<vmem>>) semaphore(%run_scoped3A_279 : memref<!tpu.dma_semaphore, #tpu.memory_space<semaphore_mem>>) {add = true}
        %dma_wait3A_290 = arith.constant 0 : i32
        %dma_wait3A_291 = arith.constant 0 : i32
        %dma_wait3A_292 = tpu.memref_slice %arg9[%run_scoped3A_112, %dma_wait3A_290, %dma_wait3A_291] : memref<2x128x128xf32, #tpu.memory_space<vmem>> -> memref<1x128x128xf32, #tpu.memory_space<vmem>>
        %dma_wait3A_293 = tpu.memref_squeeze %dma_wait3A_292 : memref<1x128x128xf32, #tpu.memory_space<vmem>> -> memref<128x128xf32, #tpu.memory_space<vmem>>
        %dma_wait3A_294 = arith.constant 0 : i32
        %dma_wait3A_295 = tpu.memref_slice %arg8[%rem3A_69, %run_scoped3A_113, %dma_wait3A_294] : memref<2x8x128xi32, #tpu.memory_space<vmem>> -> memref<1x1x128xi32, #tpu.memory_space<vmem>>
        %dma_wait3A_296 = tpu.memref_squeeze %dma_wait3A_295 : memref<1x1x128xi32, #tpu.memory_space<vmem>> -> memref<128xi32, #tpu.memory_space<vmem>>
        %dma_wait3A_297 = arith.constant 0 : i32
        %dma_wait3A_298 = arith.constant 0 : i32
        %dma_wait3A_299 = tpu.memref_slice %arg10[%dma_wait3A_297, %dma_wait3A_298] : memref<10240x128xf32, #tpu.memory_space<vmem_shared>> -> memref<10240x128xf32, #tpu.memory_space<vmem_shared>>
        tpu.wait_indirect_dma semaphore(%run_scoped3A_279 : memref<!tpu.dma_semaphore, #tpu.memory_space<semaphore_mem>>) src(%dma_wait3A_293 : memref<128x128xf32, #tpu.memory_space<vmem>>) dst(%dma_wait3A_299 : memref<10240x128xf32, #tpu.memory_space<vmem_shared>>)
        tpu.yield
      }) : () -> ()
      %dma_start3A_114 = arith.constant 3 : i32
      %dma_start3A_115 = arith.constant 1 : i32
      %dma_start3A_116 = arith.constant 0 : i32
      %dma_start3A_117 = arith.constant 0 : i32
      %dma_start3A_118 = tpu.memref_slice %arg9[%dma_start3A_115, %dma_start3A_116, %dma_start3A_117] : memref<2x128x128xf32, #tpu.memory_space<vmem>> -> memref<1x128x128xf32, #tpu.memory_space<vmem>>
      %dma_start3A_119 = tpu.memref_squeeze %dma_start3A_118 : memref<1x128x128xf32, #tpu.memory_space<vmem>> -> memref<128x128xf32, #tpu.memory_space<vmem>>
      %dma_start3A_120 = arith.constant 0 : i32
      %dma_start3A_121 = tpu.memref_slice %arg7[%rem3A_69, %dma_start3A_114, %dma_start3A_120] : memref<2x8x128xi32, #tpu.memory_space<vmem>> -> memref<1x1x128xi32, #tpu.memory_space<vmem>>
      %dma_start3A_122 = tpu.memref_squeeze %dma_start3A_121 : memref<1x1x128xi32, #tpu.memory_space<vmem>> -> memref<128xi32, #tpu.memory_space<vmem>>
      %dma_start3A_123 = arith.constant 0 : i32
      %dma_start3A_124 = arith.constant 0 : i32
      %dma_start3A_125 = tpu.memref_slice %arg4[%dma_start3A_123, %dma_start3A_124] : memref<10240x128xf32, #tpu.memory_space<hbm>> -> memref<10240x128xf32, #tpu.memory_space<hbm>>
      tpu.enqueue_indirect_dma source(%dma_start3A_125 : memref<10240x128xf32, #tpu.memory_space<hbm>>) target(%dma_start3A_119 : memref<128x128xf32, #tpu.memory_space<vmem>>) offsets(%dma_start3A_122 : memref<128xi32, #tpu.memory_space<vmem>>) semaphore(%arg12 : memref<!tpu.dma_semaphore, #tpu.memory_space<semaphore_mem>>)
      %dma_wait3A_126 = arith.constant 2 : i32
      %dma_wait3A_127 = arith.constant 0 : i32
      %dma_wait3A_128 = arith.constant 0 : i32
      %dma_wait3A_129 = arith.constant 0 : i32
      %dma_wait3A_130 = tpu.memref_slice %arg9[%dma_wait3A_127, %dma_wait3A_128, %dma_wait3A_129] : memref<2x128x128xf32, #tpu.memory_space<vmem>> -> memref<1x128x128xf32, #tpu.memory_space<vmem>>
      %dma_wait3A_131 = tpu.memref_squeeze %dma_wait3A_130 : memref<1x128x128xf32, #tpu.memory_space<vmem>> -> memref<128x128xf32, #tpu.memory_space<vmem>>
      %dma_wait3A_132 = arith.constant 0 : i32
      %dma_wait3A_133 = tpu.memref_slice %arg7[%rem3A_69, %dma_wait3A_126, %dma_wait3A_132] : memref<2x8x128xi32, #tpu.memory_space<vmem>> -> memref<1x1x128xi32, #tpu.memory_space<vmem>>
      %dma_wait3A_134 = tpu.memref_squeeze %dma_wait3A_133 : memref<1x1x128xi32, #tpu.memory_space<vmem>> -> memref<128xi32, #tpu.memory_space<vmem>>
      %dma_wait3A_135 = arith.constant 0 : i32
      %dma_wait3A_136 = arith.constant 0 : i32
      %dma_wait3A_137 = tpu.memref_slice %arg4[%dma_wait3A_135, %dma_wait3A_136] : memref<10240x128xf32, #tpu.memory_space<hbm>> -> memref<10240x128xf32, #tpu.memory_space<hbm>>
      tpu.wait_indirect_dma semaphore(%arg11 : memref<!tpu.dma_semaphore, #tpu.memory_space<semaphore_mem>>) src(%dma_wait3A_137 : memref<10240x128xf32, #tpu.memory_space<hbm>>) dst(%dma_wait3A_131 : memref<128x128xf32, #tpu.memory_space<vmem>>)
      %run_scoped3A_138 = arith.constant 0 : i32
      %run_scoped3A_139 = arith.constant 2 : i32
      "tpu.region"() ({
        %run_scoped3A_279 = tpu.sem_alloc : memref<!tpu.dma_semaphore, #tpu.memory_space<semaphore_mem>>
        %dma_start3A_280 = arith.constant 0 : i32
        %dma_start3A_281 = arith.constant 0 : i32
        %dma_start3A_282 = tpu.memref_slice %arg9[%run_scoped3A_138, %dma_start3A_280, %dma_start3A_281] : memref<2x128x128xf32, #tpu.memory_space<vmem>> -> memref<1x128x128xf32, #tpu.memory_space<vmem>>
        %dma_start3A_283 = tpu.memref_squeeze %dma_start3A_282 : memref<1x128x128xf32, #tpu.memory_space<vmem>> -> memref<128x128xf32, #tpu.memory_space<vmem>>
        %dma_start3A_284 = arith.constant 0 : i32
        %dma_start3A_285 = tpu.memref_slice %arg8[%rem3A_69, %run_scoped3A_139, %dma_start3A_284] : memref<2x8x128xi32, #tpu.memory_space<vmem>> -> memref<1x1x128xi32, #tpu.memory_space<vmem>>
        %dma_start3A_286 = tpu.memref_squeeze %dma_start3A_285 : memref<1x1x128xi32, #tpu.memory_space<vmem>> -> memref<128xi32, #tpu.memory_space<vmem>>
        %dma_start3A_287 = arith.constant 0 : i32
        %dma_start3A_288 = arith.constant 0 : i32
        %dma_start3A_289 = tpu.memref_slice %arg10[%dma_start3A_287, %dma_start3A_288] : memref<10240x128xf32, #tpu.memory_space<vmem_shared>> -> memref<10240x128xf32, #tpu.memory_space<vmem_shared>>
        tpu.enqueue_indirect_dma source(%dma_start3A_283 : memref<128x128xf32, #tpu.memory_space<vmem>>) target(%dma_start3A_289 : memref<10240x128xf32, #tpu.memory_space<vmem_shared>>) offsets(%dma_start3A_286 : memref<128xi32, #tpu.memory_space<vmem>>) semaphore(%run_scoped3A_279 : memref<!tpu.dma_semaphore, #tpu.memory_space<semaphore_mem>>) {add = true}
        %dma_wait3A_290 = arith.constant 0 : i32
        %dma_wait3A_291 = arith.constant 0 : i32
        %dma_wait3A_292 = tpu.memref_slice %arg9[%run_scoped3A_138, %dma_wait3A_290, %dma_wait3A_291] : memref<2x128x128xf32, #tpu.memory_space<vmem>> -> memref<1x128x128xf32, #tpu.memory_space<vmem>>
        %dma_wait3A_293 = tpu.memref_squeeze %dma_wait3A_292 : memref<1x128x128xf32, #tpu.memory_space<vmem>> -> memref<128x128xf32, #tpu.memory_space<vmem>>
        %dma_wait3A_294 = arith.constant 0 : i32
        %dma_wait3A_295 = tpu.memref_slice %arg8[%rem3A_69, %run_scoped3A_139, %dma_wait3A_294] : memref<2x8x128xi32, #tpu.memory_space<vmem>> -> memref<1x1x128xi32, #tpu.memory_space<vmem>>
        %dma_wait3A_296 = tpu.memref_squeeze %dma_wait3A_295 : memref<1x1x128xi32, #tpu.memory_space<vmem>> -> memref<128xi32, #tpu.memory_space<vmem>>
        %dma_wait3A_297 = arith.constant 0 : i32
        %dma_wait3A_298 = arith.constant 0 : i32
        %dma_wait3A_299 = tpu.memref_slice %arg10[%dma_wait3A_297, %dma_wait3A_298] : memref<10240x128xf32, #tpu.memory_space<vmem_shared>> -> memref<10240x128xf32, #tpu.memory_space<vmem_shared>>
        tpu.wait_indirect_dma semaphore(%run_scoped3A_279 : memref<!tpu.dma_semaphore, #tpu.memory_space<semaphore_mem>>) src(%dma_wait3A_293 : memref<128x128xf32, #tpu.memory_space<vmem>>) dst(%dma_wait3A_299 : memref<10240x128xf32, #tpu.memory_space<vmem_shared>>)
        tpu.yield
      }) : () -> ()
      %dma_start3A_140 = arith.constant 4 : i32
      %dma_start3A_141 = arith.constant 0 : i32
      %dma_start3A_142 = arith.constant 0 : i32
      %dma_start3A_143 = arith.constant 0 : i32
      %dma_start3A_144 = tpu.memref_slice %arg9[%dma_start3A_141, %dma_start3A_142, %dma_start3A_143] : memref<2x128x128xf32, #tpu.memory_space<vmem>> -> memref<1x128x128xf32, #tpu.memory_space<vmem>>
      %dma_start3A_145 = tpu.memref_squeeze %dma_start3A_144 : memref<1x128x128xf32, #tpu.memory_space<vmem>> -> memref<128x128xf32, #tpu.memory_space<vmem>>
      %dma_start3A_146 = arith.constant 0 : i32
      %dma_start3A_147 = tpu.memref_slice %arg7[%rem3A_69, %dma_start3A_140, %dma_start3A_146] : memref<2x8x128xi32, #tpu.memory_space<vmem>> -> memref<1x1x128xi32, #tpu.memory_space<vmem>>
      %dma_start3A_148 = tpu.memref_squeeze %dma_start3A_147 : memref<1x1x128xi32, #tpu.memory_space<vmem>> -> memref<128xi32, #tpu.memory_space<vmem>>
      %dma_start3A_149 = arith.constant 0 : i32
      %dma_start3A_150 = arith.constant 0 : i32
      %dma_start3A_151 = tpu.memref_slice %arg4[%dma_start3A_149, %dma_start3A_150] : memref<10240x128xf32, #tpu.memory_space<hbm>> -> memref<10240x128xf32, #tpu.memory_space<hbm>>
      tpu.enqueue_indirect_dma source(%dma_start3A_151 : memref<10240x128xf32, #tpu.memory_space<hbm>>) target(%dma_start3A_145 : memref<128x128xf32, #tpu.memory_space<vmem>>) offsets(%dma_start3A_148 : memref<128xi32, #tpu.memory_space<vmem>>) semaphore(%arg11 : memref<!tpu.dma_semaphore, #tpu.memory_space<semaphore_mem>>)
      %dma_wait3A_152 = arith.constant 3 : i32
      %dma_wait3A_153 = arith.constant 1 : i32
      %dma_wait3A_154 = arith.constant 0 : i32
      %dma_wait3A_155 = arith.constant 0 : i32
      %dma_wait3A_156 = tpu.memref_slice %arg9[%dma_wait3A_153, %dma_wait3A_154, %dma_wait3A_155] : memref<2x128x128xf32, #tpu.memory_space<vmem>> -> memref<1x128x128xf32, #tpu.memory_space<vmem>>
      %dma_wait3A_157 = tpu.memref_squeeze %dma_wait3A_156 : memref<1x128x128xf32, #tpu.memory_space<vmem>> -> memref<128x128xf32, #tpu.memory_space<vmem>>
      %dma_wait3A_158 = arith.constant 0 : i32
      %dma_wait3A_159 = tpu.memref_slice %arg7[%rem3A_69, %dma_wait3A_152, %dma_wait3A_158] : memref<2x8x128xi32, #tpu.memory_space<vmem>> -> memref<1x1x128xi32, #tpu.memory_space<vmem>>
      %dma_wait3A_160 = tpu.memref_squeeze %dma_wait3A_159 : memref<1x1x128xi32, #tpu.memory_space<vmem>> -> memref<128xi32, #tpu.memory_space<vmem>>
      %dma_wait3A_161 = arith.constant 0 : i32
      %dma_wait3A_162 = arith.constant 0 : i32
      %dma_wait3A_163 = tpu.memref_slice %arg4[%dma_wait3A_161, %dma_wait3A_162] : memref<10240x128xf32, #tpu.memory_space<hbm>> -> memref<10240x128xf32, #tpu.memory_space<hbm>>
      tpu.wait_indirect_dma semaphore(%arg12 : memref<!tpu.dma_semaphore, #tpu.memory_space<semaphore_mem>>) src(%dma_wait3A_163 : memref<10240x128xf32, #tpu.memory_space<hbm>>) dst(%dma_wait3A_157 : memref<128x128xf32, #tpu.memory_space<vmem>>)
      %run_scoped3A_164 = arith.constant 1 : i32
      %run_scoped3A_165 = arith.constant 3 : i32
      "tpu.region"() ({
        %run_scoped3A_279 = tpu.sem_alloc : memref<!tpu.dma_semaphore, #tpu.memory_space<semaphore_mem>>
        %dma_start3A_280 = arith.constant 0 : i32
        %dma_start3A_281 = arith.constant 0 : i32
        %dma_start3A_282 = tpu.memref_slice %arg9[%run_scoped3A_164, %dma_start3A_280, %dma_start3A_281] : memref<2x128x128xf32, #tpu.memory_space<vmem>> -> memref<1x128x128xf32, #tpu.memory_space<vmem>>
        %dma_start3A_283 = tpu.memref_squeeze %dma_start3A_282 : memref<1x128x128xf32, #tpu.memory_space<vmem>> -> memref<128x128xf32, #tpu.memory_space<vmem>>
        %dma_start3A_284 = arith.constant 0 : i32
        %dma_start3A_285 = tpu.memref_slice %arg8[%rem3A_69, %run_scoped3A_165, %dma_start3A_284] : memref<2x8x128xi32, #tpu.memory_space<vmem>> -> memref<1x1x128xi32, #tpu.memory_space<vmem>>
        %dma_start3A_286 = tpu.memref_squeeze %dma_start3A_285 : memref<1x1x128xi32, #tpu.memory_space<vmem>> -> memref<128xi32, #tpu.memory_space<vmem>>
        %dma_start3A_287 = arith.constant 0 : i32
        %dma_start3A_288 = arith.constant 0 : i32
        %dma_start3A_289 = tpu.memref_slice %arg10[%dma_start3A_287, %dma_start3A_288] : memref<10240x128xf32, #tpu.memory_space<vmem_shared>> -> memref<10240x128xf32, #tpu.memory_space<vmem_shared>>
        tpu.enqueue_indirect_dma source(%dma_start3A_283 : memref<128x128xf32, #tpu.memory_space<vmem>>) target(%dma_start3A_289 : memref<10240x128xf32, #tpu.memory_space<vmem_shared>>) offsets(%dma_start3A_286 : memref<128xi32, #tpu.memory_space<vmem>>) semaphore(%run_scoped3A_279 : memref<!tpu.dma_semaphore, #tpu.memory_space<semaphore_mem>>) {add = true}
        %dma_wait3A_290 = arith.constant 0 : i32
        %dma_wait3A_291 = arith.constant 0 : i32
        %dma_wait3A_292 = tpu.memref_slice %arg9[%run_scoped3A_164, %dma_wait3A_290, %dma_wait3A_291] : memref<2x128x128xf32, #tpu.memory_space<vmem>> -> memref<1x128x128xf32, #tpu.memory_space<vmem>>
        %dma_wait3A_293 = tpu.memref_squeeze %dma_wait3A_292 : memref<1x128x128xf32, #tpu.memory_space<vmem>> -> memref<128x128xf32, #tpu.memory_space<vmem>>
        %dma_wait3A_294 = arith.constant 0 : i32
        %dma_wait3A_295 = tpu.memref_slice %arg8[%rem3A_69, %run_scoped3A_165, %dma_wait3A_294] : memref<2x8x128xi32, #tpu.memory_space<vmem>> -> memref<1x1x128xi32, #tpu.memory_space<vmem>>
        %dma_wait3A_296 = tpu.memref_squeeze %dma_wait3A_295 : memref<1x1x128xi32, #tpu.memory_space<vmem>> -> memref<128xi32, #tpu.memory_space<vmem>>
        %dma_wait3A_297 = arith.constant 0 : i32
        %dma_wait3A_298 = arith.constant 0 : i32
        %dma_wait3A_299 = tpu.memref_slice %arg10[%dma_wait3A_297, %dma_wait3A_298] : memref<10240x128xf32, #tpu.memory_space<vmem_shared>> -> memref<10240x128xf32, #tpu.memory_space<vmem_shared>>
        tpu.wait_indirect_dma semaphore(%run_scoped3A_279 : memref<!tpu.dma_semaphore, #tpu.memory_space<semaphore_mem>>) src(%dma_wait3A_293 : memref<128x128xf32, #tpu.memory_space<vmem>>) dst(%dma_wait3A_299 : memref<10240x128xf32, #tpu.memory_space<vmem_shared>>)
        tpu.yield
      }) : () -> ()
      %dma_start3A_166 = arith.constant 5 : i32
      %dma_start3A_167 = arith.constant 1 : i32
      %dma_start3A_168 = arith.constant 0 : i32
      %dma_start3A_169 = arith.constant 0 : i32
      %dma_start3A_170 = tpu.memref_slice %arg9[%dma_start3A_167, %dma_start3A_168, %dma_start3A_169] : memref<2x128x128xf32, #tpu.memory_space<vmem>> -> memref<1x128x128xf32, #tpu.memory_space<vmem>>
      %dma_start3A_171 = tpu.memref_squeeze %dma_start3A_170 : memref<1x128x128xf32, #tpu.memory_space<vmem>> -> memref<128x128xf32, #tpu.memory_space<vmem>>
      %dma_start3A_172 = arith.constant 0 : i32
      %dma_start3A_173 = tpu.memref_slice %arg7[%rem3A_69, %dma_start3A_166, %dma_start3A_172] : memref<2x8x128xi32, #tpu.memory_space<vmem>> -> memref<1x1x128xi32, #tpu.memory_space<vmem>>
      %dma_start3A_174 = tpu.memref_squeeze %dma_start3A_173 : memref<1x1x128xi32, #tpu.memory_space<vmem>> -> memref<128xi32, #tpu.memory_space<vmem>>
      %dma_start3A_175 = arith.constant 0 : i32
      %dma_start3A_176 = arith.constant 0 : i32
      %dma_start3A_177 = tpu.memref_slice %arg4[%dma_start3A_175, %dma_start3A_176] : memref<10240x128xf32, #tpu.memory_space<hbm>> -> memref<10240x128xf32, #tpu.memory_space<hbm>>
      tpu.enqueue_indirect_dma source(%dma_start3A_177 : memref<10240x128xf32, #tpu.memory_space<hbm>>) target(%dma_start3A_171 : memref<128x128xf32, #tpu.memory_space<vmem>>) offsets(%dma_start3A_174 : memref<128xi32, #tpu.memory_space<vmem>>) semaphore(%arg12 : memref<!tpu.dma_semaphore, #tpu.memory_space<semaphore_mem>>)
      %dma_wait3A_178 = arith.constant 4 : i32
      %dma_wait3A_179 = arith.constant 0 : i32
      %dma_wait3A_180 = arith.constant 0 : i32
      %dma_wait3A_181 = arith.constant 0 : i32
      %dma_wait3A_182 = tpu.memref_slice %arg9[%dma_wait3A_179, %dma_wait3A_180, %dma_wait3A_181] : memref<2x128x128xf32, #tpu.memory_space<vmem>> -> memref<1x128x128xf32, #tpu.memory_space<vmem>>
      %dma_wait3A_183 = tpu.memref_squeeze %dma_wait3A_182 : memref<1x128x128xf32, #tpu.memory_space<vmem>> -> memref<128x128xf32, #tpu.memory_space<vmem>>
      %dma_wait3A_184 = arith.constant 0 : i32
      %dma_wait3A_185 = tpu.memref_slice %arg7[%rem3A_69, %dma_wait3A_178, %dma_wait3A_184] : memref<2x8x128xi32, #tpu.memory_space<vmem>> -> memref<1x1x128xi32, #tpu.memory_space<vmem>>
      %dma_wait3A_186 = tpu.memref_squeeze %dma_wait3A_185 : memref<1x1x128xi32, #tpu.memory_space<vmem>> -> memref<128xi32, #tpu.memory_space<vmem>>
      %dma_wait3A_187 = arith.constant 0 : i32
      %dma_wait3A_188 = arith.constant 0 : i32
      %dma_wait3A_189 = tpu.memref_slice %arg4[%dma_wait3A_187, %dma_wait3A_188] : memref<10240x128xf32, #tpu.memory_space<hbm>> -> memref<10240x128xf32, #tpu.memory_space<hbm>>
      tpu.wait_indirect_dma semaphore(%arg11 : memref<!tpu.dma_semaphore, #tpu.memory_space<semaphore_mem>>) src(%dma_wait3A_189 : memref<10240x128xf32, #tpu.memory_space<hbm>>) dst(%dma_wait3A_183 : memref<128x128xf32, #tpu.memory_space<vmem>>)
      %run_scoped3A_190 = arith.constant 0 : i32
      %run_scoped3A_191 = arith.constant 4 : i32
      "tpu.region"() ({
        %run_scoped3A_279 = tpu.sem_alloc : memref<!tpu.dma_semaphore, #tpu.memory_space<semaphore_mem>>
        %dma_start3A_280 = arith.constant 0 : i32
        %dma_start3A_281 = arith.constant 0 : i32
        %dma_start3A_282 = tpu.memref_slice %arg9[%run_scoped3A_190, %dma_start3A_280, %dma_start3A_281] : memref<2x128x128xf32, #tpu.memory_space<vmem>> -> memref<1x128x128xf32, #tpu.memory_space<vmem>>
        %dma_start3A_283 = tpu.memref_squeeze %dma_start3A_282 : memref<1x128x128xf32, #tpu.memory_space<vmem>> -> memref<128x128xf32, #tpu.memory_space<vmem>>
        %dma_start3A_284 = arith.constant 0 : i32
        %dma_start3A_285 = tpu.memref_slice %arg8[%rem3A_69, %run_scoped3A_191, %dma_start3A_284] : memref<2x8x128xi32, #tpu.memory_space<vmem>> -> memref<1x1x128xi32, #tpu.memory_space<vmem>>
        %dma_start3A_286 = tpu.memref_squeeze %dma_start3A_285 : memref<1x1x128xi32, #tpu.memory_space<vmem>> -> memref<128xi32, #tpu.memory_space<vmem>>
        %dma_start3A_287 = arith.constant 0 : i32
        %dma_start3A_288 = arith.constant 0 : i32
        %dma_start3A_289 = tpu.memref_slice %arg10[%dma_start3A_287, %dma_start3A_288] : memref<10240x128xf32, #tpu.memory_space<vmem_shared>> -> memref<10240x128xf32, #tpu.memory_space<vmem_shared>>
        tpu.enqueue_indirect_dma source(%dma_start3A_283 : memref<128x128xf32, #tpu.memory_space<vmem>>) target(%dma_start3A_289 : memref<10240x128xf32, #tpu.memory_space<vmem_shared>>) offsets(%dma_start3A_286 : memref<128xi32, #tpu.memory_space<vmem>>) semaphore(%run_scoped3A_279 : memref<!tpu.dma_semaphore, #tpu.memory_space<semaphore_mem>>) {add = true}
        %dma_wait3A_290 = arith.constant 0 : i32
        %dma_wait3A_291 = arith.constant 0 : i32
        %dma_wait3A_292 = tpu.memref_slice %arg9[%run_scoped3A_190, %dma_wait3A_290, %dma_wait3A_291] : memref<2x128x128xf32, #tpu.memory_space<vmem>> -> memref<1x128x128xf32, #tpu.memory_space<vmem>>
        %dma_wait3A_293 = tpu.memref_squeeze %dma_wait3A_292 : memref<1x128x128xf32, #tpu.memory_space<vmem>> -> memref<128x128xf32, #tpu.memory_space<vmem>>
        %dma_wait3A_294 = arith.constant 0 : i32
        %dma_wait3A_295 = tpu.memref_slice %arg8[%rem3A_69, %run_scoped3A_191, %dma_wait3A_294] : memref<2x8x128xi32, #tpu.memory_space<vmem>> -> memref<1x1x128xi32, #tpu.memory_space<vmem>>
        %dma_wait3A_296 = tpu.memref_squeeze %dma_wait3A_295 : memref<1x1x128xi32, #tpu.memory_space<vmem>> -> memref<128xi32, #tpu.memory_space<vmem>>
        %dma_wait3A_297 = arith.constant 0 : i32
        %dma_wait3A_298 = arith.constant 0 : i32
        %dma_wait3A_299 = tpu.memref_slice %arg10[%dma_wait3A_297, %dma_wait3A_298] : memref<10240x128xf32, #tpu.memory_space<vmem_shared>> -> memref<10240x128xf32, #tpu.memory_space<vmem_shared>>
        tpu.wait_indirect_dma semaphore(%run_scoped3A_279 : memref<!tpu.dma_semaphore, #tpu.memory_space<semaphore_mem>>) src(%dma_wait3A_293 : memref<128x128xf32, #tpu.memory_space<vmem>>) dst(%dma_wait3A_299 : memref<10240x128xf32, #tpu.memory_space<vmem_shared>>)
        tpu.yield
      }) : () -> ()
      %dma_start3A_192 = arith.constant 6 : i32
      %dma_start3A_193 = arith.constant 0 : i32
      %dma_start3A_194 = arith.constant 0 : i32
      %dma_start3A_195 = arith.constant 0 : i32
      %dma_start3A_196 = tpu.memref_slice %arg9[%dma_start3A_193, %dma_start3A_194, %dma_start3A_195] : memref<2x128x128xf32, #tpu.memory_space<vmem>> -> memref<1x128x128xf32, #tpu.memory_space<vmem>>
      %dma_start3A_197 = tpu.memref_squeeze %dma_start3A_196 : memref<1x128x128xf32, #tpu.memory_space<vmem>> -> memref<128x128xf32, #tpu.memory_space<vmem>>
      %dma_start3A_198 = arith.constant 0 : i32
      %dma_start3A_199 = tpu.memref_slice %arg7[%rem3A_69, %dma_start3A_192, %dma_start3A_198] : memref<2x8x128xi32, #tpu.memory_space<vmem>> -> memref<1x1x128xi32, #tpu.memory_space<vmem>>
      %dma_start3A_200 = tpu.memref_squeeze %dma_start3A_199 : memref<1x1x128xi32, #tpu.memory_space<vmem>> -> memref<128xi32, #tpu.memory_space<vmem>>
      %dma_start3A_201 = arith.constant 0 : i32
      %dma_start3A_202 = arith.constant 0 : i32
      %dma_start3A_203 = tpu.memref_slice %arg4[%dma_start3A_201, %dma_start3A_202] : memref<10240x128xf32, #tpu.memory_space<hbm>> -> memref<10240x128xf32, #tpu.memory_space<hbm>>
      tpu.enqueue_indirect_dma source(%dma_start3A_203 : memref<10240x128xf32, #tpu.memory_space<hbm>>) target(%dma_start3A_197 : memref<128x128xf32, #tpu.memory_space<vmem>>) offsets(%dma_start3A_200 : memref<128xi32, #tpu.memory_space<vmem>>) semaphore(%arg11 : memref<!tpu.dma_semaphore, #tpu.memory_space<semaphore_mem>>)
      %dma_wait3A_204 = arith.constant 5 : i32
      %dma_wait3A_205 = arith.constant 1 : i32
      %dma_wait3A_206 = arith.constant 0 : i32
      %dma_wait3A_207 = arith.constant 0 : i32
      %dma_wait3A_208 = tpu.memref_slice %arg9[%dma_wait3A_205, %dma_wait3A_206, %dma_wait3A_207] : memref<2x128x128xf32, #tpu.memory_space<vmem>> -> memref<1x128x128xf32, #tpu.memory_space<vmem>>
      %dma_wait3A_209 = tpu.memref_squeeze %dma_wait3A_208 : memref<1x128x128xf32, #tpu.memory_space<vmem>> -> memref<128x128xf32, #tpu.memory_space<vmem>>
      %dma_wait3A_210 = arith.constant 0 : i32
      %dma_wait3A_211 = tpu.memref_slice %arg7[%rem3A_69, %dma_wait3A_204, %dma_wait3A_210] : memref<2x8x128xi32, #tpu.memory_space<vmem>> -> memref<1x1x128xi32, #tpu.memory_space<vmem>>
      %dma_wait3A_212 = tpu.memref_squeeze %dma_wait3A_211 : memref<1x1x128xi32, #tpu.memory_space<vmem>> -> memref<128xi32, #tpu.memory_space<vmem>>
      %dma_wait3A_213 = arith.constant 0 : i32
      %dma_wait3A_214 = arith.constant 0 : i32
      %dma_wait3A_215 = tpu.memref_slice %arg4[%dma_wait3A_213, %dma_wait3A_214] : memref<10240x128xf32, #tpu.memory_space<hbm>> -> memref<10240x128xf32, #tpu.memory_space<hbm>>
      tpu.wait_indirect_dma semaphore(%arg12 : memref<!tpu.dma_semaphore, #tpu.memory_space<semaphore_mem>>) src(%dma_wait3A_215 : memref<10240x128xf32, #tpu.memory_space<hbm>>) dst(%dma_wait3A_209 : memref<128x128xf32, #tpu.memory_space<vmem>>)
      %run_scoped3A_216 = arith.constant 1 : i32
      %run_scoped3A_217 = arith.constant 5 : i32
      "tpu.region"() ({
        %run_scoped3A_279 = tpu.sem_alloc : memref<!tpu.dma_semaphore, #tpu.memory_space<semaphore_mem>>
        %dma_start3A_280 = arith.constant 0 : i32
        %dma_start3A_281 = arith.constant 0 : i32
        %dma_start3A_282 = tpu.memref_slice %arg9[%run_scoped3A_216, %dma_start3A_280, %dma_start3A_281] : memref<2x128x128xf32, #tpu.memory_space<vmem>> -> memref<1x128x128xf32, #tpu.memory_space<vmem>>
        %dma_start3A_283 = tpu.memref_squeeze %dma_start3A_282 : memref<1x128x128xf32, #tpu.memory_space<vmem>> -> memref<128x128xf32, #tpu.memory_space<vmem>>
        %dma_start3A_284 = arith.constant 0 : i32
        %dma_start3A_285 = tpu.memref_slice %arg8[%rem3A_69, %run_scoped3A_217, %dma_start3A_284] : memref<2x8x128xi32, #tpu.memory_space<vmem>> -> memref<1x1x128xi32, #tpu.memory_space<vmem>>
        %dma_start3A_286 = tpu.memref_squeeze %dma_start3A_285 : memref<1x1x128xi32, #tpu.memory_space<vmem>> -> memref<128xi32, #tpu.memory_space<vmem>>
        %dma_start3A_287 = arith.constant 0 : i32
        %dma_start3A_288 = arith.constant 0 : i32
        %dma_start3A_289 = tpu.memref_slice %arg10[%dma_start3A_287, %dma_start3A_288] : memref<10240x128xf32, #tpu.memory_space<vmem_shared>> -> memref<10240x128xf32, #tpu.memory_space<vmem_shared>>
        tpu.enqueue_indirect_dma source(%dma_start3A_283 : memref<128x128xf32, #tpu.memory_space<vmem>>) target(%dma_start3A_289 : memref<10240x128xf32, #tpu.memory_space<vmem_shared>>) offsets(%dma_start3A_286 : memref<128xi32, #tpu.memory_space<vmem>>) semaphore(%run_scoped3A_279 : memref<!tpu.dma_semaphore, #tpu.memory_space<semaphore_mem>>) {add = true}
        %dma_wait3A_290 = arith.constant 0 : i32
        %dma_wait3A_291 = arith.constant 0 : i32
        %dma_wait3A_292 = tpu.memref_slice %arg9[%run_scoped3A_216, %dma_wait3A_290, %dma_wait3A_291] : memref<2x128x128xf32, #tpu.memory_space<vmem>> -> memref<1x128x128xf32, #tpu.memory_space<vmem>>
        %dma_wait3A_293 = tpu.memref_squeeze %dma_wait3A_292 : memref<1x128x128xf32, #tpu.memory_space<vmem>> -> memref<128x128xf32, #tpu.memory_space<vmem>>
        %dma_wait3A_294 = arith.constant 0 : i32
        %dma_wait3A_295 = tpu.memref_slice %arg8[%rem3A_69, %run_scoped3A_217, %dma_wait3A_294] : memref<2x8x128xi32, #tpu.memory_space<vmem>> -> memref<1x1x128xi32, #tpu.memory_space<vmem>>
        %dma_wait3A_296 = tpu.memref_squeeze %dma_wait3A_295 : memref<1x1x128xi32, #tpu.memory_space<vmem>> -> memref<128xi32, #tpu.memory_space<vmem>>
        %dma_wait3A_297 = arith.constant 0 : i32
        %dma_wait3A_298 = arith.constant 0 : i32
        %dma_wait3A_299 = tpu.memref_slice %arg10[%dma_wait3A_297, %dma_wait3A_298] : memref<10240x128xf32, #tpu.memory_space<vmem_shared>> -> memref<10240x128xf32, #tpu.memory_space<vmem_shared>>
        tpu.wait_indirect_dma semaphore(%run_scoped3A_279 : memref<!tpu.dma_semaphore, #tpu.memory_space<semaphore_mem>>) src(%dma_wait3A_293 : memref<128x128xf32, #tpu.memory_space<vmem>>) dst(%dma_wait3A_299 : memref<10240x128xf32, #tpu.memory_space<vmem_shared>>)
        tpu.yield
      }) : () -> ()
      %dma_start3A_218 = arith.constant 7 : i32
      %dma_start3A_219 = arith.constant 1 : i32
      %dma_start3A_220 = arith.constant 0 : i32
      %dma_start3A_221 = arith.constant 0 : i32
      %dma_start3A_222 = tpu.memref_slice %arg9[%dma_start3A_219, %dma_start3A_220, %dma_start3A_221] : memref<2x128x128xf32, #tpu.memory_space<vmem>> -> memref<1x128x128xf32, #tpu.memory_space<vmem>>
      %dma_start3A_223 = tpu.memref_squeeze %dma_start3A_222 : memref<1x128x128xf32, #tpu.memory_space<vmem>> -> memref<128x128xf32, #tpu.memory_space<vmem>>
      %dma_start3A_224 = arith.constant 0 : i32
      %dma_start3A_225 = tpu.memref_slice %arg7[%rem3A_69, %dma_start3A_218, %dma_start3A_224] : memref<2x8x128xi32, #tpu.memory_space<vmem>> -> memref<1x1x128xi32, #tpu.memory_space<vmem>>
      %dma_start3A_226 = tpu.memref_squeeze %dma_start3A_225 : memref<1x1x128xi32, #tpu.memory_space<vmem>> -> memref<128xi32, #tpu.memory_space<vmem>>
      %dma_start3A_227 = arith.constant 0 : i32
      %dma_start3A_228 = arith.constant 0 : i32
      %dma_start3A_229 = tpu.memref_slice %arg4[%dma_start3A_227, %dma_start3A_228] : memref<10240x128xf32, #tpu.memory_space<hbm>> -> memref<10240x128xf32, #tpu.memory_space<hbm>>
      tpu.enqueue_indirect_dma source(%dma_start3A_229 : memref<10240x128xf32, #tpu.memory_space<hbm>>) target(%dma_start3A_223 : memref<128x128xf32, #tpu.memory_space<vmem>>) offsets(%dma_start3A_226 : memref<128xi32, #tpu.memory_space<vmem>>) semaphore(%arg12 : memref<!tpu.dma_semaphore, #tpu.memory_space<semaphore_mem>>)
      %dma_wait3A_230 = arith.constant 6 : i32
      %dma_wait3A_231 = arith.constant 0 : i32
      %dma_wait3A_232 = arith.constant 0 : i32
      %dma_wait3A_233 = arith.constant 0 : i32
      %dma_wait3A_234 = tpu.memref_slice %arg9[%dma_wait3A_231, %dma_wait3A_232, %dma_wait3A_233] : memref<2x128x128xf32, #tpu.memory_space<vmem>> -> memref<1x128x128xf32, #tpu.memory_space<vmem>>
      %dma_wait3A_235 = tpu.memref_squeeze %dma_wait3A_234 : memref<1x128x128xf32, #tpu.memory_space<vmem>> -> memref<128x128xf32, #tpu.memory_space<vmem>>
      %dma_wait3A_236 = arith.constant 0 : i32
      %dma_wait3A_237 = tpu.memref_slice %arg7[%rem3A_69, %dma_wait3A_230, %dma_wait3A_236] : memref<2x8x128xi32, #tpu.memory_space<vmem>> -> memref<1x1x128xi32, #tpu.memory_space<vmem>>
      %dma_wait3A_238 = tpu.memref_squeeze %dma_wait3A_237 : memref<1x1x128xi32, #tpu.memory_space<vmem>> -> memref<128xi32, #tpu.memory_space<vmem>>
      %dma_wait3A_239 = arith.constant 0 : i32
      %dma_wait3A_240 = arith.constant 0 : i32
      %dma_wait3A_241 = tpu.memref_slice %arg4[%dma_wait3A_239, %dma_wait3A_240] : memref<10240x128xf32, #tpu.memory_space<hbm>> -> memref<10240x128xf32, #tpu.memory_space<hbm>>
      tpu.wait_indirect_dma semaphore(%arg11 : memref<!tpu.dma_semaphore, #tpu.memory_space<semaphore_mem>>) src(%dma_wait3A_241 : memref<10240x128xf32, #tpu.memory_space<hbm>>) dst(%dma_wait3A_235 : memref<128x128xf32, #tpu.memory_space<vmem>>)
      %run_scoped3A_242 = arith.constant 0 : i32
      %run_scoped3A_243 = arith.constant 6 : i32
      "tpu.region"() ({
        %run_scoped3A_279 = tpu.sem_alloc : memref<!tpu.dma_semaphore, #tpu.memory_space<semaphore_mem>>
        %dma_start3A_280 = arith.constant 0 : i32
        %dma_start3A_281 = arith.constant 0 : i32
        %dma_start3A_282 = tpu.memref_slice %arg9[%run_scoped3A_242, %dma_start3A_280, %dma_start3A_281] : memref<2x128x128xf32, #tpu.memory_space<vmem>> -> memref<1x128x128xf32, #tpu.memory_space<vmem>>
        %dma_start3A_283 = tpu.memref_squeeze %dma_start3A_282 : memref<1x128x128xf32, #tpu.memory_space<vmem>> -> memref<128x128xf32, #tpu.memory_space<vmem>>
        %dma_start3A_284 = arith.constant 0 : i32
        %dma_start3A_285 = tpu.memref_slice %arg8[%rem3A_69, %run_scoped3A_243, %dma_start3A_284] : memref<2x8x128xi32, #tpu.memory_space<vmem>> -> memref<1x1x128xi32, #tpu.memory_space<vmem>>
        %dma_start3A_286 = tpu.memref_squeeze %dma_start3A_285 : memref<1x1x128xi32, #tpu.memory_space<vmem>> -> memref<128xi32, #tpu.memory_space<vmem>>
        %dma_start3A_287 = arith.constant 0 : i32
        %dma_start3A_288 = arith.constant 0 : i32
        %dma_start3A_289 = tpu.memref_slice %arg10[%dma_start3A_287, %dma_start3A_288] : memref<10240x128xf32, #tpu.memory_space<vmem_shared>> -> memref<10240x128xf32, #tpu.memory_space<vmem_shared>>
        tpu.enqueue_indirect_dma source(%dma_start3A_283 : memref<128x128xf32, #tpu.memory_space<vmem>>) target(%dma_start3A_289 : memref<10240x128xf32, #tpu.memory_space<vmem_shared>>) offsets(%dma_start3A_286 : memref<128xi32, #tpu.memory_space<vmem>>) semaphore(%run_scoped3A_279 : memref<!tpu.dma_semaphore, #tpu.memory_space<semaphore_mem>>) {add = true}
        %dma_wait3A_290 = arith.constant 0 : i32
        %dma_wait3A_291 = arith.constant 0 : i32
        %dma_wait3A_292 = tpu.memref_slice %arg9[%run_scoped3A_242, %dma_wait3A_290, %dma_wait3A_291] : memref<2x128x128xf32, #tpu.memory_space<vmem>> -> memref<1x128x128xf32, #tpu.memory_space<vmem>>
        %dma_wait3A_293 = tpu.memref_squeeze %dma_wait3A_292 : memref<1x128x128xf32, #tpu.memory_space<vmem>> -> memref<128x128xf32, #tpu.memory_space<vmem>>
        %dma_wait3A_294 = arith.constant 0 : i32
        %dma_wait3A_295 = tpu.memref_slice %arg8[%rem3A_69, %run_scoped3A_243, %dma_wait3A_294] : memref<2x8x128xi32, #tpu.memory_space<vmem>> -> memref<1x1x128xi32, #tpu.memory_space<vmem>>
        %dma_wait3A_296 = tpu.memref_squeeze %dma_wait3A_295 : memref<1x1x128xi32, #tpu.memory_space<vmem>> -> memref<128xi32, #tpu.memory_space<vmem>>
        %dma_wait3A_297 = arith.constant 0 : i32
        %dma_wait3A_298 = arith.constant 0 : i32
        %dma_wait3A_299 = tpu.memref_slice %arg10[%dma_wait3A_297, %dma_wait3A_298] : memref<10240x128xf32, #tpu.memory_space<vmem_shared>> -> memref<10240x128xf32, #tpu.memory_space<vmem_shared>>
        tpu.wait_indirect_dma semaphore(%run_scoped3A_279 : memref<!tpu.dma_semaphore, #tpu.memory_space<semaphore_mem>>) src(%dma_wait3A_293 : memref<128x128xf32, #tpu.memory_space<vmem>>) dst(%dma_wait3A_299 : memref<10240x128xf32, #tpu.memory_space<vmem_shared>>)
        tpu.yield
      }) : () -> ()
      %add3A_244 = arith.constant 1 : i32
      %add3A_245 = arith.addi %scan3A_68, %add3A_244 : i32
      %lt3A_246 = arith.constant 10 : i32
      %lt3A_247 = arith.cmpi slt, %add3A_245, %lt3A_246 : i32
      %convert_element_type3A_248 = arith.extui %lt3A_247 : i1 to i32
      %cond3A_249 = arith.constant 0 : i32
      %cond3A_250 = arith.cmpi ne, %convert_element_type3A_248, %cond3A_249 : i32
      scf.if %cond3A_250 {
        %dma_start3A_279 = arith.constant 0 : i32
        %dma_start3A_280 = arith.constant 0 : i32
        %dma_start3A_281 = arith.constant 0 : i32
        %dma_start3A_282 = arith.constant 0 : i32
        %dma_start3A_283 = tpu.memref_slice %arg9[%dma_start3A_280, %dma_start3A_281, %dma_start3A_282] : memref<2x128x128xf32, #tpu.memory_space<vmem>> -> memref<1x128x128xf32, #tpu.memory_space<vmem>>
        %dma_start3A_284 = tpu.memref_squeeze %dma_start3A_283 : memref<1x128x128xf32, #tpu.memory_space<vmem>> -> memref<128x128xf32, #tpu.memory_space<vmem>>
        %dma_start3A_285 = arith.constant 0 : i32
        %dma_start3A_286 = tpu.memref_slice %arg7[%sub3A_70, %dma_start3A_279, %dma_start3A_285] : memref<2x8x128xi32, #tpu.memory_space<vmem>> -> memref<1x1x128xi32, #tpu.memory_space<vmem>>
        %dma_start3A_287 = tpu.memref_squeeze %dma_start3A_286 : memref<1x1x128xi32, #tpu.memory_space<vmem>> -> memref<128xi32, #tpu.memory_space<vmem>>
        %dma_start3A_288 = arith.constant 0 : i32
        %dma_start3A_289 = arith.constant 0 : i32
        %dma_start3A_290 = tpu.memref_slice %arg4[%dma_start3A_288, %dma_start3A_289] : memref<10240x128xf32, #tpu.memory_space<hbm>> -> memref<10240x128xf32, #tpu.memory_space<hbm>>
        tpu.enqueue_indirect_dma source(%dma_start3A_290 : memref<10240x128xf32, #tpu.memory_space<hbm>>) target(%dma_start3A_284 : memref<128x128xf32, #tpu.memory_space<vmem>>) offsets(%dma_start3A_287 : memref<128xi32, #tpu.memory_space<vmem>>) semaphore(%arg11 : memref<!tpu.dma_semaphore, #tpu.memory_space<semaphore_mem>>)
      } else {
      }
      %dma_wait3A_251 = arith.constant 7 : i32
      %dma_wait3A_252 = arith.constant 1 : i32
      %dma_wait3A_253 = arith.constant 0 : i32
      %dma_wait3A_254 = arith.constant 0 : i32
      %dma_wait3A_255 = tpu.memref_slice %arg9[%dma_wait3A_252, %dma_wait3A_253, %dma_wait3A_254] : memref<2x128x128xf32, #tpu.memory_space<vmem>> -> memref<1x128x128xf32, #tpu.memory_space<vmem>>
      %dma_wait3A_256 = tpu.memref_squeeze %dma_wait3A_255 : memref<1x128x128xf32, #tpu.memory_space<vmem>> -> memref<128x128xf32, #tpu.memory_space<vmem>>
      %dma_wait3A_257 = arith.constant 0 : i32
      %dma_wait3A_258 = tpu.memref_slice %arg7[%rem3A_69, %dma_wait3A_251, %dma_wait3A_257] : memref<2x8x128xi32, #tpu.memory_space<vmem>> -> memref<1x1x128xi32, #tpu.memory_space<vmem>>
      %dma_wait3A_259 = tpu.memref_squeeze %dma_wait3A_258 : memref<1x1x128xi32, #tpu.memory_space<vmem>> -> memref<128xi32, #tpu.memory_space<vmem>>
      %dma_wait3A_260 = arith.constant 0 : i32
      %dma_wait3A_261 = arith.constant 0 : i32
      %dma_wait3A_262 = tpu.memref_slice %arg4[%dma_wait3A_260, %dma_wait3A_261] : memref<10240x128xf32, #tpu.memory_space<hbm>> -> memref<10240x128xf32, #tpu.memory_space<hbm>>
      tpu.wait_indirect_dma semaphore(%arg12 : memref<!tpu.dma_semaphore, #tpu.memory_space<semaphore_mem>>) src(%dma_wait3A_262 : memref<10240x128xf32, #tpu.memory_space<hbm>>) dst(%dma_wait3A_256 : memref<128x128xf32, #tpu.memory_space<vmem>>)
      %run_scoped3A_263 = arith.constant 1 : i32
      %run_scoped3A_264 = arith.constant 7 : i32
      "tpu.region"() ({
        %run_scoped3A_279 = tpu.sem_alloc : memref<!tpu.dma_semaphore, #tpu.memory_space<semaphore_mem>>
        %dma_start3A_280 = arith.constant 0 : i32
        %dma_start3A_281 = arith.constant 0 : i32
        %dma_start3A_282 = tpu.memref_slice %arg9[%run_scoped3A_263, %dma_start3A_280, %dma_start3A_281] : memref<2x128x128xf32, #tpu.memory_space<vmem>> -> memref<1x128x128xf32, #tpu.memory_space<vmem>>
        %dma_start3A_283 = tpu.memref_squeeze %dma_start3A_282 : memref<1x128x128xf32, #tpu.memory_space<vmem>> -> memref<128x128xf32, #tpu.memory_space<vmem>>
        %dma_start3A_284 = arith.constant 0 : i32
        %dma_start3A_285 = tpu.memref_slice %arg8[%rem3A_69, %run_scoped3A_264, %dma_start3A_284] : memref<2x8x128xi32, #tpu.memory_space<vmem>> -> memref<1x1x128xi32, #tpu.memory_space<vmem>>
        %dma_start3A_286 = tpu.memref_squeeze %dma_start3A_285 : memref<1x1x128xi32, #tpu.memory_space<vmem>> -> memref<128xi32, #tpu.memory_space<vmem>>
        %dma_start3A_287 = arith.constant 0 : i32
        %dma_start3A_288 = arith.constant 0 : i32
        %dma_start3A_289 = tpu.memref_slice %arg10[%dma_start3A_287, %dma_start3A_288] : memref<10240x128xf32, #tpu.memory_space<vmem_shared>> -> memref<10240x128xf32, #tpu.memory_space<vmem_shared>>
        tpu.enqueue_indirect_dma source(%dma_start3A_283 : memref<128x128xf32, #tpu.memory_space<vmem>>) target(%dma_start3A_289 : memref<10240x128xf32, #tpu.memory_space<vmem_shared>>) offsets(%dma_start3A_286 : memref<128xi32, #tpu.memory_space<vmem>>) semaphore(%run_scoped3A_279 : memref<!tpu.dma_semaphore, #tpu.memory_space<semaphore_mem>>) {add = true}
        %dma_wait3A_290 = arith.constant 0 : i32
        %dma_wait3A_291 = arith.constant 0 : i32
        %dma_wait3A_292 = tpu.memref_slice %arg9[%run_scoped3A_263, %dma_wait3A_290, %dma_wait3A_291] : memref<2x128x128xf32, #tpu.memory_space<vmem>> -> memref<1x128x128xf32, #tpu.memory_space<vmem>>
        %dma_wait3A_293 = tpu.memref_squeeze %dma_wait3A_292 : memref<1x128x128xf32, #tpu.memory_space<vmem>> -> memref<128x128xf32, #tpu.memory_space<vmem>>
        %dma_wait3A_294 = arith.constant 0 : i32
        %dma_wait3A_295 = tpu.memref_slice %arg8[%rem3A_69, %run_scoped3A_264, %dma_wait3A_294] : memref<2x8x128xi32, #tpu.memory_space<vmem>> -> memref<1x1x128xi32, #tpu.memory_space<vmem>>
        %dma_wait3A_296 = tpu.memref_squeeze %dma_wait3A_295 : memref<1x1x128xi32, #tpu.memory_space<vmem>> -> memref<128xi32, #tpu.memory_space<vmem>>
        %dma_wait3A_297 = arith.constant 0 : i32
        %dma_wait3A_298 = arith.constant 0 : i32
        %dma_wait3A_299 = tpu.memref_slice %arg10[%dma_wait3A_297, %dma_wait3A_298] : memref<10240x128xf32, #tpu.memory_space<vmem_shared>> -> memref<10240x128xf32, #tpu.memory_space<vmem_shared>>
        tpu.wait_indirect_dma semaphore(%run_scoped3A_279 : memref<!tpu.dma_semaphore, #tpu.memory_space<semaphore_mem>>) src(%dma_wait3A_293 : memref<128x128xf32, #tpu.memory_space<vmem>>) dst(%dma_wait3A_299 : memref<10240x128xf32, #tpu.memory_space<vmem_shared>>)
        tpu.yield
      }) : () -> ()
      %add3A_265 = arith.constant 1 : i32
      %add3A_266 = arith.addi %scan3A_68, %add3A_265 : i32
      %lt3A_267 = arith.constant 10 : i32
      %lt3A_268 = arith.cmpi slt, %add3A_266, %lt3A_267 : i32
      %convert_element_type3A_269 = arith.extui %lt3A_268 : i1 to i32
      %cond3A_270 = arith.constant 0 : i32
      %cond3A_271 = arith.cmpi ne, %convert_element_type3A_269, %cond3A_270 : i32
      scf.if %cond3A_271 {
        %dma_start3A_279 = arith.constant 1 : i32
        %dma_start3A_280 = arith.constant 1 : i32
        %dma_start3A_281 = arith.constant 0 : i32
        %dma_start3A_282 = arith.constant 0 : i32
        %dma_start3A_283 = tpu.memref_slice %arg9[%dma_start3A_280, %dma_start3A_281, %dma_start3A_282] : memref<2x128x128xf32, #tpu.memory_space<vmem>> -> memref<1x128x128xf32, #tpu.memory_space<vmem>>
        %dma_start3A_284 = tpu.memref_squeeze %dma_start3A_283 : memref<1x128x128xf32, #tpu.memory_space<vmem>> -> memref<128x128xf32, #tpu.memory_space<vmem>>
        %dma_start3A_285 = arith.constant 0 : i32
        %dma_start3A_286 = tpu.memref_slice %arg7[%sub3A_70, %dma_start3A_279, %dma_start3A_285] : memref<2x8x128xi32, #tpu.memory_space<vmem>> -> memref<1x1x128xi32, #tpu.memory_space<vmem>>
        %dma_start3A_287 = tpu.memref_squeeze %dma_start3A_286 : memref<1x1x128xi32, #tpu.memory_space<vmem>> -> memref<128xi32, #tpu.memory_space<vmem>>
        %dma_start3A_288 = arith.constant 0 : i32
        %dma_start3A_289 = arith.constant 0 : i32
        %dma_start3A_290 = tpu.memref_slice %arg4[%dma_start3A_288, %dma_start3A_289] : memref<10240x128xf32, #tpu.memory_space<hbm>> -> memref<10240x128xf32, #tpu.memory_space<hbm>>
        tpu.enqueue_indirect_dma source(%dma_start3A_290 : memref<10240x128xf32, #tpu.memory_space<hbm>>) target(%dma_start3A_284 : memref<128x128xf32, #tpu.memory_space<vmem>>) offsets(%dma_start3A_287 : memref<128xi32, #tpu.memory_space<vmem>>) semaphore(%arg12 : memref<!tpu.dma_semaphore, #tpu.memory_space<semaphore_mem>>)
      } else {
      }
      %add3A_272 = arith.constant 2 : i32
      %add3A_273 = arith.addi %scan3A_68, %add3A_272 : i32
      %lt3A_274 = arith.constant 10 : i32
      %lt3A_275 = arith.cmpi slt, %add3A_273, %lt3A_274 : i32
      %convert_element_type3A_276 = arith.extui %lt3A_275 : i1 to i32
      %cond3A_277 = arith.constant 0 : i32
      %cond3A_278 = arith.cmpi ne, %convert_element_type3A_276, %cond3A_277 : i32
      scf.if %cond3A_278 {
        %add3A_279 = arith.constant 2 : i32
        %add3A_280 = arith.addi %scan3A_68, %add3A_279 : i32
        %mul3A_281 = arith.constant 8 : i32
        %mul3A_282 = arith.muli %add3A_280, %mul3A_281 : i32
        %add3A_283 = arith.addi %mul3A_4, %mul3A_282 : i32
        %dma_start3A_284 = arith.constant 0 : i32
        %dma_start3A_285 = arith.constant 0 : i32
        %dma_start3A_286 = tpu.memref_slice %arg7[%rem3A_69, %dma_start3A_284, %dma_start3A_285] : memref<2x8x128xi32, #tpu.memory_space<vmem>> -> memref<1x8x128xi32, #tpu.memory_space<vmem>>
        %dma_start3A_287 = tpu.memref_squeeze %dma_start3A_286 : memref<1x8x128xi32, #tpu.memory_space<vmem>> -> memref<8x128xi32, #tpu.memory_space<vmem>>
        %dma_start3A_288 = arith.constant 0 : i32
        %dma_start3A_289 = tpu.memref_slice %arg2[%add3A_283, %dma_start3A_288] : memref<2560x128xi32, #tpu.memory_space<hbm>> -> memref<8x128xi32, #tpu.memory_space<hbm>>
        %dma_start3A_290 = arith.constant 0 : i32
        %dma_start3A_291 = arith.constant 0 : i32
        %dma_start3A_292 = tpu.memref_slice %arg7[%rem3A_69, %dma_start3A_290, %dma_start3A_291] : memref<2x8x128xi32, #tpu.memory_space<vmem>> -> memref<1x8x128xi32, #tpu.memory_space<vmem>>
        %dma_start3A_293 = tpu.memref_squeeze %dma_start3A_292 : memref<1x8x128xi32, #tpu.memory_space<vmem>> -> memref<8x128xi32, #tpu.memory_space<vmem>>
        %dma_start3A_294 = arith.constant 0 : i32
        %dma_start3A_295 = tpu.memref_slice %arg2[%add3A_283, %dma_start3A_294] : memref<2560x128xi32, #tpu.memory_space<hbm>> -> memref<8x128xi32, #tpu.memory_space<hbm>>
        tpu.enqueue_dma source(%dma_start3A_295 : memref<8x128xi32, #tpu.memory_space<hbm>>) target(%dma_start3A_293 : memref<8x128xi32, #tpu.memory_space<vmem>>) target_semaphore(%arg13 : memref<!tpu.dma_semaphore, #tpu.memory_space<semaphore_mem>>)
        %dma_start3A_296 = arith.constant 0 : i32
        %dma_start3A_297 = arith.constant 0 : i32
        %dma_start3A_298 = tpu.memref_slice %arg8[%rem3A_69, %dma_start3A_296, %dma_start3A_297] : memref<2x8x128xi32, #tpu.memory_space<vmem>> -> memref<1x8x128xi32, #tpu.memory_space<vmem>>
        %dma_start3A_299 = tpu.memref_squeeze %dma_start3A_298 : memref<1x8x128xi32, #tpu.memory_space<vmem>> -> memref<8x128xi32, #tpu.memory_space<vmem>>
        %dma_start3A_300 = arith.constant 0 : i32
        %dma_start3A_301 = tpu.memref_slice %arg3[%add3A_283, %dma_start3A_300] : memref<2560x128xi32, #tpu.memory_space<hbm>> -> memref<8x128xi32, #tpu.memory_space<hbm>>
        %dma_start3A_302 = arith.constant 0 : i32
        %dma_start3A_303 = arith.constant 0 : i32
        %dma_start3A_304 = tpu.memref_slice %arg8[%rem3A_69, %dma_start3A_302, %dma_start3A_303] : memref<2x8x128xi32, #tpu.memory_space<vmem>> -> memref<1x8x128xi32, #tpu.memory_space<vmem>>
        %dma_start3A_305 = tpu.memref_squeeze %dma_start3A_304 : memref<1x8x128xi32, #tpu.memory_space<vmem>> -> memref<8x128xi32, #tpu.memory_space<vmem>>
        %dma_start3A_306 = arith.constant 0 : i32
        %dma_start3A_307 = tpu.memref_slice %arg3[%add3A_283, %dma_start3A_306] : memref<2560x128xi32, #tpu.memory_space<hbm>> -> memref<8x128xi32, #tpu.memory_space<hbm>>
        tpu.enqueue_dma source(%dma_start3A_307 : memref<8x128xi32, #tpu.memory_space<hbm>>) target(%dma_start3A_305 : memref<8x128xi32, #tpu.memory_space<vmem>>) target_semaphore(%arg13 : memref<!tpu.dma_semaphore, #tpu.memory_space<semaphore_mem>>)
      } else {
      }
    }
    %scan3A_63 = arith.constant 10 : i32
    %barrier3A_64 = arith.constant 0 : index
    tpu.barrier barrier_id(%barrier3A_64)
    %mul3A_65 = arith.constant 10240 : i32
    %mul3A_66 = arith.muli %arg0, %mul3A_65 : i32
    %add3A_67 = arith.addi %mul3A_66, %mul3A_2 : i32
    "tpu.region"() ({
      %run_scoped3A_68 = tpu.sem_alloc : memref<!tpu.dma_semaphore, #tpu.memory_space<semaphore_mem>>
      %dma_start3A_69 = arith.constant 0 : i32
      %dma_start3A_70 = tpu.memref_slice %arg6[%add3A_67, %dma_start3A_69] : memref<20480x128xf32, #tpu.memory_space<hbm>> -> memref<640x128xf32, #tpu.memory_space<hbm>>
      %dma_start3A_71 = arith.constant 0 : i32
      %dma_start3A_72 = tpu.memref_slice %arg10[%mul3A_2, %dma_start3A_71] : memref<10240x128xf32, #tpu.memory_space<vmem_shared>> -> memref<640x128xf32, #tpu.memory_space<vmem_shared>>
      tpu.enqueue_dma source(%dma_start3A_72 : memref<640x128xf32, #tpu.memory_space<vmem_shared>>) target(%dma_start3A_70 : memref<640x128xf32, #tpu.memory_space<hbm>>) target_semaphore(%run_scoped3A_68 : memref<!tpu.dma_semaphore, #tpu.memory_space<semaphore_mem>>)
      %dma_wait3A = arith.constant 0 : i32
      %dma_wait3A_73 = tpu.memref_slice %arg6[%add3A_67, %dma_wait3A] : memref<20480x128xf32, #tpu.memory_space<hbm>> -> memref<640x128xf32, #tpu.memory_space<hbm>>
      %dma_wait3A_74 = arith.constant 0 : i32
      %dma_wait3A_75 = tpu.memref_slice %arg10[%mul3A_2, %dma_wait3A_74] : memref<10240x128xf32, #tpu.memory_space<vmem_shared>> -> memref<640x128xf32, #tpu.memory_space<vmem_shared>>
      tpu.wait_dma2 semaphore(%run_scoped3A_68 : memref<!tpu.dma_semaphore, #tpu.memory_space<semaphore_mem>>) src(%dma_wait3A_75 : memref<640x128xf32, #tpu.memory_space<vmem_shared>>) dst(%dma_wait3A_73 : memref<640x128xf32, #tpu.memory_space<hbm>>)
      tpu.yield
    }) : () -> ()
    return
  }
}

module attributes {stable_mosaic.version = 14 : i64} {
  func.func @body(%arg0: i32, %arg1: memref<640x128xf32, #tpu.memory_space<vmem>>, %arg2: memref<640x128xf32, #tpu.memory_space<vmem>>, %arg3: memref<640x32xf32, #tpu.memory_space<vmem>>, %arg4: memref<640x128xf32, #tpu.memory_space<vmem>>, %arg5: memref<128x128xf32, #tpu.memory_space<vmem>>, %arg6: memref<1x128xf32, #tpu.memory_space<vmem>>, %arg7: memref<128x128xf32, #tpu.memory_space<vmem>>, %arg8: memref<128x128xf32, #tpu.memory_space<vmem>>, %arg9: memref<640x128xf32, #tpu.memory_space<vmem>>, %arg10: memref<640x128xf32, #tpu.memory_space<vmem>>, %arg11: memref<640x1xf32, #tpu.memory_space<vmem>>) attributes {dimension_semantics = [#tpu.dimension_semantics<arbitrary>], iteration_bounds = array<i64: 16>, scalar_prefetch = 0 : i64, scratch_operands = 0 : i64, tpu.core_type = #tpu.core_type<tc>, window_params = [{transform_indices = @transform_0, window_bounds = array<i64: 640, 128>}, {transform_indices = @transform_1, window_bounds = array<i64: 640, 128>}, {transform_indices = @transform_2, window_bounds = array<i64: 640, 32>}, {transform_indices = @transform_3, window_bounds = array<i64: 640, 128>}, {pipeline_mode = #tpu.pipeline_mode<synchronous>, transform_indices = @transform_4, window_bounds = array<i64: 128, 128>}, {pipeline_mode = #tpu.pipeline_mode<synchronous>, transform_indices = @transform_5, window_bounds = array<i64: 1, 128>}, {pipeline_mode = #tpu.pipeline_mode<synchronous>, transform_indices = @transform_6, window_bounds = array<i64: 128, 128>}, {pipeline_mode = #tpu.pipeline_mode<synchronous>, transform_indices = @transform_7, window_bounds = array<i64: 128, 128>}, {transform_indices = @transform_8, window_bounds = array<i64: 640, 128>}, {transform_indices = @transform_9, window_bounds = array<i64: 640, 128>}, {transform_indices = @transform_10, window_bounds = array<i64: 640, 1>}]} {
    %get3A = arith.constant 0 : index
    %get3A_0 = arith.constant 0 : index
    %get3A_1 = vector.load %arg3[%get3A, %get3A_0] : memref<640x32xf32, #tpu.memory_space<vmem>>, vector<640x32xf32>
    %reduce_sum3A = arith.constant dense<0.000000e+00> : vector<640xf32>
    %reduce_sum3A_2 = vector.multi_reduction <add>, %get3A_1, %reduce_sum3A [1] : vector<640x32xf32> to vector<640xf32>
    %broadcast_in_dim3A = vector.shape_cast %reduce_sum3A_2 : vector<640xf32> to vector<640x1xf32>
    %max3A = arith.constant 1.000000e+00 : f32
    %max3A_3 = vector.broadcast %max3A : f32 to vector<640x1xf32>
    %max3A_4 = arith.maximumf %broadcast_in_dim3A, %max3A_3 : vector<640x1xf32>
    %get3A_5 = arith.constant 0 : index
    %get3A_6 = arith.constant 0 : index
    %get3A_7 = vector.load %arg1[%get3A_5, %get3A_6] : memref<640x128xf32, #tpu.memory_space<vmem>>, vector<640x128xf32>
    %get3A_8 = arith.constant 0 : index
    %get3A_9 = arith.constant 0 : index
    %get3A_10 = vector.load %arg2[%get3A_8, %get3A_9] : memref<640x128xf32, #tpu.memory_space<vmem>>, vector<640x128xf32>
    %add3A = arith.addf %get3A_7, %get3A_10 : vector<640x128xf32>
    %div3A = vector.broadcast %max3A_4 : vector<640x1xf32> to vector<640x128xf32>
    %div3A_11 = arith.divf %add3A, %div3A : vector<640x128xf32>
    %get3A_12 = arith.constant 0 : index
    %get3A_13 = arith.constant 0 : index
    %get3A_14 = vector.load %arg5[%get3A_12, %get3A_13] : memref<128x128xf32, #tpu.memory_space<vmem>>, vector<128x128xf32>
    %dot_general3A = arith.constant dense<0.000000e+00> : vector<640x128xf32>
    %dot_general3A_15 = tpu.matmul %div3A_11, %get3A_14, %dot_general3A {dimension_numbers = #tpu.dot_dimension_numbers<[1], [1], [0], [0], [0, 0, 1, 0], [], []>, transpose_lhs_hint = false} : vector<640x128xf32>, vector<128x128xf32>, vector<640x128xf32> -> vector<640x128xf32>
    %get3A_16 = arith.constant 0 : index
    %get3A_17 = arith.constant 0 : index
    %get3A_18 = vector.load %arg4[%get3A_16, %get3A_17] : memref<640x128xf32, #tpu.memory_space<vmem>>, vector<640x128xf32>
    %get3A_19 = arith.constant 0 : index
    %get3A_20 = arith.constant 0 : index
    %get3A_21 = vector.load %arg7[%get3A_19, %get3A_20] : memref<128x128xf32, #tpu.memory_space<vmem>>, vector<128x128xf32>
    %dot_general3A_22 = arith.constant dense<0.000000e+00> : vector<640x128xf32>
    %dot_general3A_23 = tpu.matmul %get3A_18, %get3A_21, %dot_general3A_22 {dimension_numbers = #tpu.dot_dimension_numbers<[1], [1], [0], [0], [0, 0, 1, 0], [], []>, transpose_lhs_hint = false} : vector<640x128xf32>, vector<128x128xf32>, vector<640x128xf32> -> vector<640x128xf32>
    %get3A_24 = arith.constant 0 : index
    %get3A_25 = arith.constant 0 : index
    %get3A_26 = vector.load %arg6[%get3A_24, %get3A_25] : memref<1x128xf32, #tpu.memory_space<vmem>>, vector<1x128xf32>
    %add3A_27 = vector.broadcast %get3A_26 : vector<1x128xf32> to vector<640x128xf32>
    %add3A_28 = arith.addf %dot_general3A_15, %add3A_27 : vector<640x128xf32>
    %add3A_29 = arith.addf %add3A_28, %dot_general3A_23 : vector<640x128xf32>
    %max3A_30 = arith.constant 0.000000e+00 : f32
    %max3A_31 = vector.broadcast %max3A_30 : f32 to vector<640x128xf32>
    %max3A_32 = arith.maximumf %add3A_29, %max3A_31 : vector<640x128xf32>
    %swap3A = arith.constant 0 : index
    %swap3A_33 = arith.constant 0 : index
    %swap3A_34 = vector.load %arg9[%swap3A, %swap3A_33] : memref<640x128xf32, #tpu.memory_space<vmem>>, vector<640x128xf32>
    tpu.vector_store %arg9[%swap3A, %swap3A_33], %max3A_32 {strides = array<i32>} : memref<640x128xf32, #tpu.memory_space<vmem>>, vector<640x128xf32>,
    %get3A_35 = arith.constant 0 : index
    %get3A_36 = arith.constant 0 : index
    %get3A_37 = vector.load %arg8[%get3A_35, %get3A_36] : memref<128x128xf32, #tpu.memory_space<vmem>>, vector<128x128xf32>
    %dot_general3A_38 = arith.constant dense<0.000000e+00> : vector<640x128xf32>
    %dot_general3A_39 = tpu.matmul %max3A_32, %get3A_37, %dot_general3A_38 {dimension_numbers = #tpu.dot_dimension_numbers<[1], [1], [0], [0], [0, 0, 1, 0], [], []>, transpose_lhs_hint = false} : vector<640x128xf32>, vector<128x128xf32>, vector<640x128xf32> -> vector<640x128xf32>
    %swap3A_40 = arith.constant 0 : index
    %swap3A_41 = arith.constant 0 : index
    %swap3A_42 = vector.load %arg10[%swap3A_40, %swap3A_41] : memref<640x128xf32, #tpu.memory_space<vmem>>, vector<640x128xf32>
    tpu.vector_store %arg10[%swap3A_40, %swap3A_41], %dot_general3A_39 {strides = array<i32>} : memref<640x128xf32, #tpu.memory_space<vmem>>, vector<640x128xf32>,
    %swap3A_43 = arith.constant 0 : index
    %swap3A_44 = arith.constant 0 : index
    %swap3A_45 = vector.load %arg11[%swap3A_43, %swap3A_44] : memref<640x1xf32, #tpu.memory_space<vmem>>, vector<640x1xf32>
    tpu.vector_store %arg11[%swap3A_43, %swap3A_44], %max3A_4 {strides = array<i32>} : memref<640x1xf32, #tpu.memory_space<vmem>>, vector<640x1xf32>,
    return
  }
  func.func @transform_0(%arg0: i32) -> (i32, i32) {
    %c0_i32 = arith.constant 0 : i32
    %c0_i32_0 = arith.constant 0 : i32
    return %arg0, %c0_i32 : i32, i32
  }
  func.func @transform_1(%arg0: i32) -> (i32, i32) {
    %add3A = arith.constant 16 : i32
    %add3A_0 = arith.addi %arg0, %add3A : i32
    %c0_i32 = arith.constant 0 : i32
    %c0_i32_1 = arith.constant 0 : i32
    return %add3A_0, %c0_i32 : i32, i32
  }
  func.func @transform_2(%arg0: i32) -> (i32, i32) {
    %c0_i32 = arith.constant 0 : i32
    %c0_i32_0 = arith.constant 0 : i32
    return %arg0, %c0_i32 : i32, i32
  }
  func.func @transform_3(%arg0: i32) -> (i32, i32) {
    %c0_i32 = arith.constant 0 : i32
    %c0_i32_0 = arith.constant 0 : i32
    return %arg0, %c0_i32 : i32, i32
  }
  func.func @transform_4(%arg0: i32) -> (i32, i32) {
    %c0_i32 = arith.constant 0 : i32
    %c0_i32_0 = arith.constant 0 : i32
    %c0_i32_1 = arith.constant 0 : i32
    return %c0_i32, %c0_i32_0 : i32, i32
  }
  func.func @transform_5(%arg0: i32) -> (i32, i32) {
    %c0_i32 = arith.constant 0 : i32
    %c0_i32_0 = arith.constant 0 : i32
    %c0_i32_1 = arith.constant 0 : i32
    return %c0_i32, %c0_i32_0 : i32, i32
  }
  func.func @transform_6(%arg0: i32) -> (i32, i32) {
    %c0_i32 = arith.constant 0 : i32
    %c0_i32_0 = arith.constant 0 : i32
    %c0_i32_1 = arith.constant 0 : i32
    return %c0_i32, %c0_i32_0 : i32, i32
  }
  func.func @transform_7(%arg0: i32) -> (i32, i32) {
    %c0_i32 = arith.constant 0 : i32
    %c0_i32_0 = arith.constant 0 : i32
    %c0_i32_1 = arith.constant 0 : i32
    return %c0_i32, %c0_i32_0 : i32, i32
  }
  func.func @transform_8(%arg0: i32) -> (i32, i32) {
    %c0_i32 = arith.constant 0 : i32
    %c0_i32_0 = arith.constant 0 : i32
    return %arg0, %c0_i32 : i32, i32
  }
  func.func @transform_9(%arg0: i32) -> (i32, i32) {
    %c0_i32 = arith.constant 0 : i32
    %c0_i32_0 = arith.constant 0 : i32
    return %arg0, %c0_i32 : i32, i32
  }
  func.func @transform_10(%arg0: i32) -> (i32, i32) {
    %c0_i32 = arith.constant 0 : i32
    %c0_i32_0 = arith.constant 0 : i32
    return %arg0, %c0_i32 : i32, i32
  }
}

module attributes {stable_mosaic.version = 14 : i64} {
  func.func @body(%arg0: i32, %arg1: memref<640x128xf32, #tpu.memory_space<vmem>>, %arg2: memref<640x128xf32, #tpu.memory_space<vmem>>, %arg3: memref<640x1xf32, #tpu.memory_space<vmem>>, %arg4: memref<640x128xf32, #tpu.memory_space<vmem>>, %arg5: memref<128x128xf32, #tpu.memory_space<vmem>>, %arg6: memref<1x128xf32, #tpu.memory_space<vmem>>, %arg7: memref<1x128xf32, #tpu.memory_space<vmem>>, %arg8: memref<1x1xf32, #tpu.memory_space<vmem>>, %arg9: memref<640x1xf32, #tpu.memory_space<vmem>>) attributes {dimension_semantics = [#tpu.dimension_semantics<arbitrary>], iteration_bounds = array<i64: 16>, scalar_prefetch = 0 : i64, scratch_operands = 0 : i64, tpu.core_type = #tpu.core_type<tc>, window_params = [{transform_indices = @transform_0, window_bounds = array<i64: 640, 128>}, {transform_indices = @transform_1, window_bounds = array<i64: 640, 128>}, {transform_indices = @transform_2, window_bounds = array<i64: 640, 1>}, {transform_indices = @transform_3, window_bounds = array<i64: 640, 128>}, {pipeline_mode = #tpu.pipeline_mode<synchronous>, transform_indices = @transform_4, window_bounds = array<i64: 128, 128>}, {pipeline_mode = #tpu.pipeline_mode<synchronous>, transform_indices = @transform_5, window_bounds = array<i64: 1, 128>}, {pipeline_mode = #tpu.pipeline_mode<synchronous>, transform_indices = @transform_6, window_bounds = array<i64: 1, 128>}, {pipeline_mode = #tpu.pipeline_mode<synchronous>, transform_indices = @transform_7, window_bounds = array<i64: 1, 1>}, {transform_indices = @transform_8, window_bounds = array<i64: 640, 1>}]} {
    %get3A = arith.constant 0 : index
    %get3A_0 = arith.constant 0 : index
    %get3A_1 = vector.load %arg1[%get3A, %get3A_0] : memref<640x128xf32, #tpu.memory_space<vmem>>, vector<640x128xf32>
    %get3A_2 = arith.constant 0 : index
    %get3A_3 = arith.constant 0 : index
    %get3A_4 = vector.load %arg2[%get3A_2, %get3A_3] : memref<640x128xf32, #tpu.memory_space<vmem>>, vector<640x128xf32>
    %add3A = arith.addf %get3A_1, %get3A_4 : vector<640x128xf32>
    %get3A_5 = arith.constant 0 : index
    %get3A_6 = arith.constant 0 : index
    %get3A_7 = vector.load %arg3[%get3A_5, %get3A_6] : memref<640x1xf32, #tpu.memory_space<vmem>>, vector<640x1xf32>
    %div3A = vector.broadcast %get3A_7 : vector<640x1xf32> to vector<640x128xf32>
    %div3A_8 = arith.divf %add3A, %div3A : vector<640x128xf32>
    %get3A_9 = arith.constant 0 : index
    %get3A_10 = arith.constant 0 : index
    %get3A_11 = vector.load %arg5[%get3A_9, %get3A_10] : memref<128x128xf32, #tpu.memory_space<vmem>>, vector<128x128xf32>
    %dot_general3A = arith.constant dense<0.000000e+00> : vector<640x128xf32>
    %dot_general3A_12 = tpu.matmul %div3A_8, %get3A_11, %dot_general3A {dimension_numbers = #tpu.dot_dimension_numbers<[1], [1], [0], [0], [0, 0, 1, 0], [], []>, transpose_lhs_hint = false} : vector<640x128xf32>, vector<128x128xf32>, vector<640x128xf32> -> vector<640x128xf32>
    %get3A_13 = arith.constant 0 : index
    %get3A_14 = arith.constant 0 : index
    %get3A_15 = vector.load %arg6[%get3A_13, %get3A_14] : memref<1x128xf32, #tpu.memory_space<vmem>>, vector<1x128xf32>
    %add3A_16 = vector.broadcast %get3A_15 : vector<1x128xf32> to vector<640x128xf32>
    %add3A_17 = arith.addf %dot_general3A_12, %add3A_16 : vector<640x128xf32>
    %get3A_18 = arith.constant 0 : index
    %get3A_19 = arith.constant 0 : index
    %get3A_20 = vector.load %arg4[%get3A_18, %get3A_19] : memref<640x128xf32, #tpu.memory_space<vmem>>, vector<640x128xf32>
    %add3A_21 = arith.addf %add3A_17, %get3A_20 : vector<640x128xf32>
    %max3A = arith.constant 0.000000e+00 : f32
    %max3A_22 = vector.broadcast %max3A : f32 to vector<640x128xf32>
    %max3A_23 = arith.maximumf %add3A_21, %max3A_22 : vector<640x128xf32>
    %get3A_24 = arith.constant 0 : index
    %get3A_25 = arith.constant 0 : index
    %get3A_26 = vector.load %arg7[%get3A_24, %get3A_25] : memref<1x128xf32, #tpu.memory_space<vmem>>, vector<1x128xf32>
    %mul3A = vector.broadcast %get3A_26 : vector<1x128xf32> to vector<640x128xf32>
    %mul3A_27 = arith.mulf %max3A_23, %mul3A : vector<640x128xf32>
    %reduce_sum3A = arith.constant dense<0.000000e+00> : vector<640xf32>
    %reduce_sum3A_28 = vector.multi_reduction <add>, %mul3A_27, %reduce_sum3A [1] : vector<640x128xf32> to vector<640xf32>
    %broadcast_in_dim3A = vector.shape_cast %reduce_sum3A_28 : vector<640xf32> to vector<640x1xf32>
    %get3A_29 = arith.constant 0 : index
    %get3A_30 = arith.constant 0 : index
    %get3A_31 = vector.load %arg8[%get3A_29, %get3A_30] : memref<1x1xf32, #tpu.memory_space<vmem>>, vector<1x1xf32>
    %get3A_32 = vector.extract %get3A_31[0, 0] : f32 from vector<1x1xf32>
    %add3A_33 = vector.broadcast %get3A_32 : f32 to vector<640x1xf32>
    %add3A_34 = arith.addf %broadcast_in_dim3A, %add3A_33 : vector<640x1xf32>
    %logistic3A = arith.negf %add3A_34 : vector<640x1xf32>
    %logistic3A_35 = math.exp %logistic3A : vector<640x1xf32>
    %logistic3A_36 = arith.constant 1.000000e+00 : f32
    %logistic3A_37 = vector.broadcast %logistic3A_36 : f32 to vector<640x1xf32>
    %logistic3A_38 = arith.addf %logistic3A_37, %logistic3A_35 : vector<640x1xf32>
    %logistic3A_39 = arith.divf %logistic3A_37, %logistic3A_38 : vector<640x1xf32>
    %swap3A = arith.constant 0 : index
    %swap3A_40 = arith.constant 0 : index
    %swap3A_41 = vector.load %arg9[%swap3A, %swap3A_40] : memref<640x1xf32, #tpu.memory_space<vmem>>, vector<640x1xf32>
    tpu.vector_store %arg9[%swap3A, %swap3A_40], %logistic3A_39 {strides = array<i32>} : memref<640x1xf32, #tpu.memory_space<vmem>>, vector<640x1xf32>,
    return
  }
  func.func @transform_0(%arg0: i32) -> (i32, i32) {
    %c0_i32 = arith.constant 0 : i32
    %c0_i32_0 = arith.constant 0 : i32
    return %arg0, %c0_i32 : i32, i32
  }
  func.func @transform_1(%arg0: i32) -> (i32, i32) {
    %add3A = arith.constant 16 : i32
    %add3A_0 = arith.addi %arg0, %add3A : i32
    %c0_i32 = arith.constant 0 : i32
    %c0_i32_1 = arith.constant 0 : i32
    return %add3A_0, %c0_i32 : i32, i32
  }
  func.func @transform_2(%arg0: i32) -> (i32, i32) {
    %c0_i32 = arith.constant 0 : i32
    %c0_i32_0 = arith.constant 0 : i32
    return %arg0, %c0_i32 : i32, i32
  }
  func.func @transform_3(%arg0: i32) -> (i32, i32) {
    %c0_i32 = arith.constant 0 : i32
    %c0_i32_0 = arith.constant 0 : i32
    return %arg0, %c0_i32 : i32, i32
  }
  func.func @transform_4(%arg0: i32) -> (i32, i32) {
    %c0_i32 = arith.constant 0 : i32
    %c0_i32_0 = arith.constant 0 : i32
    %c0_i32_1 = arith.constant 0 : i32
    return %c0_i32, %c0_i32_0 : i32, i32
  }
  func.func @transform_5(%arg0: i32) -> (i32, i32) {
    %c0_i32 = arith.constant 0 : i32
    %c0_i32_0 = arith.constant 0 : i32
    %c0_i32_1 = arith.constant 0 : i32
    return %c0_i32, %c0_i32_0 : i32, i32
  }
  func.func @transform_6(%arg0: i32) -> (i32, i32) {
    %c0_i32 = arith.constant 0 : i32
    %c0_i32_0 = arith.constant 0 : i32
    %c0_i32_1 = arith.constant 0 : i32
    return %c0_i32, %c0_i32_0 : i32, i32
  }
  func.func @transform_7(%arg0: i32) -> (i32, i32) {
    %c0_i32 = arith.constant 0 : i32
    %c0_i32_0 = arith.constant 0 : i32
    %c0_i32_1 = arith.constant 0 : i32
    return %c0_i32, %c0_i32_0 : i32, i32
  }
  func.func @transform_8(%arg0: i32) -> (i32, i32) {
    %c0_i32 = arith.constant 0 : i32
    %c0_i32_0 = arith.constant 0 : i32
    return %arg0, %c0_i32 : i32, i32
  }
}

</mosaic_0001>

<sc_bundles>
// kernel: kernel.6.cloned.1.call-start
scs
__scs_entry_jumppad:
0x0: {  	(pc) =	sbr.rel $0x88, $3  }
0x1: {  	(tag) =	ssettag $0x0;
	lr =	simm.s32 $0x1  }
0x2: {  	[smem:$0x3F97] =	sst lr;
	_ =	strace $0xD0000000  }
0x3: {  	_ = 	snop  }
0x4: {  	_ = 	snop  }
0x5: {  	_ = 	snop  }
0x6: {  	_ = 	snop  }
0x7: {  	_ = 	snop  }
__scs_overlays_trampoline_lowered:
0x8: {  	[smem:$0x3FA6] =	sst s0  }
0x9: {  	[smem:$0x3FA7] =	sst s1  }
0xa: {  	[smem:$0x3FA8] =	sst s2  }
0xb: {  	[smem:$0x3FA9] =	sst s3  }
0xc: {  	[smem:$0x3FAA] =	sst s4  }
0xd: {  	[smem:$0x3FAB] =	sst s5  }
0xe: {  	[smem:$0x3FAC] =	sst s6  }
0xf: {  	[smem:$0x3FAD] =	sst s7  }
0x10: {  	[smem:$0x3FAE] =	sst s8  }
0x11: {  	[smem:$0x3FAF] =	sst s9;
	s0 =	simm.s32 @!p0 $0x0  }
0x12: {  	s1 =	sld [smem:$0x3F95];
	s0 =	simm.s32 @p0 $0x1  }
0x13: {  	[smem:$0x3FB0] =	sst s0;
	s0 =	simm.s32 @!p1 $0x0  }
0x14: {  	s2 =	sld [smem:$0x3F94];
	s0 =	simm.s32 @p1 $0x1  }
0x15: {  	[smem:$0x3FB1] =	sst s0;
	s0 =	simm.s32 @!p2 $0x0  }
0x16: {  	s3 =	sld [smem:$0x3FDB];
	s0 =	simm.s32 @p2 $0x1  }
0x17: {  	s4 =	simm.s32 $0x1BF5;
	[smem:$0x3FB3] =	sst s0  }
0x18: {  	s0 =	sld [smem:$0x3F96];
	_ =	swait.ge [sflag:s4], $0x0  }
0x19: {  	s7 =	sld [smem:$0x3F97]  }
0x1a: {  	s8 =	sadd.s32 $0xFFFFE003, lr  }
0x1b: {  	s9 =	sadd.s32 $0xFFFFFEF7, lr;
	s5 =	simm.s32 $0xFFFFFFFF;
	p2 =	slt.u32 s8, $0xFFFFF086  }
0x1c: {  	p1 =	slt.u32 s9, $0xF7A;
	s5 =	simm.s32 @!p2 $0x0  }
0x1d: {  	s5 =	simm.s32 @p1 $0x1;
	p0 =	seq.s32 s7, s2  }
0x1e: {  	s7 =	smul.u32 @!p0 $0xF7A, s2;
	p2 =	seq.s32 @!p0 s5, $0x0  }
0x1f: {  	s9 =	smul.u32 $0xF7A, s1;
	s8 =	simm.s32 @!p0 $0x1BF5;
	p2 =	por !p2, p0  }
0x20: {  	[sflag:s8] =	ssyncset.s32 @!p0 $0xFFFFF086;
	s6 =	sadd.s32 @!p0 s3, s7;
	s7 =	simm.s32 @!p0 $0x108  }
0x21: {  	s3 =	sadd.s32 s3, s9;
	s6 =	sadd.s32 @!p0 $0x88, s6;
	s7 =	simm.s32 @p2 $0x1082  }
0x22: {  	[simem:s7], [sflag:s8] =	dma.local @!p0 [hbm:s6], $0xF7A  }
0x23: {  	s9 =	sor.u32 $0xD0000000, s2;
	s6 =	simm.s32 $0x108;
	_ =	swait.ge @!p0 [sflag:s8], $0x0  }
0x24: {  	s3 =	sadd.s32 $0x88, s3;
	s6 =	simm.s32 @!p1 $0x1082;
	[sflag:s4] =	ssyncset.s32 $0xFFFFF086  }
0x25: {  	[simem:s6], [sflag:s4] =	dma.local [hbm:s3], $0xF7A  }
0x26: {  	[smem:$0x3F97] =	sst s1;
	(tag) =	ssettag s2;
	_ =	strace s9  }
0x27: {  	s1 =	sld [smem:$0x3FA7]  }
0x28: {  	s2 =	sld [smem:$0x3FA8]  }
0x29: {  	s4 =	sld [smem:$0x3FAA]  }
0x2a: {  	p0 =	seq.s32 s5, $0x0;
	s5 =	sld [smem:$0x3FAB]  }
0x2b: {  	s6 =	sld [smem:$0x3FAC]  }
0x2c: {  	s7 =	sld [smem:$0x3FAD]  }
0x2d: {  	s3 =	simm.s32 $0x108;
	s8 =	sld [smem:$0x3FAE]  }
0x2e: {  	s3 =	simm.s32 @!p0 $0x1082;
	s9 =	sld [smem:$0x3FAF]  }
0x2f: {  	lr =	sadd.s32 s0, s3;
	s0 =	sld [smem:$0x3FA6]  }
0x30: {  	s3 =	sld [smem:$0x3FA9]  }
0x31: {  	[smem:$0x3FB2] =	sst s10  }
0x32: {  	s10 =	sld [smem:$0x3FB0];
	_ =	sdelay $0x3  }
0x33: {  	p0 =	seq.s32 s10, $0x1;
	s10 =	sld [smem:$0x3FB2];
	_ =	sdelay $0x3  }
0x34: {  	[smem:$0x3FB2] =	sst s10  }
0x35: {  	s10 =	sld [smem:$0x3FB1];
	_ =	sdelay $0x3  }
0x36: {  	p1 =	seq.s32 s10, $0x1;
	s10 =	sld [smem:$0x3FB2];
	_ =	sdelay $0x3  }
0x37: {  	[smem:$0x3FB2] =	sst s10  }
0x38: {  	s10 =	sld [smem:$0x3FB3]  }
0x39: {  	_ = 	snop;
	(pc) =	sbr.ind lr, $3  }
0x3a: {  	_ = 	snop  }
0x3b: {  	_ = 	snop  }
0x3c: {  	p2 =	seq.s32 s10, $0x1;
	s10 =	sld [smem:$0x3FB2]  }
0x3d: {  	_ =	shalt  }
0x3e: {  	_ =	shalt  }
0x3f: {  	_ =	shalt  }
0x40: {  	_ =	shalt  }
0x41: {  	_ =	shalt  }
0x42: {  	_ =	shalt  }
0x43: {  	_ =	shalt  }
0x44: {  	_ =	shalt  }
0x45: {  	_ =	shalt  }
0x46: {  	_ =	shalt  }
0x47: {  	_ =	shalt  }
0x48: {  	_ =	shalt  }
0x49: {  	_ =	shalt  }
0x4a: {  	_ =	shalt  }
0x4b: {  	_ =	shalt  }
0x4c: {  	_ =	shalt  }
0x4d: {  	_ =	shalt  }
0x4e: {  	_ =	shalt  }
0x4f: {  	_ =	shalt  }
0x50: {  	_ =	shalt  }
0x51: {  	_ =	shalt  }
0x52: {  	_ =	shalt  }
0x53: {  	_ =	shalt  }
0x54: {  	_ =	shalt  }
0x55: {  	_ =	shalt  }
0x56: {  	_ =	shalt  }
0x57: {  	_ =	shalt  }
0x58: {  	_ =	shalt  }
0x59: {  	_ =	shalt  }
0x5a: {  	_ =	shalt  }
0x5b: {  	_ =	shalt  }
0x5c: {  	_ =	shalt  }
0x5d: {  	_ =	shalt  }
0x5e: {  	_ =	shalt  }
0x5f: {  	_ =	shalt  }
0x60: {  	_ =	shalt  }
0x61: {  	_ =	shalt  }
0x62: {  	_ =	shalt  }
0x63: {  	_ =	shalt  }
0x64: {  	_ =	shalt  }
0x65: {  	_ =	shalt  }
0x66: {  	_ =	shalt  }
0x67: {  	_ =	shalt  }
0x68: {  	_ =	shalt  }
0x69: {  	_ =	shalt  }
0x6a: {  	_ =	shalt  }
0x6b: {  	_ =	shalt  }
0x6c: {  	_ =	shalt  }
0x6d: {  	_ =	shalt  }
0x6e: {  	_ =	shalt  }
0x6f: {  	_ =	shalt  }
0x70: {  	_ =	shalt  }
0x71: {  	_ =	shalt  }
0x72: {  	_ =	shalt  }
0x73: {  	_ =	shalt  }
0x74: {  	_ =	shalt  }
0x75: {  	_ =	shalt  }
0x76: {  	_ =	shalt  }
0x77: {  	_ =	shalt  }
0x78: {  	_ =	shalt  }
0x79: {  	_ =	shalt  }
0x7a: {  	_ =	shalt  }
0x7b: {  	_ =	shalt  }
0x7c: {  	_ =	shalt  }
0x7d: {  	_ =	shalt  }
0x7e: {  	_ =	shalt  }
0x7f: {  	_ =	shalt  }
0x80: {  	_ =	shalt  }
0x81: {  	_ =	shalt  }
0x82: {  	_ =	shalt  }
0x83: {  	_ =	shalt  }
0x84: {  	_ =	shalt  }
0x85: {  	_ =	shalt  }
0x86: {  	_ =	shalt  }
0x87: {  	_ =	shalt  }
.Lfunc_end0:
.L_simem_size_0:
called_computation_lowered:
.L_overlay_start_0:
0x88: {  	s2 =	sld [smem:$0x3FD9]  }
0x89: {  	s3 =	sld [smem:$0x3FFE];
	_ =	sdelay $0x1  }
0x8a: {  	s1 =	srdreg.scid  }
0x8b: {  	s0 =	sand.u32 $0x1, s1  }
0x8c: {  	s17 =	sshll.u32 s0, $0xA;
	s2 =	sadd.s32 s3, s2  }
0x8d: {  	s2 =	sadd.s32 s2, s17  }
0x8e: {  	[smem:$0x3FBE] =	sst s2  }
0x8f: {  	_ = 	snop  }
0x90: {  	s2 =	sld [smem:$0x3FC9];
	(tm) =	ssettm $0x1  }
0x91: {  	s18 =	sld [smem:$0x3FFB];
	_ =	sdelay $0x3  }
0x92: {  	_ =	strace s18  }
0x93: {  	s3 =	sld [smem:$0x3FFC];
	_ =	sdelay $0x3  }
0x94: {  	_ =	strace s3  }
0x95: {  	s3 =	sld [smem:$0x3FFD];
	_ =	sdelay $0x3  }
0x96: {  	_ =	strace s3  }
0x97: {  	_ =	strace $0x8FFFFFFF  }
0x98: {  	s19 =	sld [smem:$0x3FDB];
	_ =	sdelay $0x1  }
0x99: {  	s4 =	simm.s32 $_scs_section_size  }
0x9a: {  	s5 =	simm.s32 $_size__tile_overlayer_lowered;
	s6 =	simm.s32 $_tile_overlayer_lowered  }
0x9b: {  	s22 =	simm.s32 $0x1BFF;
	s21 =	sshll.u32 s6, $0x1;
	s3 =	sadd.s32 s4, s19  }
0x9c: {  	s7 =	simm.s32 $0x0;
	s20 =	sshll.u32 s5, $0x1;
	s5 =	sadd.s32 s21, s3  }
0x9d: {  	[timem:s7], [sflag:s22] =	dma.local [hbm:s5], s20  }
0x9e: {  	_ =	swait.ge [sflag:s22], s20  }
0x9f: {  	s4 =	ssub.s32 $0x0, s20;
	[sflag:s22] =	ssyncset.done $0x0  }
0xa0: {  	[sflag:s22] =	ssyncadd.s32 s4;
	_ =	sdelay $0x1  }
0xa1: {  	s23 =	simm.s32 $0x1B8B  }
0xa2: {  	_ =	swait.ge [sflag:s23], $0x1  }
0xa3: {  	[sflag:s23] =	ssyncset.done $0x0  }
0xa4: {  	s25 =	simm.s32 $0x1B8E;
	s24 =	sld [smem:$0x3FFE];
	[sflag:s23] =	ssyncadd.s32 $0xFFFFFFFF  }
0xa5: {  	s26 =	simm.s32 $execute0_lowered;
	[smem:$0x3FD2] =	sst s25  }
0xa6: {  	s5 =	sshll.u32 s26, $0x1;
	_ =	strace $0x80000046;
	[dreg:$0x1] =	wrdreg $0xFFFFFFFF  }
0xa7: {  	s28 =	simm.s32 $_size_execute0_lowered;
	s3 =	sadd.s32 s3, s5;
	[dreg:$0x0] =	wrdreg $0x0  }
0xa8: {  	s5 =	sshll.u32 s28, $0x1;
	[dreg:$0x2] =	wrdreg s3  }
0xa9: {  	[dreg:$0x3] =	wrdreg s5  }
0xaa: {  	[dreg:$0x4] =	wrdreg $0xC0  }
0xab: {  	_ =	task [dreg:s7], $0x5FFFF  }
0xac: {  	[dreg:$0x1] =	wrdreg $0xFFFFFFFF  }
0xad: {  	[dreg:$0x0] =	wrdreg $0x60  }
0xae: {  	[dreg:$0x2] =	wrdreg s24  }
0xaf: {  	[dreg:$0x3] =	wrdreg s2  }
0xb0: {  	[dreg:$0x4] =	wrdreg $0x90000  }
0xb1: {  	[dreg:$0x5] =	wrdreg $0x9  }
0xb2: {  	_ =	task.clear_ibuf [dreg:s7], $0x6FFFF;
	_ =	strace $0x90000046  }
0xb3: {  	s29 =	simm.s32 $0x9;
	_ =	strace $0x80000048  }
0xb4: {  	_ =	swait.ge [sflag:s29], $0x1  }
0xb5: {  	[sflag:s29] =	ssyncadd.s32 $0xFFFFFFFF  }
0xb6: {  	_ =	strace $0x90000048  }
0xb7: {  	_ =	sfence  }
0xb8: {  	s30 =	sld [smem:$0x0];
	_ =	sdelay $0x2  }
0xb9: {  	s31 =	sshll.u32 s1, $0xD;
	s1 =	sshrl.u32 s1, $0x2  }
0xba: {  	s3 =	sand.u32 $0x4000, s31;
	s1 =	sadd.s32 s1, s30  }
0xbb: {  	s0 =	sor.u32 s3, s0;
	s1 =	sshll.u32 s1, $0x11  }
0xbc: {  	s0 =	sor.u32 s1, s0  }
0xbd: {  	s0 =	sadd.s32 $0x8F2B, s0  }
0xbe: {  	[sflag:s0] =	ssyncadd.remote.s32 $0x1  }
0xbf: {  	_ =	sfence.sel $0xFFFF  }
0xc0: {  	[dreg:$0x0] =	wrdreg $0xFFFFFFFF;
	(pc) =	sbr.abs _section_cstart, $3  }
0xc1: {  	[dreg:$0x1] =	wrdreg $0xFFFFFFFF  }
0xc2: {  	_ =	task.clear_ibuf [dreg:s7], $0x2FFFF;
	_ =	strace $0x9FFFFFFF  }
0xc3: {  	(tm) =	ssettm $0x7FFFFFFF  }
tec
execute0_lowered:
.L_overlay_start_1:
0x0: {  	(tag) =	ssettag $0x1  }
0x1: {  	s0 =	rddreg [dreg:$0x0]  }
0x2: {  	s1 =	rddreg [dreg:$0x1]  }
0x3: {  	s2 =	rddreg [dreg:$0x2];
	s4 =	simm.s32 $0x0  }
0x4: {  	s17 =	stileid.u32;
	s3 =	srdreg.scid;
	s15 =	simm.s32 $0x4  }
0x5: {  	s19 =	simm.s32 $0x80;
	s20 =	simm.s32 $0x1000;
	s21 =	simm.s32 $0x5000  }
0x6: {  	s28 =	simm.s32 $0x0;
	[smem:$0x7FF] =	sst s4;
	s5 =	smul.u32 $0x2800, s17  }
0x7: {  	s3 =	sand.u32 $0x1, s3;
	s6 =	sshll.u32 s17, $0x1;
	s25 =	smul.u32 $0x50000, s17  }
0x8: {  	s13 =	sadd.s32 $0x1A00, s0;
	s14 =	sadd.s32 $0xBA00, s0;
	s11 =	smul.u32 $0x14, s17  }
0x9: {  	s31 =	sshll.u32 s17, $0x6;
	_ =	strace $0x80000047;
	s7 =	smul.u32 $0x28000, s3  }
0xa: {  	s6 =	sor.u32 s3, s6;
	s24 =	ssub.s32 $0x2, s3;
	s3 =	smul.u32 $0xA, s3  }
0xb: {  	s17 =	sor.u32 $0x1C04, s31;
	s8 =	sadd.s32 s5, s0;
	s26 =	sshrl.u32 s24, $0x1  }
0xc: {  	s9 =	smul.u32 $0x500, s6;
	s5 =	sadd.s32 s5, s7;
	s12 =	ssub.s32 s24, s26  }
0xd: {  	s7 =	sshrl.u32 s25, $0x2;
	s3 =	sadd.s32 s3, s11;
	s24 =	simm.s32 $0x1  }
0xe: {  	s25 =	simm.s32 $0x1D000;
	s26 =	simm.s32 $0x2;
	s10 =	sadd.s32 s5, s0  }
0xf: {  	s0 =	sadd.s32 s9, s0;
	s29 =	sadd.s32 s13, s9;
	s30 =	sadd.s32 s14, s9  }
0x10: {  	s16 =	sadd.s32 s7, s2;
	s9 =	sor.u32 $0x80, s9;
	s7 =	sadd.s32 $0x15A00, s8  }
0x11: {  	s3 =	sshll.u32 s3, $0x7;
	s12 =	smax.u32 s12, $0x1;
	[dreg:$0x4] =	wrdreg s29  }
0x12: {  	[dreg:$0x5] =	wrdreg s30;
	s8 =	sadd.s32 s13, s9;
	s9 =	sadd.s32 s14, s9  }
0x13: {  	s10 =	sadd.s32 $0x47A00, s10;
	s3 =	sadd.s32 $0x100, s3;
	s11 =	sadd.s32 $0x3DA00, s0  }
0x14: {  	v0 =	vimm.f32 $0.0e+00;
	v1 =	vimm.f32 $1.000000000e+00;
	s18 =	sshrl.u32 s16, $0x3;
	s13 =	sadd.s32 s3, s13;
	s14 =	sadd.s32 s3, s14  }
.LBB2_1:
0x15: {  	s0 =	rddreg [dreg:$0x4]  }
0x16: {  	[tilespmem:s4], [sflag:$0x4] =	stream.linear.gather [hbm4b:s0+s4], $0x400, $0x38;
	[tilespmem:$0x1F800] =	vst v63  }
0x17: {  	_ =	swait.ge [sflag:s15], $0x400  }
0x18: {  	[sflag:s15] =	ssyncset.done $0x0  }
0x19: {  	s3 =	simm.s32 $0x800;
	s31 =	rddreg [dreg:$0x5];
	[sflag:s15] =	ssyncadd.s32 $0xFFFFFC00  }
0x1a: {  	[tilespmem:s3], [sflag:$0x4] =	stream.linear.gather [hbm4b:s31+s4], $0x400, $0x38;
	[tilespmem:$0x1F800] =	vst v63  }
0x1b: {  	_ =	swait.ge [sflag:s15], $0x400  }
0x1c: {  	[sflag:s15] =	ssyncset.done $0x0  }
0x1d: {  	[sflag:s15] =	ssyncadd.s32 $0xFFFFFC00  }
0x1e: {  	[spmem:s18], [sflag:s17] =	dma.local [hbm:s7], $0x2800  }
0x1f: {  	_ =	swait.ge [sflag:s15], $0x2800  }
0x20: {  	[sflag:s15] =	ssyncset.done $0x0  }
0x21: {  	s0 =	simm.s32 $0x40;
	s3 =	simm.s32 $0x0;
	[sflag:s15] =	ssyncadd.s32 $0xFFFFD800  }
.LBB2_2:
0x22: {  	p0 =	sne.s32 s0, $0x9FC0;
	[tilespmem:s3+$0x1D000] =	vst v0;
	s3 =	smov.u32 s0;
	s0 =	sadd.s32 $0x40, s0  }
.Ltmp0:
0x23: {  	(pc) =	sbr.rel @p0 .LBB2_2-.Ltmp0, $2  }
0x24: {  	_ =	sdelay $0x2  }
0x25: {  	s3 =	sshra.s32 s3, $0x2  }
0x26: {  	[tilespmem:s3+$0x1D000] =	vst v0  }
0x27: {  	s30 =	simm.s32 $0x0;
	[bflag:$0x0] =	sbarrier.arrive $0xFFFF  }
0x28: {  	[tilespmem:s20], [sflag:$0x1] =	stream.indirect.gather [hbm4b:s1+s19], $0x80, s30, s19, $0xb8;
	[tilespmem:$0x1F800] =	vst v63  }
0x29: {  	_ = 	snop  }
0x2a: {  	[tilespmem:s21], [sflag:$0x2] =	stream.indirect.gather [hbm4b:s1+s19], $0x80, s19, s19, $0xb8;
	[tilespmem:$0x1F800] =	vst v63  }
0x2b: {  	s0 =	simm.s32 $0x400  }
0x2c: {  	[tilespmem:s0], [sflag:$0x3] =	stream.linear.gather [hbm4b:s8+s30], $0x400, $0x38;
	[tilespmem:$0x1F800] =	vst v63  }
0x2d: {  	s23 =	simm.s32 $0xC00;
	s29 =	smov.u32 s14;
	s31 =	smov.u32 s13  }
0x2e: {  	[tilespmem:s23], [sflag:$0x3] =	stream.linear.gather [hbm4b:s9+s30], $0x400, $0x38;
	[tilespmem:$0x1F800] =	vst v63  }
.LBB2_4:
0x2f: {  	p0 =	seq.s32 s30, $0x9  }
0x30: {  	s0 =	simm.s32 @!p0 $0x3  }
0x31: {  	_ =	swait.ge @!p0 [sflag:s0], $0x400  }
0x32: {  	[sflag:s0] =	ssyncset.done @!p0 $0x0  }
0x33: {  	[sflag:s0] =	ssyncadd.s32 @!p0 $0xFFFFFC00  }
0x34: {  	_ =	swait.ge @!p0 [sflag:s0], $0x400  }
0x35: {  	[sflag:s0] =	ssyncset.done @!p0 $0x0  }
0x36: {  	[sflag:s0] =	ssyncadd.s32 @!p0 $0xFFFFFC00  }
0x37: {  	s16 =	sand.u32 $0x1, s30;
	_ =	swait.ge [sflag:s24], $0x4000  }
0x38: {  	s0 =	sshll.u32 s16, $0xA;
	[sflag:s24] =	ssyncset.done $0x0  }
0x39: {  	s3 =	sor.u32 $0x800, s0;
	[sflag:s24] =	ssyncadd.s32 $0xFFFFC000  }
0x3a: {  	[spmem:s2] =	stream.indirect.scatter.add.f32 [tilespmem:s20], [sflag:$0x4], $0x80, s3, s19, $0xb8;
	[tilespmem:$0x1F800] =	vst v63  }
0x3b: {  	_ =	swait.ge [sflag:s15], $0x4000  }
0x3c: {  	[sflag:s15] =	ssyncset.done $0x0  }
0x3d: {  	s22 =	sor.u32 $0x100, s0;
	[sflag:s15] =	ssyncadd.s32 $0xFFFFC000  }
0x3e: {  	[tilespmem:s20], [sflag:$0x1] =	stream.indirect.gather [hbm4b:s1+s19], $0x80, s22, s19, $0xb8;
	[tilespmem:$0x1F800] =	vst v63  }
0x3f: {  	v2 =	vld [tilespmem:s0+$0x800];
	_ =	sdelay $0x7  }
0x40: {  	[tilespmem:v2+s25+$0x0] =	vst.idx.add.f32.msk $0xffff, v1  }
0x41: {  	v2 =	vld [tilespmem:s0+$0x810];
	_ =	sdelay $0x7  }
0x42: {  	[tilespmem:v2+s25+$0x0] =	vst.idx.add.f32.msk $0xffff, v1  }
0x43: {  	v2 =	vld [tilespmem:s0+$0x820];
	_ =	sdelay $0x7  }
0x44: {  	[tilespmem:v2+s25+$0x0] =	vst.idx.add.f32.msk $0xffff, v1  }
0x45: {  	v2 =	vld [tilespmem:s0+$0x830];
	_ =	sdelay $0x7  }
0x46: {  	[tilespmem:v2+s25+$0x0] =	vst.idx.add.f32.msk $0xffff, v1  }
0x47: {  	v2 =	vld [tilespmem:s0+$0x840];
	_ =	sdelay $0x7  }
0x48: {  	[tilespmem:v2+s25+$0x0] =	vst.idx.add.f32.msk $0xffff, v1  }
0x49: {  	v2 =	vld [tilespmem:s0+$0x850];
	_ =	sdelay $0x7  }
0x4a: {  	[tilespmem:v2+s25+$0x0] =	vst.idx.add.f32.msk $0xffff, v1  }
0x4b: {  	v2 =	vld [tilespmem:s0+$0x860];
	_ =	sdelay $0x7  }
0x4c: {  	[tilespmem:v2+s25+$0x0] =	vst.idx.add.f32.msk $0xffff, v1  }
0x4d: {  	v2 =	vld [tilespmem:s0+$0x870];
	_ =	sdelay $0x7  }
0x4e: {  	[tilespmem:v2+s25+$0x0] =	vst.idx.add.f32.msk $0xffff, v1  }
0x4f: {  	_ =	swait.ge [sflag:s26], $0x4000  }
0x50: {  	[sflag:s26] =	ssyncset.done $0x0  }
0x51: {  	s6 =	sor.u32 $0x880, s0;
	[sflag:s26] =	ssyncadd.s32 $0xFFFFC000  }
0x52: {  	[spmem:s2] =	stream.indirect.scatter.add.f32 [tilespmem:s21], [sflag:$0x4], $0x80, s6, s19, $0xb8;
	[tilespmem:$0x1F800] =	vst v63  }
0x53: {  	_ =	swait.ge [sflag:s15], $0x4000  }
0x54: {  	[sflag:s15] =	ssyncset.done $0x0  }
0x55: {  	s23 =	sor.u32 $0x180, s0;
	[sflag:s15] =	ssyncadd.s32 $0xFFFFC000  }
0x56: {  	[tilespmem:s21], [sflag:$0x2] =	stream.indirect.gather [hbm4b:s1+s19], $0x80, s23, s19, $0xb8;
	[tilespmem:$0x1F800] =	vst v63  }
0x57: {  	v2 =	vld [tilespmem:s0+$0x880];
	_ =	sdelay $0x7  }
0x58: {  	[tilespmem:v2+s25+$0x0] =	vst.idx.add.f32.msk $0xffff, v1  }
0x59: {  	v2 =	vld [tilespmem:s0+$0x890];
	_ =	sdelay $0x7  }
0x5a: {  	[tilespmem:v2+s25+$0x0] =	vst.idx.add.f32.msk $0xffff, v1  }
0x5b: {  	v2 =	vld [tilespmem:s0+$0x8A0];
	_ =	sdelay $0x7  }
0x5c: {  	[tilespmem:v2+s25+$0x0] =	vst.idx.add.f32.msk $0xffff, v1  }
0x5d: {  	v2 =	vld [tilespmem:s0+$0x8B0];
	_ =	sdelay $0x7  }
0x5e: {  	[tilespmem:v2+s25+$0x0] =	vst.idx.add.f32.msk $0xffff, v1  }
0x5f: {  	v2 =	vld [tilespmem:s0+$0x8C0];
	_ =	sdelay $0x7  }
0x60: {  	[tilespmem:v2+s25+$0x0] =	vst.idx.add.f32.msk $0xffff, v1  }
0x61: {  	v2 =	vld [tilespmem:s0+$0x8D0];
	_ =	sdelay $0x7  }
0x62: {  	[tilespmem:v2+s25+$0x0] =	vst.idx.add.f32.msk $0xffff, v1  }
0x63: {  	v2 =	vld [tilespmem:s0+$0x8E0];
	_ =	sdelay $0x7  }
0x64: {  	[tilespmem:v2+s25+$0x0] =	vst.idx.add.f32.msk $0xffff, v1  }
0x65: {  	v2 =	vld [tilespmem:s0+$0x8F0];
	_ =	sdelay $0x7  }
0x66: {  	[tilespmem:v2+s25+$0x0] =	vst.idx.add.f32.msk $0xffff, v1  }
0x67: {  	_ =	swait.ge [sflag:s24], $0x4000  }
0x68: {  	[sflag:s24] =	ssyncset.done $0x0  }
0x69: {  	s5 =	sor.u32 $0x900, s0;
	[sflag:s24] =	ssyncadd.s32 $0xFFFFC000  }
0x6a: {  	[spmem:s2] =	stream.indirect.scatter.add.f32 [tilespmem:s20], [sflag:$0x4], $0x80, s5, s19, $0xb8;
	[tilespmem:$0x1F800] =	vst v63  }
0x6b: {  	_ =	swait.ge [sflag:s15], $0x4000  }
0x6c: {  	[sflag:s15] =	ssyncset.done $0x0  }
0x6d: {  	s6 =	sor.u32 $0x200, s0;
	[sflag:s15] =	ssyncadd.s32 $0xFFFFC000  }
0x6e: {  	[tilespmem:s20], [sflag:$0x1] =	stream.indirect.gather [hbm4b:s1+s19], $0x80, s6, s19, $0xb8;
	[tilespmem:$0x1F800] =	vst v63  }
0x6f: {  	v2 =	vld [tilespmem:s0+$0x900];
	_ =	sdelay $0x7  }
0x70: {  	[tilespmem:v2+s25+$0x0] =	vst.idx.add.f32.msk $0xffff, v1  }
0x71: {  	v2 =	vld [tilespmem:s0+$0x910];
	_ =	sdelay $0x7  }
0x72: {  	[tilespmem:v2+s25+$0x0] =	vst.idx.add.f32.msk $0xffff, v1  }
0x73: {  	v2 =	vld [tilespmem:s0+$0x920];
	_ =	sdelay $0x7  }
0x74: {  	[tilespmem:v2+s25+$0x0] =	vst.idx.add.f32.msk $0xffff, v1  }
0x75: {  	v2 =	vld [tilespmem:s0+$0x930];
	_ =	sdelay $0x7  }
0x76: {  	[tilespmem:v2+s25+$0x0] =	vst.idx.add.f32.msk $0xffff, v1  }
0x77: {  	v2 =	vld [tilespmem:s0+$0x940];
	_ =	sdelay $0x7  }
0x78: {  	[tilespmem:v2+s25+$0x0] =	vst.idx.add.f32.msk $0xffff, v1  }
0x79: {  	v2 =	vld [tilespmem:s0+$0x950];
	_ =	sdelay $0x7  }
0x7a: {  	[tilespmem:v2+s25+$0x0] =	vst.idx.add.f32.msk $0xffff, v1  }
0x7b: {  	v2 =	vld [tilespmem:s0+$0x960];
	_ =	sdelay $0x7  }
0x7c: {  	[tilespmem:v2+s25+$0x0] =	vst.idx.add.f32.msk $0xffff, v1  }
0x7d: {  	v2 =	vld [tilespmem:s0+$0x970];
	_ =	sdelay $0x7  }
0x7e: {  	[tilespmem:v2+s25+$0x0] =	vst.idx.add.f32.msk $0xffff, v1  }
0x7f: {  	_ =	swait.ge [sflag:s26], $0x4000  }
0x80: {  	[sflag:s26] =	ssyncset.done $0x0  }
0x81: {  	s23 =	sor.u32 $0x980, s0;
	[sflag:s26] =	ssyncadd.s32 $0xFFFFC000  }
0x82: {  	[spmem:s2] =	stream.indirect.scatter.add.f32 [tilespmem:s21], [sflag:$0x4], $0x80, s23, s19, $0xb8;
	[tilespmem:$0x1F800] =	vst v63  }
0x83: {  	_ =	swait.ge [sflag:s15], $0x4000  }
0x84: {  	[sflag:s15] =	ssyncset.done $0x0  }
0x85: {  	s5 =	sor.u32 $0x280, s0;
	[sflag:s15] =	ssyncadd.s32 $0xFFFFC000  }
0x86: {  	[tilespmem:s21], [sflag:$0x2] =	stream.indirect.gather [hbm4b:s1+s19], $0x80, s5, s19, $0xb8;
	[tilespmem:$0x1F800] =	vst v63  }
0x87: {  	v2 =	vld [tilespmem:s0+$0x980];
	_ =	sdelay $0x7  }
0x88: {  	[tilespmem:v2+s25+$0x0] =	vst.idx.add.f32.msk $0xffff, v1  }
0x89: {  	v2 =	vld [tilespmem:s0+$0x990];
	_ =	sdelay $0x7  }
0x8a: {  	[tilespmem:v2+s25+$0x0] =	vst.idx.add.f32.msk $0xffff, v1  }
0x8b: {  	v2 =	vld [tilespmem:s0+$0x9A0];
	_ =	sdelay $0x7  }
0x8c: {  	[tilespmem:v2+s25+$0x0] =	vst.idx.add.f32.msk $0xffff, v1  }
0x8d: {  	v2 =	vld [tilespmem:s0+$0x9B0];
	_ =	sdelay $0x7  }
0x8e: {  	[tilespmem:v2+s25+$0x0] =	vst.idx.add.f32.msk $0xffff, v1  }
0x8f: {  	v2 =	vld [tilespmem:s0+$0x9C0];
	_ =	sdelay $0x7  }
0x90: {  	[tilespmem:v2+s25+$0x0] =	vst.idx.add.f32.msk $0xffff, v1  }
0x91: {  	v2 =	vld [tilespmem:s0+$0x9D0];
	_ =	sdelay $0x7  }
0x92: {  	[tilespmem:v2+s25+$0x0] =	vst.idx.add.f32.msk $0xffff, v1  }
0x93: {  	v2 =	vld [tilespmem:s0+$0x9E0];
	_ =	sdelay $0x7  }
0x94: {  	[tilespmem:v2+s25+$0x0] =	vst.idx.add.f32.msk $0xffff, v1  }
0x95: {  	v2 =	vld [tilespmem:s0+$0x9F0];
	_ =	sdelay $0x7  }
0x96: {  	[tilespmem:v2+s25+$0x0] =	vst.idx.add.f32.msk $0xffff, v1  }
0x97: {  	_ =	swait.ge [sflag:s24], $0x4000  }
0x98: {  	[sflag:s24] =	ssyncset.done $0x0  }
0x99: {  	s6 =	sor.u32 $0xA00, s0;
	[sflag:s24] =	ssyncadd.s32 $0xFFFFC000  }
0x9a: {  	[spmem:s2] =	stream.indirect.scatter.add.f32 [tilespmem:s20], [sflag:$0x4], $0x80, s6, s19, $0xb8;
	[tilespmem:$0x1F800] =	vst v63  }
0x9b: {  	_ =	swait.ge [sflag:s15], $0x4000  }
0x9c: {  	[sflag:s15] =	ssyncset.done $0x0  }
0x9d: {  	s22 =	sor.u32 $0x300, s0;
	[sflag:s15] =	ssyncadd.s32 $0xFFFFC000  }
0x9e: {  	[tilespmem:s20], [sflag:$0x1] =	stream.indirect.gather [hbm4b:s1+s19], $0x80, s22, s19, $0xb8;
	[tilespmem:$0x1F800] =	vst v63  }
0x9f: {  	v2 =	vld [tilespmem:s0+$0xA00];
	_ =	sdelay $0x7  }
0xa0: {  	[tilespmem:v2+s25+$0x0] =	vst.idx.add.f32.msk $0xffff, v1  }
0xa1: {  	v2 =	vld [tilespmem:s0+$0xA10];
	_ =	sdelay $0x7  }
0xa2: {  	[tilespmem:v2+s25+$0x0] =	vst.idx.add.f32.msk $0xffff, v1  }
0xa3: {  	v2 =	vld [tilespmem:s0+$0xA20];
	_ =	sdelay $0x7  }
0xa4: {  	[tilespmem:v2+s25+$0x0] =	vst.idx.add.f32.msk $0xffff, v1  }
0xa5: {  	v2 =	vld [tilespmem:s0+$0xA30];
	_ =	sdelay $0x7  }
0xa6: {  	[tilespmem:v2+s25+$0x0] =	vst.idx.add.f32.msk $0xffff, v1  }
0xa7: {  	v2 =	vld [tilespmem:s0+$0xA40];
	_ =	sdelay $0x7  }
0xa8: {  	[tilespmem:v2+s25+$0x0] =	vst.idx.add.f32.msk $0xffff, v1  }
0xa9: {  	v2 =	vld [tilespmem:s0+$0xA50];
	_ =	sdelay $0x7  }
0xaa: {  	[tilespmem:v2+s25+$0x0] =	vst.idx.add.f32.msk $0xffff, v1  }
0xab: {  	v2 =	vld [tilespmem:s0+$0xA60];
	_ =	sdelay $0x7  }
0xac: {  	[tilespmem:v2+s25+$0x0] =	vst.idx.add.f32.msk $0xffff, v1  }
0xad: {  	v2 =	vld [tilespmem:s0+$0xA70];
	_ =	sdelay $0x7  }
0xae: {  	[tilespmem:v2+s25+$0x0] =	vst.idx.add.f32.msk $0xffff, v1  }
0xaf: {  	_ =	swait.ge [sflag:s26], $0x4000  }
0xb0: {  	[sflag:s26] =	ssyncset.done $0x0  }
0xb1: {  	s23 =	sor.u32 $0xA80, s0;
	[sflag:s26] =	ssyncadd.s32 $0xFFFFC000  }
0xb2: {  	[spmem:s2] =	stream.indirect.scatter.add.f32 [tilespmem:s21], [sflag:$0x4], $0x80, s23, s19, $0xb8;
	[tilespmem:$0x1F800] =	vst v63  }
0xb3: {  	_ =	swait.ge [sflag:s15], $0x4000  }
0xb4: {  	[sflag:s15] =	ssyncset.done $0x0  }
0xb5: {  	s23 =	sor.u32 $0x380, s0;
	[sflag:s15] =	ssyncadd.s32 $0xFFFFC000  }
0xb6: {  	[tilespmem:s21], [sflag:$0x2] =	stream.indirect.gather [hbm4b:s1+s19], $0x80, s23, s19, $0xb8;
	[tilespmem:$0x1F800] =	vst v63  }
0xb7: {  	v2 =	vld [tilespmem:s0+$0xA80];
	_ =	sdelay $0x7  }
0xb8: {  	[tilespmem:v2+s25+$0x0] =	vst.idx.add.f32.msk $0xffff, v1  }
0xb9: {  	v2 =	vld [tilespmem:s0+$0xA90];
	_ =	sdelay $0x7  }
0xba: {  	[tilespmem:v2+s25+$0x0] =	vst.idx.add.f32.msk $0xffff, v1  }
0xbb: {  	v2 =	vld [tilespmem:s0+$0xAA0];
	_ =	sdelay $0x7  }
0xbc: {  	[tilespmem:v2+s25+$0x0] =	vst.idx.add.f32.msk $0xffff, v1  }
0xbd: {  	v2 =	vld [tilespmem:s0+$0xAB0];
	_ =	sdelay $0x7  }
0xbe: {  	[tilespmem:v2+s25+$0x0] =	vst.idx.add.f32.msk $0xffff, v1  }
0xbf: {  	v2 =	vld [tilespmem:s0+$0xAC0];
	_ =	sdelay $0x7  }
0xc0: {  	[tilespmem:v2+s25+$0x0] =	vst.idx.add.f32.msk $0xffff, v1  }
0xc1: {  	v2 =	vld [tilespmem:s0+$0xAD0];
	_ =	sdelay $0x7  }
0xc2: {  	[tilespmem:v2+s25+$0x0] =	vst.idx.add.f32.msk $0xffff, v1  }
0xc3: {  	v2 =	vld [tilespmem:s0+$0xAE0];
	_ =	sdelay $0x7  }
0xc4: {  	[tilespmem:v2+s25+$0x0] =	vst.idx.add.f32.msk $0xffff, v1  }
0xc5: {  	v2 =	vld [tilespmem:s0+$0xAF0];
	_ =	sdelay $0x7  }
0xc6: {  	[tilespmem:v2+s25+$0x0] =	vst.idx.add.f32.msk $0xffff, v1  }
0xc7: {  	_ =	swait.ge [sflag:s24], $0x4000  }
0xc8: {  	[sflag:s24] =	ssyncset.done $0x0  }
0xc9: {  	s5 =	sor.u32 $0xB00, s0;
	[sflag:s24] =	ssyncadd.s32 $0xFFFFC000  }
0xca: {  	[spmem:s2] =	stream.indirect.scatter.add.f32 [tilespmem:s20], [sflag:$0x4], $0x80, s5, s19, $0xb8;
	[tilespmem:$0x1F800] =	vst v63  }
0xcb: {  	_ =	swait.ge [sflag:s15], $0x4000  }
0xcc: {  	s6 =	simm.s32 @!p0 $0x1000;
	s5 =	sxor.u32 $0x1, s16;
	[sflag:s15] =	ssyncset.done $0x0  }
0xcd: {  	s16 =	simm.s32 @!p0 $0x80;
	s5 =	sshll.u32 @!p0 s5, $0xA;
	[sflag:s15] =	ssyncadd.s32 $0xFFFFC000  }
0xce: {  	[tilespmem:s6], [sflag:$0x1] =	stream.indirect.gather @!p0 [hbm4b:s1+s16], $0x80, s5, s16, $0xb8;
	[tilespmem:$0x1F800] =	vst v63  }
0xcf: {  	v2 =	vld [tilespmem:s22+$0x800];
	_ =	sdelay $0x7  }
0xd0: {  	[tilespmem:v2+s25+$0x0] =	vst.idx.add.f32.msk $0xffff, v1  }
0xd1: {  	v2 =	vld [tilespmem:s0+$0xB10];
	_ =	sdelay $0x7  }
0xd2: {  	[tilespmem:v2+s25+$0x0] =	vst.idx.add.f32.msk $0xffff, v1  }
0xd3: {  	v2 =	vld [tilespmem:s0+$0xB20];
	_ =	sdelay $0x7  }
0xd4: {  	[tilespmem:v2+s25+$0x0] =	vst.idx.add.f32.msk $0xffff, v1  }
0xd5: {  	v2 =	vld [tilespmem:s0+$0xB30];
	_ =	sdelay $0x7  }
0xd6: {  	[tilespmem:v2+s25+$0x0] =	vst.idx.add.f32.msk $0xffff, v1  }
0xd7: {  	v2 =	vld [tilespmem:s0+$0xB40];
	_ =	sdelay $0x7  }
0xd8: {  	[tilespmem:v2+s25+$0x0] =	vst.idx.add.f32.msk $0xffff, v1  }
0xd9: {  	v2 =	vld [tilespmem:s0+$0xB50];
	_ =	sdelay $0x7  }
0xda: {  	[tilespmem:v2+s25+$0x0] =	vst.idx.add.f32.msk $0xffff, v1  }
0xdb: {  	v2 =	vld [tilespmem:s0+$0xB60];
	_ =	sdelay $0x7  }
0xdc: {  	[tilespmem:v2+s25+$0x0] =	vst.idx.add.f32.msk $0xffff, v1  }
0xdd: {  	v2 =	vld [tilespmem:s0+$0xB70];
	_ =	sdelay $0x7  }
0xde: {  	[tilespmem:v2+s25+$0x0] =	vst.idx.add.f32.msk $0xffff, v1  }
0xdf: {  	_ =	swait.ge [sflag:s26], $0x4000  }
0xe0: {  	[sflag:s26] =	ssyncset.done $0x0  }
0xe1: {  	s22 =	sor.u32 $0x800, s23;
	[sflag:s26] =	ssyncadd.s32 $0xFFFFC000  }
0xe2: {  	[spmem:s2] =	stream.indirect.scatter.add.f32 [tilespmem:s21], [sflag:$0x4], $0x80, s22, s19, $0xb8;
	[tilespmem:$0x1F800] =	vst v63  }
0xe3: {  	_ =	swait.ge [sflag:s15], $0x4000  }
0xe4: {  	[sflag:s15] =	ssyncset.done $0x0  }
0xe5: {  	s5 =	sor.u32 @!p0 $0x80, s5;
	s6 =	simm.s32 @!p0 $0x5000;
	[sflag:s15] =	ssyncadd.s32 $0xFFFFC000  }
0xe6: {  	[tilespmem:s6], [sflag:$0x2] =	stream.indirect.gather @!p0 [hbm4b:s1+s16], $0x80, s5, s16, $0xb8;
	[tilespmem:$0x1F800] =	vst v63  }
0xe7: {  	v2 =	vld [tilespmem:s23+$0x800];
	_ =	sdelay $0x7  }
0xe8: {  	[tilespmem:v2+s25+$0x0] =	vst.idx.add.f32.msk $0xffff, v1  }
0xe9: {  	v2 =	vld [tilespmem:s0+$0xB90];
	_ =	sdelay $0x7  }
0xea: {  	[tilespmem:v2+s25+$0x0] =	vst.idx.add.f32.msk $0xffff, v1  }
0xeb: {  	v2 =	vld [tilespmem:s0+$0xBA0];
	_ =	sdelay $0x7  }
0xec: {  	[tilespmem:v2+s25+$0x0] =	vst.idx.add.f32.msk $0xffff, v1  }
0xed: {  	v2 =	vld [tilespmem:s0+$0xBB0];
	_ =	sdelay $0x7  }
0xee: {  	[tilespmem:v2+s25+$0x0] =	vst.idx.add.f32.msk $0xffff, v1  }
0xef: {  	v2 =	vld [tilespmem:s0+$0xBC0];
	_ =	sdelay $0x7  }
0xf0: {  	[tilespmem:v2+s25+$0x0] =	vst.idx.add.f32.msk $0xffff, v1  }
0xf1: {  	v2 =	vld [tilespmem:s0+$0xBD0];
	_ =	sdelay $0x7  }
0xf2: {  	[tilespmem:v2+s25+$0x0] =	vst.idx.add.f32.msk $0xffff, v1  }
0xf3: {  	v2 =	vld [tilespmem:s0+$0xBE0];
	_ =	sdelay $0x7  }
0xf4: {  	[tilespmem:v2+s25+$0x0] =	vst.idx.add.f32.msk $0xffff, v1  }
0xf5: {  	v2 =	vld [tilespmem:s0+$0xBF0];
	_ =	sdelay $0x6  }
0xf6: {  	p0 =	sgt.u32 s30, $0x7  }
0xf7: {  	s5 =	simm.s32 @!p0 $0x0;
	[tilespmem:v2+s25+$0x0] =	vst.idx.add.f32.msk $0xffff, v1  }
0xf8: {  	[tilespmem:s0], [sflag:$0x3] =	stream.linear.gather @!p0 [hbm4b:s31+s5], $0x400, $0x38;
	[tilespmem:$0x1F800] =	vst v63  }
0xf9: {  	s30 =	sadd.s32 $0x1, s30  }
0xfa: {  	[tilespmem:s3], [sflag:$0x3] =	stream.linear.gather @!p0 [hbm4b:s29+s5], $0x400, $0x38;
	[tilespmem:$0x1F800] =	vst v63  }
0xfb: {  	p0 =	sne.s32 s30, $0xA  }
.Ltmp1:
0xfc: {  	_ = 	snop;
	(pc) =	sbr.rel @p0 .LBB2_4-.Ltmp1, $2  }
0xfd: {  	_ =	sdelay $0x2  }
0xfe: {  	s31 =	sadd.s32 $0x80, s31;
	s29 =	sadd.s32 $0x80, s29  }
0xff: {  	[bflag:$0x0] =	sbarrier.arrive $0xFFFF  }
0x100: {  	[hbm:s10], [sflag:s17] =	dma.local [spmem:s18], $0x2800  }
0x101: {  	s28 =	sadd.s32 $0x1, s28;
	_ =	swait.ge [sflag:s15], $0x2800  }
0x102: {  	p0 =	sne.s32 s28, s12;
	[sflag:s15] =	ssyncset.done $0x0  }
.Ltmp2:
0x103: {  	[sflag:s15] =	ssyncadd.s32 $0xFFFFD800;
	(pc) =	sbr.rel @p0 .LBB2_1-.Ltmp2, $4  }
0x104: {  	[hbm4b:s11+s4] =	stream.linear.scatter [tilespmem:s25], [sflag:$0x4], $0x2800, $0x38;
	[tilespmem:$0x1F800] =	vst v63  }
0x105: {  	_ =	swait.ge [sflag:s15], $0x2800  }
0x106: {  	[sflag:s15] =	ssyncset.done $0x0  }
0x107: {  	[sflag:s15] =	ssyncadd.s32 $0xFFFFD800  }
0x108: {  	_ =	sfence.sel $0x180000  }
0x109: {  	[bflag:$0x0] =	sbarrier.arrive $0xFFFF  }
0x10a: {  	_ =	strace $0x90000047  }
0x10b: {  	s0 =	stileid.u32;
	[bflag:$0x2] =	sbarrier.arrive $0xFFFF  }
0x10c: {  	p0 =	sne.s32 s0, $0x0;
	s0 =	rddreg [dreg:$0x3]  }
0x10d: {  	s0 =	sadd.s32 @!p0 $0x100000, s0  }
0x10e: {  	[sflag:s0] =	ssyncadd.tile.s32 @!p0 $0x1;
	_ =	shalt  }
.Lfunc_end2:
_tile_overlayer_lowered:
.L_overlay_start_2:
0x10f: {  	(tag) =	ssettag $0x2  }
0x110: {  	s0 =	rddreg [dreg:$0x0];
	s2 =	stileid.u32  }
0x111: {  	s1 =	rddreg [dreg:$0x1];
	p0 =	sne.s32 s2, $0x0  }
0x112: {  	s3 =	rddreg [dreg:$0x2];
	[bflag:$0x3] =	sbarrier.arrive $0xFFFF;
	s2 =	simm.s32 @!p0 $0x1C04  }
0x113: {  	[timem:s3], [sflag:s2] =	dma.local @!p0 [hbm:s0], s1  }
0x114: {  	s0 =	simm.s32 @!p0 $0x4  }
0x115: {  	_ =	swait.ge @!p0 [sflag:s0], s1  }
0x116: {  	s1 =	ssub.s32 @!p0 $0x0, s1;
	[sflag:s0] =	ssyncset.done @!p0 $0x0  }
0x117: {  	[sflag:s0] =	ssyncadd.s32 @!p0 s1  }
0x118: {  	[bflag:$0x3] =	sbarrier.arrive $0xFFFF  }
0x119: {  	_ =	shalt  }

// kernel: kernel.9.cloned.1.call-start
scs
__scs_entry_jumppad:
0x0: {  	(pc) =	sbr.rel $0x88, $3  }
0x1: {  	(tag) =	ssettag $0x0;
	lr =	simm.s32 $0x1  }
0x2: {  	[smem:$0x3F97] =	sst lr;
	_ =	strace $0xD0000000  }
0x3: {  	_ = 	snop  }
0x4: {  	_ = 	snop  }
0x5: {  	_ = 	snop  }
0x6: {  	_ = 	snop  }
0x7: {  	_ = 	snop  }
__scs_overlays_trampoline_lowered:
0x8: {  	[smem:$0x3FA6] =	sst s0  }
0x9: {  	[smem:$0x3FA7] =	sst s1  }
0xa: {  	[smem:$0x3FA8] =	sst s2  }
0xb: {  	[smem:$0x3FA9] =	sst s3  }
0xc: {  	[smem:$0x3FAA] =	sst s4  }
0xd: {  	[smem:$0x3FAB] =	sst s5  }
0xe: {  	[smem:$0x3FAC] =	sst s6  }
0xf: {  	[smem:$0x3FAD] =	sst s7  }
0x10: {  	[smem:$0x3FAE] =	sst s8  }
0x11: {  	[smem:$0x3FAF] =	sst s9;
	s0 =	simm.s32 @!p0 $0x0  }
0x12: {  	s1 =	sld [smem:$0x3F95];
	s0 =	simm.s32 @p0 $0x1  }
0x13: {  	[smem:$0x3FB0] =	sst s0;
	s0 =	simm.s32 @!p1 $0x0  }
0x14: {  	s2 =	sld [smem:$0x3F94];
	s0 =	simm.s32 @p1 $0x1  }
0x15: {  	[smem:$0x3FB1] =	sst s0;
	s0 =	simm.s32 @!p2 $0x0  }
0x16: {  	s3 =	sld [smem:$0x3FDB];
	s0 =	simm.s32 @p2 $0x1  }
0x17: {  	s4 =	simm.s32 $0x1BF5;
	[smem:$0x3FB3] =	sst s0  }
0x18: {  	s0 =	sld [smem:$0x3F96];
	_ =	swait.ge [sflag:s4], $0x0  }
0x19: {  	s7 =	sld [smem:$0x3F97]  }
0x1a: {  	s8 =	sadd.s32 $0xFFFFE003, lr  }
0x1b: {  	s9 =	sadd.s32 $0xFFFFFEF7, lr;
	s5 =	simm.s32 $0xFFFFFFFF;
	p2 =	slt.u32 s8, $0xFFFFF086  }
0x1c: {  	p1 =	slt.u32 s9, $0xF7A;
	s5 =	simm.s32 @!p2 $0x0  }
0x1d: {  	s5 =	simm.s32 @p1 $0x1;
	p0 =	seq.s32 s7, s2  }
0x1e: {  	s7 =	smul.u32 @!p0 $0xF7A, s2;
	p2 =	seq.s32 @!p0 s5, $0x0  }
0x1f: {  	s9 =	smul.u32 $0xF7A, s1;
	s8 =	simm.s32 @!p0 $0x1BF5;
	p2 =	por !p2, p0  }
0x20: {  	[sflag:s8] =	ssyncset.s32 @!p0 $0xFFFFF086;
	s6 =	sadd.s32 @!p0 s3, s7;
	s7 =	simm.s32 @!p0 $0x108  }
0x21: {  	s3 =	sadd.s32 s3, s9;
	s6 =	sadd.s32 @!p0 $0x88, s6;
	s7 =	simm.s32 @p2 $0x1082  }
0x22: {  	[simem:s7], [sflag:s8] =	dma.local @!p0 [hbm:s6], $0xF7A  }
0x23: {  	s9 =	sor.u32 $0xD0000000, s2;
	s6 =	simm.s32 $0x108;
	_ =	swait.ge @!p0 [sflag:s8], $0x0  }
0x24: {  	s3 =	sadd.s32 $0x88, s3;
	s6 =	simm.s32 @!p1 $0x1082;
	[sflag:s4] =	ssyncset.s32 $0xFFFFF086  }
0x25: {  	[simem:s6], [sflag:s4] =	dma.local [hbm:s3], $0xF7A  }
0x26: {  	[smem:$0x3F97] =	sst s1;
	(tag) =	ssettag s2;
	_ =	strace s9  }
0x27: {  	s1 =	sld [smem:$0x3FA7]  }
0x28: {  	s2 =	sld [smem:$0x3FA8]  }
0x29: {  	s4 =	sld [smem:$0x3FAA]  }
0x2a: {  	p0 =	seq.s32 s5, $0x0;
	s5 =	sld [smem:$0x3FAB]  }
0x2b: {  	s6 =	sld [smem:$0x3FAC]  }
0x2c: {  	s7 =	sld [smem:$0x3FAD]  }
0x2d: {  	s3 =	simm.s32 $0x108;
	s8 =	sld [smem:$0x3FAE]  }
0x2e: {  	s3 =	simm.s32 @!p0 $0x1082;
	s9 =	sld [smem:$0x3FAF]  }
0x2f: {  	lr =	sadd.s32 s0, s3;
	s0 =	sld [smem:$0x3FA6]  }
0x30: {  	s3 =	sld [smem:$0x3FA9]  }
0x31: {  	[smem:$0x3FB2] =	sst s10  }
0x32: {  	s10 =	sld [smem:$0x3FB0];
	_ =	sdelay $0x3  }
0x33: {  	p0 =	seq.s32 s10, $0x1;
	s10 =	sld [smem:$0x3FB2];
	_ =	sdelay $0x3  }
0x34: {  	[smem:$0x3FB2] =	sst s10  }
0x35: {  	s10 =	sld [smem:$0x3FB1];
	_ =	sdelay $0x3  }
0x36: {  	p1 =	seq.s32 s10, $0x1;
	s10 =	sld [smem:$0x3FB2];
	_ =	sdelay $0x3  }
0x37: {  	[smem:$0x3FB2] =	sst s10  }
0x38: {  	s10 =	sld [smem:$0x3FB3]  }
0x39: {  	_ = 	snop;
	(pc) =	sbr.ind lr, $3  }
0x3a: {  	_ = 	snop  }
0x3b: {  	_ = 	snop  }
0x3c: {  	p2 =	seq.s32 s10, $0x1;
	s10 =	sld [smem:$0x3FB2]  }
0x3d: {  	_ =	shalt  }
0x3e: {  	_ =	shalt  }
0x3f: {  	_ =	shalt  }
0x40: {  	_ =	shalt  }
0x41: {  	_ =	shalt  }
0x42: {  	_ =	shalt  }
0x43: {  	_ =	shalt  }
0x44: {  	_ =	shalt  }
0x45: {  	_ =	shalt  }
0x46: {  	_ =	shalt  }
0x47: {  	_ =	shalt  }
0x48: {  	_ =	shalt  }
0x49: {  	_ =	shalt  }
0x4a: {  	_ =	shalt  }
0x4b: {  	_ =	shalt  }
0x4c: {  	_ =	shalt  }
0x4d: {  	_ =	shalt  }
0x4e: {  	_ =	shalt  }
0x4f: {  	_ =	shalt  }
0x50: {  	_ =	shalt  }
0x51: {  	_ =	shalt  }
0x52: {  	_ =	shalt  }
0x53: {  	_ =	shalt  }
0x54: {  	_ =	shalt  }
0x55: {  	_ =	shalt  }
0x56: {  	_ =	shalt  }
0x57: {  	_ =	shalt  }
0x58: {  	_ =	shalt  }
0x59: {  	_ =	shalt  }
0x5a: {  	_ =	shalt  }
0x5b: {  	_ =	shalt  }
0x5c: {  	_ =	shalt  }
0x5d: {  	_ =	shalt  }
0x5e: {  	_ =	shalt  }
0x5f: {  	_ =	shalt  }
0x60: {  	_ =	shalt  }
0x61: {  	_ =	shalt  }
0x62: {  	_ =	shalt  }
0x63: {  	_ =	shalt  }
0x64: {  	_ =	shalt  }
0x65: {  	_ =	shalt  }
0x66: {  	_ =	shalt  }
0x67: {  	_ =	shalt  }
0x68: {  	_ =	shalt  }
0x69: {  	_ =	shalt  }
0x6a: {  	_ =	shalt  }
0x6b: {  	_ =	shalt  }
0x6c: {  	_ =	shalt  }
0x6d: {  	_ =	shalt  }
0x6e: {  	_ =	shalt  }
0x6f: {  	_ =	shalt  }
0x70: {  	_ =	shalt  }
0x71: {  	_ =	shalt  }
0x72: {  	_ =	shalt  }
0x73: {  	_ =	shalt  }
0x74: {  	_ =	shalt  }
0x75: {  	_ =	shalt  }
0x76: {  	_ =	shalt  }
0x77: {  	_ =	shalt  }
0x78: {  	_ =	shalt  }
0x79: {  	_ =	shalt  }
0x7a: {  	_ =	shalt  }
0x7b: {  	_ =	shalt  }
0x7c: {  	_ =	shalt  }
0x7d: {  	_ =	shalt  }
0x7e: {  	_ =	shalt  }
0x7f: {  	_ =	shalt  }
0x80: {  	_ =	shalt  }
0x81: {  	_ =	shalt  }
0x82: {  	_ =	shalt  }
0x83: {  	_ =	shalt  }
0x84: {  	_ =	shalt  }
0x85: {  	_ =	shalt  }
0x86: {  	_ =	shalt  }
0x87: {  	_ =	shalt  }
.Lfunc_end0:
.L_simem_size_0:
called_computation.1_lowered:
.L_overlay_start_0:
0x88: {  	s2 =	sld [smem:$0x3FD9]  }
0x89: {  	s3 =	sld [smem:$0x3FFE];
	_ =	sdelay $0x1  }
0x8a: {  	s1 =	srdreg.scid  }
0x8b: {  	s0 =	sand.u32 $0x1, s1  }
0x8c: {  	s16 =	sshll.u32 s0, $0xA;
	s2 =	sadd.s32 s3, s2  }
0x8d: {  	s2 =	sadd.s32 s2, s16  }
0x8e: {  	[smem:$0x3FBE] =	sst s2  }
0x8f: {  	_ = 	snop  }
0x90: {  	(tm) =	ssettm $0x1  }
0x91: {  	s17 =	sld [smem:$0x3FFB];
	_ =	sdelay $0x3  }
0x92: {  	_ =	strace s17  }
0x93: {  	s2 =	sld [smem:$0x3FFC];
	_ =	sdelay $0x3  }
0x94: {  	_ =	strace s2  }
0x95: {  	s2 =	sld [smem:$0x3FFD];
	_ =	sdelay $0x3  }
0x96: {  	_ =	strace s2  }
0x97: {  	_ =	strace $0x8FFFFFFF  }
0x98: {  	s18 =	sld [smem:$0x3FDB];
	_ =	sdelay $0x1  }
0x99: {  	s19 =	simm.s32 $_scs_section_size  }
0x9a: {  	s4 =	simm.s32 $_size__tile_overlayer_lowered;
	s5 =	simm.s32 $_tile_overlayer_lowered  }
0x9b: {  	s22 =	simm.s32 $0x1BFF;
	s21 =	sshll.u32 s5, $0x1;
	s2 =	sadd.s32 s19, s18  }
0x9c: {  	s6 =	simm.s32 $0x0;
	s20 =	sshll.u32 s4, $0x1;
	s4 =	sadd.s32 s21, s2  }
0x9d: {  	[timem:s6], [sflag:s22] =	dma.local [hbm:s4], s20  }
0x9e: {  	_ =	swait.ge [sflag:s22], s20  }
0x9f: {  	s3 =	ssub.s32 $0x0, s20;
	[sflag:s22] =	ssyncset.done $0x0  }
0xa0: {  	[sflag:s22] =	ssyncadd.s32 s3;
	_ =	sdelay $0x1  }
0xa1: {  	s23 =	simm.s32 $0x1B8B  }
0xa2: {  	_ =	swait.ge [sflag:s23], $0x1  }
0xa3: {  	[sflag:s23] =	ssyncset.done $0x0  }
0xa4: {  	s25 =	simm.s32 $0x1B8E;
	s24 =	sld [smem:$0x3FFE];
	[sflag:s23] =	ssyncadd.s32 $0xFFFFFFFF  }
0xa5: {  	s26 =	simm.s32 $execute0_lowered;
	[smem:$0x3FD2] =	sst s25  }
0xa6: {  	s4 =	sshll.u32 s26, $0x1;
	_ =	strace $0x80000049;
	[dreg:$0x1] =	wrdreg $0xFFFFFFFF  }
0xa7: {  	s28 =	simm.s32 $_size_execute0_lowered;
	s2 =	sadd.s32 s2, s4;
	[dreg:$0x0] =	wrdreg $0x0  }
0xa8: {  	s4 =	sshll.u32 s28, $0x1;
	[dreg:$0x2] =	wrdreg s2  }
0xa9: {  	[dreg:$0x3] =	wrdreg s4  }
0xaa: {  	[dreg:$0x4] =	wrdreg $0xC0  }
0xab: {  	_ =	task [dreg:s6], $0x5FFFF  }
0xac: {  	[dreg:$0x1] =	wrdreg $0xFFFFFFFF  }
0xad: {  	[dreg:$0x0] =	wrdreg $0x60  }
0xae: {  	[dreg:$0x2] =	wrdreg s24  }
0xaf: {  	[dreg:$0x3] =	wrdreg $0x90000  }
0xb0: {  	[dreg:$0x4] =	wrdreg $0x9  }
0xb1: {  	_ =	task.clear_ibuf [dreg:s6], $0x5FFFF;
	_ =	strace $0x90000049  }
0xb2: {  	s29 =	simm.s32 $0x9;
	_ =	strace $0x8000004B  }
0xb3: {  	_ =	swait.ge [sflag:s29], $0x1  }
0xb4: {  	[sflag:s29] =	ssyncadd.s32 $0xFFFFFFFF  }
0xb5: {  	_ =	strace $0x9000004B  }
0xb6: {  	_ =	sfence  }
0xb7: {  	s30 =	sld [smem:$0x0];
	_ =	sdelay $0x2  }
0xb8: {  	s31 =	sshll.u32 s1, $0xD;
	s1 =	sshrl.u32 s1, $0x2  }
0xb9: {  	s3 =	sand.u32 $0x4000, s31;
	s1 =	sadd.s32 s1, s30  }
0xba: {  	s0 =	sor.u32 s3, s0;
	s1 =	sshll.u32 s1, $0x11  }
0xbb: {  	s0 =	sor.u32 s1, s0  }
0xbc: {  	s0 =	sadd.s32 $0x8F2B, s0  }
0xbd: {  	[sflag:s0] =	ssyncadd.remote.s32 $0x1  }
0xbe: {  	_ =	sfence.sel $0xFFFF  }
0xbf: {  	[dreg:$0x0] =	wrdreg $0xFFFFFFFF;
	(pc) =	sbr.abs _section_cstart, $3  }
0xc0: {  	[dreg:$0x1] =	wrdreg $0xFFFFFFFF  }
0xc1: {  	_ =	task.clear_ibuf [dreg:s6], $0x2FFFF;
	_ =	strace $0x9FFFFFFF  }
0xc2: {  	(tm) =	ssettm $0x7FFFFFFF  }
0xc3: {  	_ =	shalt  }
tec
execute0_lowered:
.L_overlay_start_1:
0x0: {  	(tag) =	ssettag $0x1  }
0x1: {  	s0 =	rddreg [dreg:$0x0]  }
0x2: {  	s1 =	rddreg [dreg:$0x1];
	s3 =	simm.s32 $0x0  }
0x3: {  	s2 =	stileid.u32;
	s4 =	srdreg.scid;
	s18 =	simm.s32 $0x80  }
0x4: {  	s19 =	simm.s32 $0x1000;
	s20 =	simm.s32 $0x5000;
	s21 =	simm.s32 $0x400  }
0x5: {  	s22 =	simm.s32 $0xC00;
	[smem:$0x7FF] =	sst s3;
	s12 =	sadd.s32 $0x1A00, s0  }
0x6: {  	s5 =	smul.u32 $0x2800, s2;
	s6 =	sand.u32 $0x1, s4;
	s23 =	sshll.u32 s2, $0x1  }
0x7: {  	s13 =	sadd.s32 $0xBA00, s0;
	s4 =	sadd.s32 $0x3DA00, s0;
	s10 =	smul.u32 $0x50000, s2  }
0x8: {  	s11 =	smul.u32 $0x14, s2;
	s31 =	sshll.u32 s2, $0x6;
	_ =	strace $0x8000004A  }
0x9: {  	s7 =	smul.u32 $0x28000, s6;
	s8 =	sor.u32 s6, s23;
	s24 =	ssub.s32 $0x2, s6  }
0xa: {  	s28 =	smul.u32 $0xA, s6;
	s16 =	sor.u32 $0x1C04, s31;
	s23 =	simm.s32 $0x1  }
0xb: {  	s9 =	sadd.s32 s5, s0;
	s8 =	smul.u32 $0x500, s8;
	s25 =	sshrl.u32 s24, $0x1  }
0xc: {  	s26 =	sshrl.u32 s10, $0x2;
	s5 =	sadd.s32 s5, s7;
	s14 =	ssub.s32 s24, s25  }
0xd: {  	s17 =	sadd.s32 s26, s1;
	s7 =	sadd.s32 $0x15A00, s9;
	s10 =	sadd.s32 s28, s11  }
0xe: {  	s24 =	simm.s32 $0x2;
	s25 =	simm.s32 $0x0;
	s0 =	sadd.s32 s5, s0  }
.Ltmp0:
0xf: {  	s5 =	sadd.s32 s12, s8;
	s6 =	sadd.s32 s13, s8;
	(pc) =	sbr.rel .LBB2_1-.Ltmp0, $4  }
0x10: {  	s29 =	sor.u32 $0x80, s8;
	s15 =	sshll.u32 s10, $0x7;
	s11 =	smax.u32 s14, $0x1  }
0x11: {  	s14 =	simm.s32 $0x4;
	s17 =	sshrl.u32 s17, $0x3;
	s8 =	sadd.s32 s12, s29  }
0x12: {  	s9 =	sadd.s32 s13, s29;
	s10 =	sadd.s32 $0x65A00, s0;
	s30 =	sadd.s32 $0x100, s15  }
0x13: {  	s15 =	simm.s32 $0x800;
	s12 =	sadd.s32 s30, s12;
	s13 =	sadd.s32 s30, s13  }
.LBB2_3:
0x14: {  	_ =	swait.ge [sflag:s24], $0x4000  }
0x15: {  	[sflag:s24] =	ssyncset.done $0x0  }
0x16: {  	s0 =	sor.u32 $0x800, s0;
	[sflag:s24] =	ssyncadd.s32 $0xFFFFC000  }
0x17: {  	[spmem:s1] =	stream.indirect.scatter.add.f32 [tilespmem:s20], [sflag:$0x4], $0x80, s0, s18, $0xb8;
	[tilespmem:$0x1D000] =	vst v63  }
0x18: {  	_ =	swait.ge [sflag:s14], $0x4000  }
0x19: {  	[sflag:s14] =	ssyncset.done $0x0  }
0x1a: {  	[sflag:s14] =	ssyncadd.s32 $0xFFFFC000  }
.LBB2_5:
0x1b: {  	s25 =	sadd.s32 $0x1, s25  }
0x1c: {  	p0 =	sne.s32 s25, s11  }
.Ltmp1:
0x1d: {  	[bflag:$0x0] =	sbarrier.arrive $0xFFFF;
	(pc) =	sbr.rel @!p0 .LBB2_6-.Ltmp1, $4  }
0x1e: {  	[hbm:s10], [sflag:s16] =	dma.local [spmem:s17], $0x2800  }
0x1f: {  	_ =	swait.ge [sflag:s14], $0x2800  }
0x20: {  	[sflag:s14] =	ssyncset.done $0x0  }
0x21: {  	[sflag:s14] =	ssyncadd.s32 $0xFFFFD800  }
.LBB2_1:
0x22: {  	[tilespmem:s3], [sflag:$0x4] =	stream.linear.gather [hbm4b:s5+s3], $0x400, $0x38;
	[tilespmem:$0x1D000] =	vst v63  }
0x23: {  	_ =	swait.ge [sflag:s14], $0x400  }
0x24: {  	[sflag:s14] =	ssyncset.done $0x0  }
0x25: {  	[sflag:s14] =	ssyncadd.s32 $0xFFFFFC00  }
0x26: {  	[tilespmem:s15], [sflag:$0x4] =	stream.linear.gather [hbm4b:s6+s3], $0x400, $0x38;
	[tilespmem:$0x1D000] =	vst v63  }
0x27: {  	_ =	swait.ge [sflag:s14], $0x400  }
0x28: {  	[sflag:s14] =	ssyncset.done $0x0  }
0x29: {  	[sflag:s14] =	ssyncadd.s32 $0xFFFFFC00  }
0x2a: {  	[spmem:s17], [sflag:s16] =	dma.local [hbm:s7], $0x2800  }
0x2b: {  	_ =	swait.ge [sflag:s14], $0x2800  }
0x2c: {  	[sflag:s14] =	ssyncset.done $0x0  }
0x2d: {  	[sflag:s14] =	ssyncadd.s32 $0xFFFFD800  }
0x2e: {  	[bflag:$0x0] =	sbarrier.arrive $0xFFFF  }
0x2f: {  	[tilespmem:s19], [sflag:$0x1] =	stream.indirect.gather [hbm4b:s4+s18], $0x80, s3, s18, $0xb8;
	[tilespmem:$0x1D000] =	vst v63  }
0x30: {  	_ = 	snop  }
0x31: {  	[tilespmem:s20], [sflag:$0x2] =	stream.indirect.gather [hbm4b:s4+s18], $0x80, s18, s18, $0xb8;
	[tilespmem:$0x1D000] =	vst v63  }
0x32: {  	_ = 	snop  }
0x33: {  	[tilespmem:s21], [sflag:$0x3] =	stream.linear.gather [hbm4b:s8+s3], $0x400, $0x38;
	[tilespmem:$0x1D000] =	vst v63  }
0x34: {  	s26 =	smov.u32 s13;
	s28 =	smov.u32 s12;
	s29 =	simm.s32 $0x0  }
0x35: {  	[tilespmem:s22], [sflag:$0x3] =	stream.linear.gather [hbm4b:s9+s3], $0x400, $0x38;
	[tilespmem:$0x1D000] =	vst v63  }
.LBB2_2:
0x36: {  	p0 =	seq.s32 s29, $0x9  }
0x37: {  	s0 =	simm.s32 @!p0 $0x3  }
0x38: {  	_ =	swait.ge @!p0 [sflag:s0], $0x400  }
0x39: {  	[sflag:s0] =	ssyncset.done @!p0 $0x0  }
0x3a: {  	[sflag:s0] =	ssyncadd.s32 @!p0 $0xFFFFFC00  }
0x3b: {  	_ =	swait.ge @!p0 [sflag:s0], $0x400  }
0x3c: {  	[sflag:s0] =	ssyncset.done @!p0 $0x0  }
0x3d: {  	[sflag:s0] =	ssyncadd.s32 @!p0 $0xFFFFFC00  }
0x3e: {  	s2 =	sand.u32 $0x1, s29;
	_ =	swait.ge [sflag:s23], $0x4000  }
0x3f: {  	s30 =	sshll.u32 s2, $0xA;
	[sflag:s23] =	ssyncset.done $0x0  }
0x40: {  	s31 =	sor.u32 $0x800, s30;
	[sflag:s23] =	ssyncadd.s32 $0xFFFFC000  }
0x41: {  	[spmem:s1] =	stream.indirect.scatter.add.f32 [tilespmem:s19], [sflag:$0x4], $0x80, s31, s18, $0xb8;
	[tilespmem:$0x1D000] =	vst v63  }
0x42: {  	_ =	swait.ge [sflag:s14], $0x4000  }
0x43: {  	[sflag:s14] =	ssyncset.done $0x0  }
0x44: {  	s0 =	sor.u32 $0x100, s30;
	[sflag:s14] =	ssyncadd.s32 $0xFFFFC000  }
0x45: {  	[tilespmem:s19], [sflag:$0x1] =	stream.indirect.gather [hbm4b:s4+s18], $0x80, s0, s18, $0xb8;
	[tilespmem:$0x1D000] =	vst v63  }
0x46: {  	_ =	swait.ge [sflag:s24], $0x4000  }
0x47: {  	[sflag:s24] =	ssyncset.done $0x0  }
0x48: {  	s2 =	sor.u32 $0x880, s30;
	[sflag:s24] =	ssyncadd.s32 $0xFFFFC000  }
0x49: {  	[spmem:s1] =	stream.indirect.scatter.add.f32 [tilespmem:s20], [sflag:$0x4], $0x80, s2, s18, $0xb8;
	[tilespmem:$0x1D000] =	vst v63  }
0x4a: {  	_ =	swait.ge [sflag:s14], $0x4000  }
0x4b: {  	[sflag:s14] =	ssyncset.done $0x0  }
0x4c: {  	s2 =	sor.u32 $0x180, s30;
	[sflag:s14] =	ssyncadd.s32 $0xFFFFC000  }
0x4d: {  	[tilespmem:s20], [sflag:$0x2] =	stream.indirect.gather [hbm4b:s4+s18], $0x80, s2, s18, $0xb8;
	[tilespmem:$0x1D000] =	vst v63  }
0x4e: {  	_ =	swait.ge [sflag:s23], $0x4000  }
0x4f: {  	[sflag:s23] =	ssyncset.done $0x0  }
0x50: {  	s2 =	sor.u32 $0x900, s30;
	[sflag:s23] =	ssyncadd.s32 $0xFFFFC000  }
0x51: {  	[spmem:s1] =	stream.indirect.scatter.add.f32 [tilespmem:s19], [sflag:$0x4], $0x80, s2, s18, $0xb8;
	[tilespmem:$0x1D000] =	vst v63  }
0x52: {  	_ =	swait.ge [sflag:s14], $0x4000  }
0x53: {  	[sflag:s14] =	ssyncset.done $0x0  }
0x54: {  	s2 =	sor.u32 $0x200, s30;
	[sflag:s14] =	ssyncadd.s32 $0xFFFFC000  }
0x55: {  	[tilespmem:s19], [sflag:$0x1] =	stream.indirect.gather [hbm4b:s4+s18], $0x80, s2, s18, $0xb8;
	[tilespmem:$0x1D000] =	vst v63  }
0x56: {  	_ =	swait.ge [sflag:s24], $0x4000  }
0x57: {  	[sflag:s24] =	ssyncset.done $0x0  }
0x58: {  	s2 =	sor.u32 $0x980, s30;
	[sflag:s24] =	ssyncadd.s32 $0xFFFFC000  }
0x59: {  	[spmem:s1] =	stream.indirect.scatter.add.f32 [tilespmem:s20], [sflag:$0x4], $0x80, s2, s18, $0xb8;
	[tilespmem:$0x1D000] =	vst v63  }
0x5a: {  	_ =	swait.ge [sflag:s14], $0x4000  }
0x5b: {  	[sflag:s14] =	ssyncset.done $0x0  }
0x5c: {  	s2 =	sor.u32 $0x280, s30;
	[sflag:s14] =	ssyncadd.s32 $0xFFFFC000  }
0x5d: {  	[tilespmem:s20], [sflag:$0x2] =	stream.indirect.gather [hbm4b:s4+s18], $0x80, s2, s18, $0xb8;
	[tilespmem:$0x1D000] =	vst v63  }
0x5e: {  	_ =	swait.ge [sflag:s23], $0x4000  }
0x5f: {  	[sflag:s23] =	ssyncset.done $0x0  }
0x60: {  	s2 =	sor.u32 $0xA00, s30;
	[sflag:s23] =	ssyncadd.s32 $0xFFFFC000  }
0x61: {  	[spmem:s1] =	stream.indirect.scatter.add.f32 [tilespmem:s19], [sflag:$0x4], $0x80, s2, s18, $0xb8;
	[tilespmem:$0x1D000] =	vst v63  }
0x62: {  	_ =	swait.ge [sflag:s14], $0x4000  }
0x63: {  	[sflag:s14] =	ssyncset.done $0x0  }
0x64: {  	s2 =	sor.u32 $0x300, s30;
	[sflag:s14] =	ssyncadd.s32 $0xFFFFC000  }
0x65: {  	[tilespmem:s19], [sflag:$0x1] =	stream.indirect.gather [hbm4b:s4+s18], $0x80, s2, s18, $0xb8;
	[tilespmem:$0x1D000] =	vst v63  }
0x66: {  	_ =	swait.ge [sflag:s24], $0x4000  }
0x67: {  	[sflag:s24] =	ssyncset.done $0x0  }
0x68: {  	s2 =	sor.u32 $0xA80, s30;
	[sflag:s24] =	ssyncadd.s32 $0xFFFFC000  }
0x69: {  	[spmem:s1] =	stream.indirect.scatter.add.f32 [tilespmem:s20], [sflag:$0x4], $0x80, s2, s18, $0xb8;
	[tilespmem:$0x1D000] =	vst v63  }
0x6a: {  	_ =	swait.ge [sflag:s14], $0x4000  }
0x6b: {  	[sflag:s14] =	ssyncset.done $0x0  }
0x6c: {  	s0 =	sor.u32 $0x380, s30;
	[sflag:s14] =	ssyncadd.s32 $0xFFFFC000  }
0x6d: {  	[tilespmem:s20], [sflag:$0x2] =	stream.indirect.gather [hbm4b:s4+s18], $0x80, s0, s18, $0xb8;
	[tilespmem:$0x1D000] =	vst v63  }
0x6e: {  	_ =	swait.ge [sflag:s23], $0x4000  }
0x6f: {  	p0 =	sne.s32 s29, $0x9;
	[sflag:s23] =	ssyncset.done $0x0  }
.Ltmp2:
0x70: {  	s2 =	sor.u32 $0xB00, s30;
	[sflag:s23] =	ssyncadd.s32 $0xFFFFC000;
	(pc) =	sbr.rel @!p0 .LBB2_3-.Ltmp2, $4  }
0x71: {  	[spmem:s1] =	stream.indirect.scatter.add.f32 [tilespmem:s19], [sflag:$0x4], $0x80, s2, s18, $0xb8;
	[tilespmem:$0x1D000] =	vst v63  }
0x72: {  	_ =	swait.ge [sflag:s14], $0x4000  }
0x73: {  	[sflag:s14] =	ssyncset.done $0x0  }
0x74: {  	[sflag:s14] =	ssyncadd.s32 $0xFFFFC000  }
0x75: {  	s2 =	sxor.u32 $0x400, s30  }
0x76: {  	[tilespmem:s19], [sflag:$0x1] =	stream.indirect.gather [hbm4b:s4+s18], $0x80, s2, s18, $0xb8;
	[tilespmem:$0x1D000] =	vst v63  }
0x77: {  	_ =	swait.ge [sflag:s24], $0x4000  }
0x78: {  	[sflag:s24] =	ssyncset.done $0x0  }
0x79: {  	s0 =	sor.u32 $0x800, s0;
	[sflag:s24] =	ssyncadd.s32 $0xFFFFC000  }
0x7a: {  	[spmem:s1] =	stream.indirect.scatter.add.f32 [tilespmem:s20], [sflag:$0x4], $0x80, s0, s18, $0xb8;
	[tilespmem:$0x1D000] =	vst v63  }
0x7b: {  	_ =	swait.ge [sflag:s14], $0x4000  }
0x7c: {  	[sflag:s14] =	ssyncset.done $0x0  }
0x7d: {  	p0 =	sgt.u32 s29, $0x7;
	s2 =	sor.u32 $0x80, s2;
	[sflag:s14] =	ssyncadd.s32 $0xFFFFC000  }
0x7e: {  	[tilespmem:s20], [sflag:$0x2] =	stream.indirect.gather [hbm4b:s4+s18], $0x80, s2, s18, $0xb8;
	[tilespmem:$0x1D000] =	vst v63  }
0x7f: {  	s0 =	simm.s32 @!p0 $0x0  }
0x80: {  	[tilespmem:s30], [sflag:$0x3] =	stream.linear.gather @!p0 [hbm4b:s28+s0], $0x400, $0x38;
	[tilespmem:$0x1D000] =	vst v63  }
0x81: {  	s29 =	sadd.s32 $0x1, s29  }
0x82: {  	[tilespmem:s31], [sflag:$0x3] =	stream.linear.gather @!p0 [hbm4b:s26+s0], $0x400, $0x38;
	[tilespmem:$0x1D000] =	vst v63  }
0x83: {  	p0 =	sne.s32 s29, $0xA  }
.Ltmp3:
0x84: {  	_ = 	snop;
	(pc) =	sbr.rel @p0 .LBB2_2-.Ltmp3, $4  }
.Ltmp4:
0x85: {  	_ = 	snop;
	(pc) =	sbr.rel @!p0 .LBB2_5-.Ltmp4, $4  }
0x86: {  	_ = 	snop  }
0x87: {  	_ = 	snop  }
0x88: {  	s28 =	sadd.s32 $0x80, s28;
	s26 =	sadd.s32 $0x80, s26  }
0x89: {  	_ = 	snop  }
.LBB2_6:
0x8a: {  	_ =	sfence.sel $0x180000  }
0x8b: {  	[bflag:$0x0] =	sbarrier.arrive $0xFFFF  }
0x8c: {  	_ =	strace $0x9000004A  }
0x8d: {  	s0 =	stileid.u32;
	[bflag:$0x2] =	sbarrier.arrive $0xFFFF  }
0x8e: {  	p0 =	sne.s32 s0, $0x0;
	s0 =	rddreg [dreg:$0x2]  }
0x8f: {  	s0 =	sadd.s32 @!p0 $0x100000, s0  }
0x90: {  	[sflag:s0] =	ssyncadd.tile.s32 @!p0 $0x1;
	_ =	shalt  }
.Lfunc_end2:
_tile_overlayer_lowered:
.L_overlay_start_2:
0x91: {  	(tag) =	ssettag $0x2  }
0x92: {  	s0 =	rddreg [dreg:$0x0];
	s2 =	stileid.u32  }
0x93: {  	s1 =	rddreg [dreg:$0x1];
	p0 =	sne.s32 s2, $0x0  }
0x94: {  	s3 =	rddreg [dreg:$0x2];
	[bflag:$0x3] =	sbarrier.arrive $0xFFFF;
	s2 =	simm.s32 @!p0 $0x1C04  }
0x95: {  	[timem:s3], [sflag:s2] =	dma.local @!p0 [hbm:s0], s1  }
0x96: {  	s0 =	simm.s32 @!p0 $0x4  }
0x97: {  	_ =	swait.ge @!p0 [sflag:s0], s1  }
0x98: {  	s1 =	ssub.s32 @!p0 $0x0, s1;
	[sflag:s0] =	ssyncset.done @!p0 $0x0  }
0x99: {  	[sflag:s0] =	ssyncadd.s32 @!p0 s1  }
0x9a: {  	[bflag:$0x3] =	sbarrier.arrive $0xFFFF  }
0x9b: {  	_ =	shalt  }

</sc_bundles>
